<compile_context>
chip_gen: v7x
topology: tpu7x:2x2x1
jax: 0.10.2.dev20260603
libtpu: 0.0.44.dev20260713+nightly
codegen_flags: <defaults>
</compile_context>

<pallas_src>
import functools

import jax
import jax.numpy as jnp
from jax import lax
from jax.experimental import pallas as pl
from jax.experimental.pallas import tpu as pltpu
from jax.experimental.pallas import tpu_sc as plsc

N = 4
C = 96
H = 224
W = 224
HW = H * W
NCH = 98
NGROUP = 49
NUNITS = N * NGROUP
NW = 32
LANES = 16
CHUNK = 896
NCHUNK = HW // CHUNK
NPAIR = NCHUNK // 2
NGRP = 48
REG_ROUNDS = (N * NGRP) // NW


def _prep_body(flow_ref, z_ref, idx_ref, wz_ref):
    fl = flow_ref[0]
    gx = lax.broadcasted_iota(jnp.int32, (H, W), 1).astype(jnp.float32)
    gy = lax.broadcasted_iota(jnp.int32, (H, W), 0).astype(jnp.float32)
    fx = gx + fl[0]
    fy = gy + fl[1]
    finite = jnp.isfinite(fx) & jnp.isfinite(fy)
    zero = jnp.zeros((H, W), jnp.float32)
    sfx = jnp.where(finite, fx, zero)
    sfy = jnp.where(finite, fy, zero)
    x0 = jnp.floor(sfx)
    y0 = jnp.floor(sfy)
    x1 = x0 + 1.0
    y1 = y0 + 1.0
    x0l = x0.astype(jnp.int32)
    y0l = y0.astype(jnp.int32)
    x1l = x1.astype(jnp.int32)
    y1l = y1.astype(jnp.int32)
    wx0 = x1 - sfx
    wx1 = sfx - x0
    wy0 = y1 - sfy
    wy1 = sfy - y0
    vx0 = (x0l >= 0) & (x0l < W)
    vx1 = (x1l >= 0) & (x1l < W)
    vy0 = (y0l >= 0) & (y0l < H)
    vy1 = (y1l >= 0) & (y1l < H)
    x0c = jnp.clip(x0l, 0, W - 1)
    x1c = jnp.clip(x1l, 0, W - 1)
    y0c = jnp.clip(y0l, 0, H - 1)
    y1c = jnp.clip(y1l, 0, H - 1)
    ez = jnp.exp(z_ref[0, 0])

    def emit(k, yc, xc, wgt, valid):
        idx_ref[0, k] = yc * W + xc
        wz_ref[0, k] = jnp.where(finite & valid, wgt * ez, zero)

    emit(0, y0c, x0c, wx0 * wy0, vx0 & vy0)
    emit(1, y0c, x1c, wx1 * wy0, vx1 & vy0)
    emit(2, y1c, x0c, wx0 * wy1, vx0 & vy1)
    emit(3, y1c, x1c, wx1 * wy1, vx1 & vy1)


_prep = pl.pallas_call(
    _prep_body,
    grid=(N,),
    in_specs=[
        pl.BlockSpec((1, 2, H, W), lambda b: (b, 0, 0, 0)),
        pl.BlockSpec((1, 1, H, W), lambda b: (b, 0, 0, 0)),
    ],
    out_specs=[
        pl.BlockSpec((1, 4, H, W), lambda b: (b, 0, 0, 0)),
        pl.BlockSpec((1, 4, H, W), lambda b: (b, 0, 0, 0)),
    ],
    out_shape=[
        jax.ShapeDtypeStruct((N, 4, H, W), jnp.int32),
        jax.ShapeDtypeStruct((N, 4, H, W), jnp.float32),
    ],
)


def _splat_body(idx_hbm, wz_hbm, img_hbm, out_hbm, acc,
                ib0, wb0, fb0, ib1, wb1, fb1, sem0, sem1):
    wid = lax.axis_index("s") * 2 + lax.axis_index("c")

    def zero_acc():
        def zero_body(i, _):
            base = i * (32 * LANES)
            for j in range(32):
                acc[pl.ds(base + j * LANES, LANES)] = jnp.zeros(
                    (LANES,), jnp.float32)
            return _

        lax.fori_loop(0, (2 * HW) // (32 * LANES), zero_body, None)

    def process(b, c0, is_norm):
        def fire(ci, ib, wb, fb, sem):
            pltpu.async_copy(idx_hbm.at[b, ci], ib, sem)
            pltpu.async_copy(wz_hbm.at[b, ci], wb, sem)
            if not is_norm:
                p0 = ci * CHUNK
                pltpu.async_copy(
                    img_hbm.at[b, c0, pl.ds(p0, CHUNK)], fb.at[0], sem)
                pltpu.async_copy(
                    img_hbm.at[b, c0 + 1, pl.ds(p0, CHUNK)], fb.at[1], sem)

        def wait_slot(ib, wb, fb, sem):
            pltpu.make_async_copy(idx_hbm.at[0, 0], ib, sem).wait()
            pltpu.make_async_copy(wz_hbm.at[0, 0], wb, sem).wait()
            if not is_norm:
                pltpu.make_async_copy(
                    img_hbm.at[0, 0, pl.ds(0, CHUNK)], fb.at[0], sem).wait()
                pltpu.make_async_copy(
                    img_hbm.at[0, 0, pl.ds(0, CHUNK)], fb.at[1], sem).wait()

        def compute(ib, wb, fb):
            def substep(o):
                if is_norm:
                    for k in range(4):
                        iv = ib[k, pl.ds(o, LANES)]
                        wv = wb[k, pl.ds(o, LANES)]
                        plsc.addupdate_scatter(acc, [iv], wv)
                else:
                    f0 = fb[0, pl.ds(o, LANES)]
                    f1 = fb[1, pl.ds(o, LANES)]
                    for k in range(4):
                        iv = ib[k, pl.ds(o, LANES)]
                        wv = wb[k, pl.ds(o, LANES)]
                        plsc.addupdate_scatter(acc, [iv], wv * f0)
                        plsc.addupdate_scatter(acc, [iv + HW], wv * f1)

            def step(s, _):
                o = s * (2 * LANES)
                substep(o)
                substep(o + LANES)
                return _

            lax.fori_loop(0, CHUNK // (2 * LANES), step, None)

        fire(0, ib0, wb0, fb0, sem0)
        zero_acc()

        def pair_body(j, _):
            ci = 2 * j
            fire(ci + 1, ib1, wb1, fb1, sem1)
            wait_slot(ib0, wb0, fb0, sem0)
            compute(ib0, wb0, fb0)

            @pl.when(ci + 2 < NCHUNK)
            def _():
                fire(ci + 2, ib0, wb0, fb0, sem0)

            wait_slot(ib1, wb1, fb1, sem1)
            compute(ib1, wb1, fb1)
            return _

        lax.fori_loop(0, NPAIR, pair_body, None)
        pltpu.sync_copy(acc.at[pl.ds(0, HW)], out_hbm.at[b, c0])
        pltpu.sync_copy(acc.at[pl.ds(HW, HW)], out_hbm.at[b, c0 + 1])

    def reg_body(ui, _):
        rid = wid + ui * NW
        process(rid // NGRP, 2 * (rid % NGRP), False)
        return _

    lax.fori_loop(0, REG_ROUNDS, reg_body, None)

    @pl.when(wid >= NW - N)
    def _():
        process(wid - (NW - N), C, True)


@functools.cache
def _get_splat():
    return pl.kernel(
        _splat_body,
        out_type=jax.ShapeDtypeStruct((N, NCH, HW), jnp.float32),
        mesh=plsc.VectorSubcoreMesh(
            core_axis_name="c", subcore_axis_name="s",
            num_cores=2, num_subcores=16),
        scratch_types=[
            pltpu.VMEM((2 * HW,), jnp.float32),
            pltpu.VMEM((4, CHUNK), jnp.int32),
            pltpu.VMEM((4, CHUNK), jnp.float32),
            pltpu.VMEM((2, CHUNK), jnp.float32),
            pltpu.VMEM((4, CHUNK), jnp.int32),
            pltpu.VMEM((4, CHUNK), jnp.float32),
            pltpu.VMEM((2, CHUNK), jnp.float32),
            pltpu.SemaphoreType.DMA,
            pltpu.SemaphoreType.DMA,
        ],
        compiler_params=pltpu.CompilerParams(needs_layout_passes=False),
    )


CB = 16


def _norm_body(acc_ref, nrm_ref, o_ref):
    nv = nrm_ref[0, 0:1, :]
    d = jnp.where(nv == 0.0, jnp.ones_like(nv), nv)
    r = acc_ref[0] / d
    o_ref[0] = r.reshape(CB, H, W)


_norm = pl.pallas_call(
    _norm_body,
    grid=(N, C // CB),
    in_specs=[
        pl.BlockSpec((1, CB, HW), lambda b, c: (b, c, 0)),
        pl.BlockSpec((1, 8, HW), lambda b, c: (b, C // 8, 0)),
    ],
    out_specs=pl.BlockSpec((1, CB, H, W), lambda b, c: (b, c, 0, 0)),
    out_shape=jax.ShapeDtypeStruct((N, C, H, W), jnp.float32),
)


@jax.jit
def kernel(img, flow, z):
    idx, wz = _prep(flow, z)
    idxc = idx.reshape(N, 4, NCHUNK, CHUNK).transpose(0, 2, 1, 3)
    wzc = wz.reshape(N, 4, NCHUNK, CHUNK).transpose(0, 2, 1, 3)
    buf = _get_splat()(idxc, wzc, img.reshape(N, C, HW))
    return _norm(buf, buf)

# --- scband reference (transcript-rebuilt; emitter-appended) ---
"""Pipeline reference for scband-softsplat-35021163331685 (READ-ONLY COPY).

The authoritative reference and input builder live on the scoring server;
editing this copy changes nothing except your own understanding.
"""

import jax, jax.numpy as jnp
import numpy as np


def _softsplat_softmax(img, flow, z):
    metric_exp = jnp.exp(z)
    prepared = jnp.concatenate([img * metric_exp, metric_exp], axis=1)
    n, c, h, w = prepared.shape
    dtype = prepared.dtype
    gy, gx = jnp.meshgrid(jnp.arange(h, dtype=dtype), jnp.arange(w, dtype=dtype), indexing='ij')
    fx = gx[None, None, :, :] + flow[:, 0:1, :, :]
    fy = gy[None, None, :, :] + flow[:, 1:2, :, :]
    finite = jnp.isfinite(fx) & jnp.isfinite(fy)
    sfx = jnp.where(finite, fx, jnp.zeros_like(fx))
    sfy = jnp.where(finite, fy, jnp.zeros_like(fy))
    x0 = jnp.floor(sfx)
    y0 = jnp.floor(sfy)
    x1 = x0 + 1.0
    y1 = y0 + 1.0
    x0l = x0.astype(jnp.int32)
    y0l = y0.astype(jnp.int32)
    x1l = x1.astype(jnp.int32)
    y1l = y1.astype(jnp.int32)
    w00 = (x1 - sfx) * (y1 - sfy)
    w10 = (sfx - x0) * (y1 - sfy)
    w01 = (x1 - sfx) * (sfy - y0)
    w11 = (sfx - x0) * (sfy - y0)
    m00 = finite & (x0l >= 0) & (x0l < w) & (y0l >= 0) & (y0l < h)
    m10 = finite & (x1l >= 0) & (x1l < w) & (y0l >= 0) & (y0l < h)
    m01 = finite & (x0l >= 0) & (x0l < w) & (y1l >= 0) & (y1l < h)
    m11 = finite & (x1l >= 0) & (x1l < w) & (y1l >= 0) & (y1l < h)
    x0c = jnp.clip(x0l, 0, w - 1)
    y0c = jnp.clip(y0l, 0, h - 1)
    x1c = jnp.clip(x1l, 0, w - 1)
    y1c = jnp.clip(y1l, 0, h - 1)
    base = jnp.repeat(jnp.arange(n, dtype=jnp.int32) * (h * w), h * w)
    feats = prepared.transpose(0, 2, 3, 1).reshape(-1, c)
    idx00 = base + y0c.reshape(-1) * w + x0c.reshape(-1)
    idx10 = base + y0c.reshape(-1) * w + x1c.reshape(-1)
    idx01 = base + y1c.reshape(-1) * w + x0c.reshape(-1)
    idx11 = base + y1c.reshape(-1) * w + x1c.reshape(-1)
    w00f = (w00 * m00.astype(dtype)).reshape(-1, 1)
    w10f = (w10 * m10.astype(dtype)).reshape(-1, 1)
    w01f = (w01 * m01.astype(dtype)).reshape(-1, 1)
    w11f = (w11 * m11.astype(dtype)).reshape(-1, 1)
    indices = jnp.concatenate([idx00, idx10, idx01, idx11], axis=0)
    values = jnp.concatenate([feats * w00f, feats * w10f, feats * w01f, feats * w11f], axis=0)
    out = jnp.zeros((n * h * w, c), dtype=dtype).at[indices].add(values)
    out = out.reshape(n, h, w, c).transpose(0, 3, 1, 2)
    norm = out[:, -1:, :, :]
    norm = jnp.where(norm == 0.0, jnp.ones_like(norm), norm)
    return out[:, :-1, :, :] / norm


def setup_inputs(seed: int = 0) -> dict:
    key = jax.random.key(seed)
    k1, k2, k3 = jax.random.split(key, 3)
    img = jax.random.normal(k1, (4, 96, 224, 224), dtype=jnp.float32)
    flow = jax.random.normal(k2, (4, 2, 224, 224), dtype=jnp.float32)
    z = jax.random.normal(k3, (4, 1, 224, 224), dtype=jnp.float32)
    return {"img": img, "flow": flow, "z": z}


def reference(img, flow, z):
    return _softsplat_softmax(img, flow, z)

if __name__ == "__main__":
    import jax
    _d = setup_inputs()
    print(jax.jit(kernel)(*tuple(_d.values())))

</pallas_src>

<mosaic_0001>
#map = affine_map<(d0, d1) -> (0, 0, 0, 0)>
#map1 = affine_map<(d0, d1) -> (0, 0, 0)>
module attributes {stable_mosaic.version = 14 : i64} {
  func.func @_splat_body(%arg0: i32, %arg1: i32, %arg2: memref<4x56x4x896xi32, #tpu.memory_space<hbm>>, %arg3: memref<4x56x4x896xf32, #tpu.memory_space<hbm>>, %arg4: memref<4x96x50176xf32, #tpu.memory_space<hbm>>, %arg5: memref<4x98x50176xf32, #tpu.memory_space<hbm>>, %arg6: memref<100352xf32, #tpu.memory_space<vmem>>, %arg7: memref<4x896xi32, #tpu.memory_space<vmem>>, %arg8: memref<4x896xf32, #tpu.memory_space<vmem>>, %arg9: memref<2x896xf32, #tpu.memory_space<vmem>>, %arg10: memref<4x896xi32, #tpu.memory_space<vmem>>, %arg11: memref<4x896xf32, #tpu.memory_space<vmem>>, %arg12: memref<2x896xf32, #tpu.memory_space<vmem>>, %arg13: memref<!tpu.dma_semaphore, #tpu.memory_space<semaphore_mem>>, %arg14: memref<!tpu.dma_semaphore, #tpu.memory_space<semaphore_mem>>) attributes {dimension_semantics = [#tpu.dimension_semantics<core_parallel>, #tpu.dimension_semantics<subcore_parallel>], iteration_bounds = array<i64: 2, 16>, scalar_prefetch = 0 : i64, scratch_operands = 9 : i64, tpu.core_type = #tpu.core_type<sc_vector_subcore>, window_params = [{transform_indices = #map}, {transform_indices = #map}, {transform_indices = #map1}, {transform_indices = #map1}]} {
    %mul3A = arith.constant 2 : i32
    %mul3A_0 = arith.muli %arg1, %mul3A : i32
    %add3A = arith.addi %mul3A_0, %arg0 : i32
    %scan3A = arith.constant 0 : i32
    %scan3A_1 = arith.constant 6 : i32
    %scan3A_2 = arith.addi %scan3A, %scan3A_1 : i32
    %scan3A_3 = arith.constant 1 : i32
    scf.for %scan3A_7 = %scan3A to %scan3A_2 step %scan3A_3  : i32 {
      %mul3A_8 = arith.constant 32 : i32
      %mul3A_9 = arith.muli %scan3A_7, %mul3A_8 : i32
      %add3A_10 = arith.addi %add3A, %mul3A_9 : i32
      %jit3A = arith.constant 48 : i32
      %div3A = arith.divsi %add3A_10, %jit3A : i32
      %sign3A = arith.constant 0 : i32
      %sign3A_11 = arith.cmpi sgt, %add3A_10, %sign3A : i32
      %sign3A_12 = arith.extui %sign3A_11 : i1 to i32
      %sign3A_13 = arith.constant 0 : i32
      %sign3A_14 = arith.cmpi slt, %add3A_10, %sign3A_13 : i32
      %sign3A_15 = arith.extui %sign3A_14 : i1 to i32
      %sign3A_16 = arith.subi %sign3A_12, %sign3A_15 : i32
      %sign3A_17 = arith.constant 0 : i32
      %sign3A_18 = arith.cmpi sgt, %jit3A, %sign3A_17 : i32
      %sign3A_19 = arith.extui %sign3A_18 : i1 to i32
      %sign3A_20 = arith.constant 0 : i32
      %sign3A_21 = arith.cmpi slt, %jit3A, %sign3A_20 : i32
      %sign3A_22 = arith.extui %sign3A_21 : i1 to i32
      %sign3A_23 = arith.subi %sign3A_19, %sign3A_22 : i32
      %ne3A = arith.cmpi ne, %sign3A_16, %sign3A_23 : i32
      %rem3A = arith.remsi %add3A_10, %jit3A : i32
      %ne3A_24 = arith.constant 0 : i32
      %ne3A_25 = arith.cmpi ne, %rem3A, %ne3A_24 : i32
      %and3A = arith.andi %ne3A, %ne3A_25 : i1
      %sub3A = arith.constant 1 : i32
      %sub3A_26 = arith.subi %div3A, %sub3A : i32
      %select_n3A = arith.select %and3A, %sub3A_26, %div3A : i32
      %jit3A_27 = arith.constant 48 : i32
      %eq3A = arith.constant 0 : i32
      %eq3A_28 = arith.cmpi eq, %jit3A_27, %eq3A : i32
      %jit3A_29 = arith.constant 1 : i32
      %select_n3A_30 = arith.select %eq3A_28, %jit3A_29, %jit3A_27 : i32
      %rem3A_31 = arith.remsi %add3A_10, %select_n3A_30 : i32
      %ne3A_32 = arith.constant 0 : i32
      %ne3A_33 = arith.cmpi ne, %rem3A_31, %ne3A_32 : i32
      %lt3A = arith.constant 0 : i32
      %lt3A_34 = arith.cmpi slt, %rem3A_31, %lt3A : i32
      %lt3A_35 = arith.constant 0 : i32
      %lt3A_36 = arith.cmpi slt, %select_n3A_30, %lt3A_35 : i32
      %ne3A_37 = arith.xori %lt3A_34, %lt3A_36 : i1
      %and3A_38 = arith.andi %ne3A_37, %ne3A_33 : i1
      %add3A_39 = arith.addi %rem3A_31, %select_n3A_30 : i32
      %select_n3A_40 = arith.select %and3A_38, %add3A_39, %rem3A_31 : i32
      %mul3A_41 = arith.constant 2 : i32
      %mul3A_42 = arith.muli %mul3A_41, %select_n3A_40 : i32
      %dma_start3A = arith.constant 0 : i32
      %dma_start3A_43 = arith.constant 0 : i32
      %dma_start3A_44 = arith.constant 0 : i32
      %dma_start3A_45 = tpu.memref_slice %arg2[%select_n3A, %dma_start3A, %dma_start3A_43, %dma_start3A_44] : memref<4x56x4x896xi32, #tpu.memory_space<hbm>> -> memref<1x1x4x896xi32, #tpu.memory_space<hbm>>
      %dma_start3A_46 = tpu.memref_squeeze %dma_start3A_45 : memref<1x1x4x896xi32, #tpu.memory_space<hbm>> -> memref<4x896xi32, #tpu.memory_space<hbm>>
      %dma_start3A_47 = arith.constant 0 : i32
      %dma_start3A_48 = arith.constant 0 : i32
      %dma_start3A_49 = tpu.memref_slice %arg2[%select_n3A, %dma_start3A, %dma_start3A_47, %dma_start3A_48] : memref<4x56x4x896xi32, #tpu.memory_space<hbm>> -> memref<1x1x4x896xi32, #tpu.memory_space<hbm>>
      %dma_start3A_50 = tpu.memref_squeeze %dma_start3A_49 : memref<1x1x4x896xi32, #tpu.memory_space<hbm>> -> memref<4x896xi32, #tpu.memory_space<hbm>>
      tpu.enqueue_dma source(%dma_start3A_50 : memref<4x896xi32, #tpu.memory_space<hbm>>) target(%arg7 : memref<4x896xi32, #tpu.memory_space<vmem>>) target_semaphore(%arg13 : memref<!tpu.dma_semaphore, #tpu.memory_space<semaphore_mem>>)
      %dma_start3A_51 = arith.constant 0 : i32
      %dma_start3A_52 = arith.constant 0 : i32
      %dma_start3A_53 = arith.constant 0 : i32
      %dma_start3A_54 = tpu.memref_slice %arg3[%select_n3A, %dma_start3A_51, %dma_start3A_52, %dma_start3A_53] : memref<4x56x4x896xf32, #tpu.memory_space<hbm>> -> memref<1x1x4x896xf32, #tpu.memory_space<hbm>>
      %dma_start3A_55 = tpu.memref_squeeze %dma_start3A_54 : memref<1x1x4x896xf32, #tpu.memory_space<hbm>> -> memref<4x896xf32, #tpu.memory_space<hbm>>
      %dma_start3A_56 = arith.constant 0 : i32
      %dma_start3A_57 = arith.constant 0 : i32
      %dma_start3A_58 = tpu.memref_slice %arg3[%select_n3A, %dma_start3A_51, %dma_start3A_56, %dma_start3A_57] : memref<4x56x4x896xf32, #tpu.memory_space<hbm>> -> memref<1x1x4x896xf32, #tpu.memory_space<hbm>>
      %dma_start3A_59 = tpu.memref_squeeze %dma_start3A_58 : memref<1x1x4x896xf32, #tpu.memory_space<hbm>> -> memref<4x896xf32, #tpu.memory_space<hbm>>
      tpu.enqueue_dma source(%dma_start3A_59 : memref<4x896xf32, #tpu.memory_space<hbm>>) target(%arg8 : memref<4x896xf32, #tpu.memory_space<vmem>>) target_semaphore(%arg13 : memref<!tpu.dma_semaphore, #tpu.memory_space<semaphore_mem>>)
      %dma_start3A_60 = arith.constant 0 : i32
      %dma_start3A_61 = arith.constant 0 : i32
      %dma_start3A_62 = tpu.memref_slice %arg9[%dma_start3A_60, %dma_start3A_61] : memref<2x896xf32, #tpu.memory_space<vmem>> -> memref<1x896xf32, #tpu.memory_space<vmem>>
      %dma_start3A_63 = tpu.memref_squeeze %dma_start3A_62 : memref<1x896xf32, #tpu.memory_space<vmem>> -> memref<896xf32, #tpu.memory_space<vmem>>
      %dma_start3A_64 = arith.constant 0 : i32
      %dma_start3A_65 = tpu.memref_slice %arg4[%select_n3A, %mul3A_42, %dma_start3A_64] : memref<4x96x50176xf32, #tpu.memory_space<hbm>> -> memref<1x1x896xf32, #tpu.memory_space<hbm>>
      %dma_start3A_66 = tpu.memref_squeeze %dma_start3A_65 : memref<1x1x896xf32, #tpu.memory_space<hbm>> -> memref<896xf32, #tpu.memory_space<hbm>>
      %dma_start3A_67 = arith.constant 0 : i32
      %dma_start3A_68 = tpu.memref_slice %arg9[%dma_start3A_60, %dma_start3A_67] : memref<2x896xf32, #tpu.memory_space<vmem>> -> memref<1x896xf32, #tpu.memory_space<vmem>>
      %dma_start3A_69 = tpu.memref_squeeze %dma_start3A_68 : memref<1x896xf32, #tpu.memory_space<vmem>> -> memref<896xf32, #tpu.memory_space<vmem>>
      %dma_start3A_70 = arith.constant 0 : i32
      %dma_start3A_71 = tpu.memref_slice %arg4[%select_n3A, %mul3A_42, %dma_start3A_70] : memref<4x96x50176xf32, #tpu.memory_space<hbm>> -> memref<1x1x896xf32, #tpu.memory_space<hbm>>
      %dma_start3A_72 = tpu.memref_squeeze %dma_start3A_71 : memref<1x1x896xf32, #tpu.memory_space<hbm>> -> memref<896xf32, #tpu.memory_space<hbm>>
      tpu.enqueue_dma source(%dma_start3A_72 : memref<896xf32, #tpu.memory_space<hbm>>) target(%dma_start3A_69 : memref<896xf32, #tpu.memory_space<vmem>>) target_semaphore(%arg13 : memref<!tpu.dma_semaphore, #tpu.memory_space<semaphore_mem>>)
      %add3A_73 = arith.constant 1 : i32
      %add3A_74 = arith.addi %mul3A_42, %add3A_73 : i32
      %dma_start3A_75 = arith.constant 1 : i32
      %dma_start3A_76 = arith.constant 0 : i32
      %dma_start3A_77 = tpu.memref_slice %arg9[%dma_start3A_75, %dma_start3A_76] : memref<2x896xf32, #tpu.memory_space<vmem>> -> memref<1x896xf32, #tpu.memory_space<vmem>>
      %dma_start3A_78 = tpu.memref_squeeze %dma_start3A_77 : memref<1x896xf32, #tpu.memory_space<vmem>> -> memref<896xf32, #tpu.memory_space<vmem>>
      %dma_start3A_79 = arith.constant 0 : i32
      %dma_start3A_80 = tpu.memref_slice %arg4[%select_n3A, %add3A_74, %dma_start3A_79] : memref<4x96x50176xf32, #tpu.memory_space<hbm>> -> memref<1x1x896xf32, #tpu.memory_space<hbm>>
      %dma_start3A_81 = tpu.memref_squeeze %dma_start3A_80 : memref<1x1x896xf32, #tpu.memory_space<hbm>> -> memref<896xf32, #tpu.memory_space<hbm>>
      %dma_start3A_82 = arith.constant 0 : i32
      %dma_start3A_83 = tpu.memref_slice %arg9[%dma_start3A_75, %dma_start3A_82] : memref<2x896xf32, #tpu.memory_space<vmem>> -> memref<1x896xf32, #tpu.memory_space<vmem>>
      %dma_start3A_84 = tpu.memref_squeeze %dma_start3A_83 : memref<1x896xf32, #tpu.memory_space<vmem>> -> memref<896xf32, #tpu.memory_space<vmem>>
      %dma_start3A_85 = arith.constant 0 : i32
      %dma_start3A_86 = tpu.memref_slice %arg4[%select_n3A, %add3A_74, %dma_start3A_85] : memref<4x96x50176xf32, #tpu.memory_space<hbm>> -> memref<1x1x896xf32, #tpu.memory_space<hbm>>
      %dma_start3A_87 = tpu.memref_squeeze %dma_start3A_86 : memref<1x1x896xf32, #tpu.memory_space<hbm>> -> memref<896xf32, #tpu.memory_space<hbm>>
      tpu.enqueue_dma source(%dma_start3A_87 : memref<896xf32, #tpu.memory_space<hbm>>) target(%dma_start3A_84 : memref<896xf32, #tpu.memory_space<vmem>>) target_semaphore(%arg13 : memref<!tpu.dma_semaphore, #tpu.memory_space<semaphore_mem>>)
      %scan3A_88 = arith.constant 0 : i32
      %scan3A_89 = arith.constant 196 : i32
      %scan3A_90 = arith.addi %scan3A_88, %scan3A_89 : i32
      %scan3A_91 = arith.constant 1 : i32
      scf.for %scan3A_100 = %scan3A_88 to %scan3A_90 step %scan3A_91  : i32 {
        %mul3A_101 = arith.constant 512 : i32
        %mul3A_102 = arith.muli %scan3A_100, %mul3A_101 : i32
        %broadcast_in_dim3A = arith.constant 0.000000e+00 : f32
        %broadcast_in_dim3A_103 = vector.broadcast %broadcast_in_dim3A : f32 to vector<16xf32>
        %add3A_104 = arith.constant 0 : i32
        %add3A_105 = arith.addi %mul3A_102, %add3A_104 : i32
        %swap3A = arith.index_cast %add3A_105 : i32 to index
        %swap3A_106 = tpu.vector_load %arg6[%swap3A] {strides = array<i32>} : memref<100352xf32, #tpu.memory_space<vmem>>, vector<16xf32>,
        tpu.vector_store %arg6[%swap3A], %broadcast_in_dim3A_103 {strides = array<i32>} : memref<100352xf32, #tpu.memory_space<vmem>>, vector<16xf32>,
        %broadcast_in_dim3A_107 = arith.constant 0.000000e+00 : f32
        %broadcast_in_dim3A_108 = vector.broadcast %broadcast_in_dim3A_107 : f32 to vector<16xf32>
        %add3A_109 = arith.constant 16 : i32
        %add3A_110 = arith.addi %mul3A_102, %add3A_109 : i32
        %swap3A_111 = arith.index_cast %add3A_110 : i32 to index
        %swap3A_112 = tpu.vector_load %arg6[%swap3A_111] {strides = array<i32>} : memref<100352xf32, #tpu.memory_space<vmem>>, vector<16xf32>,
        tpu.vector_store %arg6[%swap3A_111], %broadcast_in_dim3A_108 {strides = array<i32>} : memref<100352xf32, #tpu.memory_space<vmem>>, vector<16xf32>,
        %broadcast_in_dim3A_113 = arith.constant 0.000000e+00 : f32
        %broadcast_in_dim3A_114 = vector.broadcast %broadcast_in_dim3A_113 : f32 to vector<16xf32>
        %add3A_115 = arith.constant 32 : i32
        %add3A_116 = arith.addi %mul3A_102, %add3A_115 : i32
        %swap3A_117 = arith.index_cast %add3A_116 : i32 to index
        %swap3A_118 = tpu.vector_load %arg6[%swap3A_117] {strides = array<i32>} : memref<100352xf32, #tpu.memory_space<vmem>>, vector<16xf32>,
        tpu.vector_store %arg6[%swap3A_117], %broadcast_in_dim3A_114 {strides = array<i32>} : memref<100352xf32, #tpu.memory_space<vmem>>, vector<16xf32>,
        %broadcast_in_dim3A_119 = arith.constant 0.000000e+00 : f32
        %broadcast_in_dim3A_120 = vector.broadcast %broadcast_in_dim3A_119 : f32 to vector<16xf32>
        %add3A_121 = arith.constant 48 : i32
        %add3A_122 = arith.addi %mul3A_102, %add3A_121 : i32
        %swap3A_123 = arith.index_cast %add3A_122 : i32 to index
        %swap3A_124 = tpu.vector_load %arg6[%swap3A_123] {strides = array<i32>} : memref<100352xf32, #tpu.memory_space<vmem>>, vector<16xf32>,
        tpu.vector_store %arg6[%swap3A_123], %broadcast_in_dim3A_120 {strides = array<i32>} : memref<100352xf32, #tpu.memory_space<vmem>>, vector<16xf32>,
        %broadcast_in_dim3A_125 = arith.constant 0.000000e+00 : f32
        %broadcast_in_dim3A_126 = vector.broadcast %broadcast_in_dim3A_125 : f32 to vector<16xf32>
        %add3A_127 = arith.constant 64 : i32
        %add3A_128 = arith.addi %mul3A_102, %add3A_127 : i32
        %swap3A_129 = arith.index_cast %add3A_128 : i32 to index
        %swap3A_130 = tpu.vector_load %arg6[%swap3A_129] {strides = array<i32>} : memref<100352xf32, #tpu.memory_space<vmem>>, vector<16xf32>,
        tpu.vector_store %arg6[%swap3A_129], %broadcast_in_dim3A_126 {strides = array<i32>} : memref<100352xf32, #tpu.memory_space<vmem>>, vector<16xf32>,
        %broadcast_in_dim3A_131 = arith.constant 0.000000e+00 : f32
        %broadcast_in_dim3A_132 = vector.broadcast %broadcast_in_dim3A_131 : f32 to vector<16xf32>
        %add3A_133 = arith.constant 80 : i32
        %add3A_134 = arith.addi %mul3A_102, %add3A_133 : i32
        %swap3A_135 = arith.index_cast %add3A_134 : i32 to index
        %swap3A_136 = tpu.vector_load %arg6[%swap3A_135] {strides = array<i32>} : memref<100352xf32, #tpu.memory_space<vmem>>, vector<16xf32>,
        tpu.vector_store %arg6[%swap3A_135], %broadcast_in_dim3A_132 {strides = array<i32>} : memref<100352xf32, #tpu.memory_space<vmem>>, vector<16xf32>,
        %broadcast_in_dim3A_137 = arith.constant 0.000000e+00 : f32
        %broadcast_in_dim3A_138 = vector.broadcast %broadcast_in_dim3A_137 : f32 to vector<16xf32>
        %add3A_139 = arith.constant 96 : i32
        %add3A_140 = arith.addi %mul3A_102, %add3A_139 : i32
        %swap3A_141 = arith.index_cast %add3A_140 : i32 to index
        %swap3A_142 = tpu.vector_load %arg6[%swap3A_141] {strides = array<i32>} : memref<100352xf32, #tpu.memory_space<vmem>>, vector<16xf32>,
        tpu.vector_store %arg6[%swap3A_141], %broadcast_in_dim3A_138 {strides = array<i32>} : memref<100352xf32, #tpu.memory_space<vmem>>, vector<16xf32>,
        %broadcast_in_dim3A_143 = arith.constant 0.000000e+00 : f32
        %broadcast_in_dim3A_144 = vector.broadcast %broadcast_in_dim3A_143 : f32 to vector<16xf32>
        %add3A_145 = arith.constant 112 : i32
        %add3A_146 = arith.addi %mul3A_102, %add3A_145 : i32
        %swap3A_147 = arith.index_cast %add3A_146 : i32 to index
        %swap3A_148 = tpu.vector_load %arg6[%swap3A_147] {strides = array<i32>} : memref<100352xf32, #tpu.memory_space<vmem>>, vector<16xf32>,
        tpu.vector_store %arg6[%swap3A_147], %broadcast_in_dim3A_144 {strides = array<i32>} : memref<100352xf32, #tpu.memory_space<vmem>>, vector<16xf32>,
        %broadcast_in_dim3A_149 = arith.constant 0.000000e+00 : f32
        %broadcast_in_dim3A_150 = vector.broadcast %broadcast_in_dim3A_149 : f32 to vector<16xf32>
        %add3A_151 = arith.constant 128 : i32
        %add3A_152 = arith.addi %mul3A_102, %add3A_151 : i32
        %swap3A_153 = arith.index_cast %add3A_152 : i32 to index
        %swap3A_154 = tpu.vector_load %arg6[%swap3A_153] {strides = array<i32>} : memref<100352xf32, #tpu.memory_space<vmem>>, vector<16xf32>,
        tpu.vector_store %arg6[%swap3A_153], %broadcast_in_dim3A_150 {strides = array<i32>} : memref<100352xf32, #tpu.memory_space<vmem>>, vector<16xf32>,
        %broadcast_in_dim3A_155 = arith.constant 0.000000e+00 : f32
        %broadcast_in_dim3A_156 = vector.broadcast %broadcast_in_dim3A_155 : f32 to vector<16xf32>
        %add3A_157 = arith.constant 144 : i32
        %add3A_158 = arith.addi %mul3A_102, %add3A_157 : i32
        %swap3A_159 = arith.index_cast %add3A_158 : i32 to index
        %swap3A_160 = tpu.vector_load %arg6[%swap3A_159] {strides = array<i32>} : memref<100352xf32, #tpu.memory_space<vmem>>, vector<16xf32>,
        tpu.vector_store %arg6[%swap3A_159], %broadcast_in_dim3A_156 {strides = array<i32>} : memref<100352xf32, #tpu.memory_space<vmem>>, vector<16xf32>,
        %broadcast_in_dim3A_161 = arith.constant 0.000000e+00 : f32
        %broadcast_in_dim3A_162 = vector.broadcast %broadcast_in_dim3A_161 : f32 to vector<16xf32>
        %add3A_163 = arith.constant 160 : i32
        %add3A_164 = arith.addi %mul3A_102, %add3A_163 : i32
        %swap3A_165 = arith.index_cast %add3A_164 : i32 to index
        %swap3A_166 = tpu.vector_load %arg6[%swap3A_165] {strides = array<i32>} : memref<100352xf32, #tpu.memory_space<vmem>>, vector<16xf32>,
        tpu.vector_store %arg6[%swap3A_165], %broadcast_in_dim3A_162 {strides = array<i32>} : memref<100352xf32, #tpu.memory_space<vmem>>, vector<16xf32>,
        %broadcast_in_dim3A_167 = arith.constant 0.000000e+00 : f32
        %broadcast_in_dim3A_168 = vector.broadcast %broadcast_in_dim3A_167 : f32 to vector<16xf32>
        %add3A_169 = arith.constant 176 : i32
        %add3A_170 = arith.addi %mul3A_102, %add3A_169 : i32
        %swap3A_171 = arith.index_cast %add3A_170 : i32 to index
        %swap3A_172 = tpu.vector_load %arg6[%swap3A_171] {strides = array<i32>} : memref<100352xf32, #tpu.memory_space<vmem>>, vector<16xf32>,
        tpu.vector_store %arg6[%swap3A_171], %broadcast_in_dim3A_168 {strides = array<i32>} : memref<100352xf32, #tpu.memory_space<vmem>>, vector<16xf32>,
        %broadcast_in_dim3A_173 = arith.constant 0.000000e+00 : f32
        %broadcast_in_dim3A_174 = vector.broadcast %broadcast_in_dim3A_173 : f32 to vector<16xf32>
        %add3A_175 = arith.constant 192 : i32
        %add3A_176 = arith.addi %mul3A_102, %add3A_175 : i32
        %swap3A_177 = arith.index_cast %add3A_176 : i32 to index
        %swap3A_178 = tpu.vector_load %arg6[%swap3A_177] {strides = array<i32>} : memref<100352xf32, #tpu.memory_space<vmem>>, vector<16xf32>,
        tpu.vector_store %arg6[%swap3A_177], %broadcast_in_dim3A_174 {strides = array<i32>} : memref<100352xf32, #tpu.memory_space<vmem>>, vector<16xf32>,
        %broadcast_in_dim3A_179 = arith.constant 0.000000e+00 : f32
        %broadcast_in_dim3A_180 = vector.broadcast %broadcast_in_dim3A_179 : f32 to vector<16xf32>
        %add3A_181 = arith.constant 208 : i32
        %add3A_182 = arith.addi %mul3A_102, %add3A_181 : i32
        %swap3A_183 = arith.index_cast %add3A_182 : i32 to index
        %swap3A_184 = tpu.vector_load %arg6[%swap3A_183] {strides = array<i32>} : memref<100352xf32, #tpu.memory_space<vmem>>, vector<16xf32>,
        tpu.vector_store %arg6[%swap3A_183], %broadcast_in_dim3A_180 {strides = array<i32>} : memref<100352xf32, #tpu.memory_space<vmem>>, vector<16xf32>,
        %broadcast_in_dim3A_185 = arith.constant 0.000000e+00 : f32
        %broadcast_in_dim3A_186 = vector.broadcast %broadcast_in_dim3A_185 : f32 to vector<16xf32>
        %add3A_187 = arith.constant 224 : i32
        %add3A_188 = arith.addi %mul3A_102, %add3A_187 : i32
        %swap3A_189 = arith.index_cast %add3A_188 : i32 to index
        %swap3A_190 = tpu.vector_load %arg6[%swap3A_189] {strides = array<i32>} : memref<100352xf32, #tpu.memory_space<vmem>>, vector<16xf32>,
        tpu.vector_store %arg6[%swap3A_189], %broadcast_in_dim3A_186 {strides = array<i32>} : memref<100352xf32, #tpu.memory_space<vmem>>, vector<16xf32>,
        %broadcast_in_dim3A_191 = arith.constant 0.000000e+00 : f32
        %broadcast_in_dim3A_192 = vector.broadcast %broadcast_in_dim3A_191 : f32 to vector<16xf32>
        %add3A_193 = arith.constant 240 : i32
        %add3A_194 = arith.addi %mul3A_102, %add3A_193 : i32
        %swap3A_195 = arith.index_cast %add3A_194 : i32 to index
        %swap3A_196 = tpu.vector_load %arg6[%swap3A_195] {strides = array<i32>} : memref<100352xf32, #tpu.memory_space<vmem>>, vector<16xf32>,
        tpu.vector_store %arg6[%swap3A_195], %broadcast_in_dim3A_192 {strides = array<i32>} : memref<100352xf32, #tpu.memory_space<vmem>>, vector<16xf32>,
        %broadcast_in_dim3A_197 = arith.constant 0.000000e+00 : f32
        %broadcast_in_dim3A_198 = vector.broadcast %broadcast_in_dim3A_197 : f32 to vector<16xf32>
        %add3A_199 = arith.constant 256 : i32
        %add3A_200 = arith.addi %mul3A_102, %add3A_199 : i32
        %swap3A_201 = arith.index_cast %add3A_200 : i32 to index
        %swap3A_202 = tpu.vector_load %arg6[%swap3A_201] {strides = array<i32>} : memref<100352xf32, #tpu.memory_space<vmem>>, vector<16xf32>,
        tpu.vector_store %arg6[%swap3A_201], %broadcast_in_dim3A_198 {strides = array<i32>} : memref<100352xf32, #tpu.memory_space<vmem>>, vector<16xf32>,
        %broadcast_in_dim3A_203 = arith.constant 0.000000e+00 : f32
        %broadcast_in_dim3A_204 = vector.broadcast %broadcast_in_dim3A_203 : f32 to vector<16xf32>
        %add3A_205 = arith.constant 272 : i32
        %add3A_206 = arith.addi %mul3A_102, %add3A_205 : i32
        %swap3A_207 = arith.index_cast %add3A_206 : i32 to index
        %swap3A_208 = tpu.vector_load %arg6[%swap3A_207] {strides = array<i32>} : memref<100352xf32, #tpu.memory_space<vmem>>, vector<16xf32>,
        tpu.vector_store %arg6[%swap3A_207], %broadcast_in_dim3A_204 {strides = array<i32>} : memref<100352xf32, #tpu.memory_space<vmem>>, vector<16xf32>,
        %broadcast_in_dim3A_209 = arith.constant 0.000000e+00 : f32
        %broadcast_in_dim3A_210 = vector.broadcast %broadcast_in_dim3A_209 : f32 to vector<16xf32>
        %add3A_211 = arith.constant 288 : i32
        %add3A_212 = arith.addi %mul3A_102, %add3A_211 : i32
        %swap3A_213 = arith.index_cast %add3A_212 : i32 to index
        %swap3A_214 = tpu.vector_load %arg6[%swap3A_213] {strides = array<i32>} : memref<100352xf32, #tpu.memory_space<vmem>>, vector<16xf32>,
        tpu.vector_store %arg6[%swap3A_213], %broadcast_in_dim3A_210 {strides = array<i32>} : memref<100352xf32, #tpu.memory_space<vmem>>, vector<16xf32>,
        %broadcast_in_dim3A_215 = arith.constant 0.000000e+00 : f32
        %broadcast_in_dim3A_216 = vector.broadcast %broadcast_in_dim3A_215 : f32 to vector<16xf32>
        %add3A_217 = arith.constant 304 : i32
        %add3A_218 = arith.addi %mul3A_102, %add3A_217 : i32
        %swap3A_219 = arith.index_cast %add3A_218 : i32 to index
        %swap3A_220 = tpu.vector_load %arg6[%swap3A_219] {strides = array<i32>} : memref<100352xf32, #tpu.memory_space<vmem>>, vector<16xf32>,
        tpu.vector_store %arg6[%swap3A_219], %broadcast_in_dim3A_216 {strides = array<i32>} : memref<100352xf32, #tpu.memory_space<vmem>>, vector<16xf32>,
        %broadcast_in_dim3A_221 = arith.constant 0.000000e+00 : f32
        %broadcast_in_dim3A_222 = vector.broadcast %broadcast_in_dim3A_221 : f32 to vector<16xf32>
        %add3A_223 = arith.constant 320 : i32
        %add3A_224 = arith.addi %mul3A_102, %add3A_223 : i32
        %swap3A_225 = arith.index_cast %add3A_224 : i32 to index
        %swap3A_226 = tpu.vector_load %arg6[%swap3A_225] {strides = array<i32>} : memref<100352xf32, #tpu.memory_space<vmem>>, vector<16xf32>,
        tpu.vector_store %arg6[%swap3A_225], %broadcast_in_dim3A_222 {strides = array<i32>} : memref<100352xf32, #tpu.memory_space<vmem>>, vector<16xf32>,
        %broadcast_in_dim3A_227 = arith.constant 0.000000e+00 : f32
        %broadcast_in_dim3A_228 = vector.broadcast %broadcast_in_dim3A_227 : f32 to vector<16xf32>
        %add3A_229 = arith.constant 336 : i32
        %add3A_230 = arith.addi %mul3A_102, %add3A_229 : i32
        %swap3A_231 = arith.index_cast %add3A_230 : i32 to index
        %swap3A_232 = tpu.vector_load %arg6[%swap3A_231] {strides = array<i32>} : memref<100352xf32, #tpu.memory_space<vmem>>, vector<16xf32>,
        tpu.vector_store %arg6[%swap3A_231], %broadcast_in_dim3A_228 {strides = array<i32>} : memref<100352xf32, #tpu.memory_space<vmem>>, vector<16xf32>,
        %broadcast_in_dim3A_233 = arith.constant 0.000000e+00 : f32
        %broadcast_in_dim3A_234 = vector.broadcast %broadcast_in_dim3A_233 : f32 to vector<16xf32>
        %add3A_235 = arith.constant 352 : i32
        %add3A_236 = arith.addi %mul3A_102, %add3A_235 : i32
        %swap3A_237 = arith.index_cast %add3A_236 : i32 to index
        %swap3A_238 = tpu.vector_load %arg6[%swap3A_237] {strides = array<i32>} : memref<100352xf32, #tpu.memory_space<vmem>>, vector<16xf32>,
        tpu.vector_store %arg6[%swap3A_237], %broadcast_in_dim3A_234 {strides = array<i32>} : memref<100352xf32, #tpu.memory_space<vmem>>, vector<16xf32>,
        %broadcast_in_dim3A_239 = arith.constant 0.000000e+00 : f32
        %broadcast_in_dim3A_240 = vector.broadcast %broadcast_in_dim3A_239 : f32 to vector<16xf32>
        %add3A_241 = arith.constant 368 : i32
        %add3A_242 = arith.addi %mul3A_102, %add3A_241 : i32
        %swap3A_243 = arith.index_cast %add3A_242 : i32 to index
        %swap3A_244 = tpu.vector_load %arg6[%swap3A_243] {strides = array<i32>} : memref<100352xf32, #tpu.memory_space<vmem>>, vector<16xf32>,
        tpu.vector_store %arg6[%swap3A_243], %broadcast_in_dim3A_240 {strides = array<i32>} : memref<100352xf32, #tpu.memory_space<vmem>>, vector<16xf32>,
        %broadcast_in_dim3A_245 = arith.constant 0.000000e+00 : f32
        %broadcast_in_dim3A_246 = vector.broadcast %broadcast_in_dim3A_245 : f32 to vector<16xf32>
        %add3A_247 = arith.constant 384 : i32
        %add3A_248 = arith.addi %mul3A_102, %add3A_247 : i32
        %swap3A_249 = arith.index_cast %add3A_248 : i32 to index
        %swap3A_250 = tpu.vector_load %arg6[%swap3A_249] {strides = array<i32>} : memref<100352xf32, #tpu.memory_space<vmem>>, vector<16xf32>,
        tpu.vector_store %arg6[%swap3A_249], %broadcast_in_dim3A_246 {strides = array<i32>} : memref<100352xf32, #tpu.memory_space<vmem>>, vector<16xf32>,
        %broadcast_in_dim3A_251 = arith.constant 0.000000e+00 : f32
        %broadcast_in_dim3A_252 = vector.broadcast %broadcast_in_dim3A_251 : f32 to vector<16xf32>
        %add3A_253 = arith.constant 400 : i32
        %add3A_254 = arith.addi %mul3A_102, %add3A_253 : i32
        %swap3A_255 = arith.index_cast %add3A_254 : i32 to index
        %swap3A_256 = tpu.vector_load %arg6[%swap3A_255] {strides = array<i32>} : memref<100352xf32, #tpu.memory_space<vmem>>, vector<16xf32>,
        tpu.vector_store %arg6[%swap3A_255], %broadcast_in_dim3A_252 {strides = array<i32>} : memref<100352xf32, #tpu.memory_space<vmem>>, vector<16xf32>,
        %broadcast_in_dim3A_257 = arith.constant 0.000000e+00 : f32
        %broadcast_in_dim3A_258 = vector.broadcast %broadcast_in_dim3A_257 : f32 to vector<16xf32>
        %add3A_259 = arith.constant 416 : i32
        %add3A_260 = arith.addi %mul3A_102, %add3A_259 : i32
        %swap3A_261 = arith.index_cast %add3A_260 : i32 to index
        %swap3A_262 = tpu.vector_load %arg6[%swap3A_261] {strides = array<i32>} : memref<100352xf32, #tpu.memory_space<vmem>>, vector<16xf32>,
        tpu.vector_store %arg6[%swap3A_261], %broadcast_in_dim3A_258 {strides = array<i32>} : memref<100352xf32, #tpu.memory_space<vmem>>, vector<16xf32>,
        %broadcast_in_dim3A_263 = arith.constant 0.000000e+00 : f32
        %broadcast_in_dim3A_264 = vector.broadcast %broadcast_in_dim3A_263 : f32 to vector<16xf32>
        %add3A_265 = arith.constant 432 : i32
        %add3A_266 = arith.addi %mul3A_102, %add3A_265 : i32
        %swap3A_267 = arith.index_cast %add3A_266 : i32 to index
        %swap3A_268 = tpu.vector_load %arg6[%swap3A_267] {strides = array<i32>} : memref<100352xf32, #tpu.memory_space<vmem>>, vector<16xf32>,
        tpu.vector_store %arg6[%swap3A_267], %broadcast_in_dim3A_264 {strides = array<i32>} : memref<100352xf32, #tpu.memory_space<vmem>>, vector<16xf32>,
        %broadcast_in_dim3A_269 = arith.constant 0.000000e+00 : f32
        %broadcast_in_dim3A_270 = vector.broadcast %broadcast_in_dim3A_269 : f32 to vector<16xf32>
        %add3A_271 = arith.constant 448 : i32
        %add3A_272 = arith.addi %mul3A_102, %add3A_271 : i32
        %swap3A_273 = arith.index_cast %add3A_272 : i32 to index
        %swap3A_274 = tpu.vector_load %arg6[%swap3A_273] {strides = array<i32>} : memref<100352xf32, #tpu.memory_space<vmem>>, vector<16xf32>,
        tpu.vector_store %arg6[%swap3A_273], %broadcast_in_dim3A_270 {strides = array<i32>} : memref<100352xf32, #tpu.memory_space<vmem>>, vector<16xf32>,
        %broadcast_in_dim3A_275 = arith.constant 0.000000e+00 : f32
        %broadcast_in_dim3A_276 = vector.broadcast %broadcast_in_dim3A_275 : f32 to vector<16xf32>
        %add3A_277 = arith.constant 464 : i32
        %add3A_278 = arith.addi %mul3A_102, %add3A_277 : i32
        %swap3A_279 = arith.index_cast %add3A_278 : i32 to index
        %swap3A_280 = tpu.vector_load %arg6[%swap3A_279] {strides = array<i32>} : memref<100352xf32, #tpu.memory_space<vmem>>, vector<16xf32>,
        tpu.vector_store %arg6[%swap3A_279], %broadcast_in_dim3A_276 {strides = array<i32>} : memref<100352xf32, #tpu.memory_space<vmem>>, vector<16xf32>,
        %broadcast_in_dim3A_281 = arith.constant 0.000000e+00 : f32
        %broadcast_in_dim3A_282 = vector.broadcast %broadcast_in_dim3A_281 : f32 to vector<16xf32>
        %add3A_283 = arith.constant 480 : i32
        %add3A_284 = arith.addi %mul3A_102, %add3A_283 : i32
        %swap3A_285 = arith.index_cast %add3A_284 : i32 to index
        %swap3A_286 = tpu.vector_load %arg6[%swap3A_285] {strides = array<i32>} : memref<100352xf32, #tpu.memory_space<vmem>>, vector<16xf32>,
        tpu.vector_store %arg6[%swap3A_285], %broadcast_in_dim3A_282 {strides = array<i32>} : memref<100352xf32, #tpu.memory_space<vmem>>, vector<16xf32>,
        %broadcast_in_dim3A_287 = arith.constant 0.000000e+00 : f32
        %broadcast_in_dim3A_288 = vector.broadcast %broadcast_in_dim3A_287 : f32 to vector<16xf32>
        %add3A_289 = arith.constant 496 : i32
        %add3A_290 = arith.addi %mul3A_102, %add3A_289 : i32
        %swap3A_291 = arith.index_cast %add3A_290 : i32 to index
        %swap3A_292 = tpu.vector_load %arg6[%swap3A_291] {strides = array<i32>} : memref<100352xf32, #tpu.memory_space<vmem>>, vector<16xf32>,
        tpu.vector_store %arg6[%swap3A_291], %broadcast_in_dim3A_288 {strides = array<i32>} : memref<100352xf32, #tpu.memory_space<vmem>>, vector<16xf32>,
      }
      %scan3A_92 = arith.constant 196 : i32
      %scan3A_93 = arith.constant 0 : i32
      %scan3A_94 = arith.constant 28 : i32
      %scan3A_95 = arith.addi %scan3A_93, %scan3A_94 : i32
      %scan3A_96 = arith.constant 1 : i32
      scf.for %scan3A_100 = %scan3A_93 to %scan3A_95 step %scan3A_96  : i32 {
        %mul3A_101 = arith.constant 2 : i32
        %mul3A_102 = arith.muli %mul3A_101, %scan3A_100 : i32
        %add3A_103 = arith.constant 1 : i32
        %add3A_104 = arith.addi %mul3A_102, %add3A_103 : i32
        %dma_start3A_105 = arith.constant 0 : i32
        %dma_start3A_106 = arith.constant 0 : i32
        %dma_start3A_107 = tpu.memref_slice %arg2[%select_n3A, %add3A_104, %dma_start3A_105, %dma_start3A_106] : memref<4x56x4x896xi32, #tpu.memory_space<hbm>> -> memref<1x1x4x896xi32, #tpu.memory_space<hbm>>
        %dma_start3A_108 = tpu.memref_squeeze %dma_start3A_107 : memref<1x1x4x896xi32, #tpu.memory_space<hbm>> -> memref<4x896xi32, #tpu.memory_space<hbm>>
        %dma_start3A_109 = arith.constant 0 : i32
        %dma_start3A_110 = arith.constant 0 : i32
        %dma_start3A_111 = tpu.memref_slice %arg2[%select_n3A, %add3A_104, %dma_start3A_109, %dma_start3A_110] : memref<4x56x4x896xi32, #tpu.memory_space<hbm>> -> memref<1x1x4x896xi32, #tpu.memory_space<hbm>>
        %dma_start3A_112 = tpu.memref_squeeze %dma_start3A_111 : memref<1x1x4x896xi32, #tpu.memory_space<hbm>> -> memref<4x896xi32, #tpu.memory_space<hbm>>
        tpu.enqueue_dma source(%dma_start3A_112 : memref<4x896xi32, #tpu.memory_space<hbm>>) target(%arg10 : memref<4x896xi32, #tpu.memory_space<vmem>>) target_semaphore(%arg14 : memref<!tpu.dma_semaphore, #tpu.memory_space<semaphore_mem>>)
        %dma_start3A_113 = arith.constant 0 : i32
        %dma_start3A_114 = arith.constant 0 : i32
        %dma_start3A_115 = tpu.memref_slice %arg3[%select_n3A, %add3A_104, %dma_start3A_113, %dma_start3A_114] : memref<4x56x4x896xf32, #tpu.memory_space<hbm>> -> memref<1x1x4x896xf32, #tpu.memory_space<hbm>>
        %dma_start3A_116 = tpu.memref_squeeze %dma_start3A_115 : memref<1x1x4x896xf32, #tpu.memory_space<hbm>> -> memref<4x896xf32, #tpu.memory_space<hbm>>
        %dma_start3A_117 = arith.constant 0 : i32
        %dma_start3A_118 = arith.constant 0 : i32
        %dma_start3A_119 = tpu.memref_slice %arg3[%select_n3A, %add3A_104, %dma_start3A_117, %dma_start3A_118] : memref<4x56x4x896xf32, #tpu.memory_space<hbm>> -> memref<1x1x4x896xf32, #tpu.memory_space<hbm>>
        %dma_start3A_120 = tpu.memref_squeeze %dma_start3A_119 : memref<1x1x4x896xf32, #tpu.memory_space<hbm>> -> memref<4x896xf32, #tpu.memory_space<hbm>>
        tpu.enqueue_dma source(%dma_start3A_120 : memref<4x896xf32, #tpu.memory_space<hbm>>) target(%arg11 : memref<4x896xf32, #tpu.memory_space<vmem>>) target_semaphore(%arg14 : memref<!tpu.dma_semaphore, #tpu.memory_space<semaphore_mem>>)
        %mul3A_121 = arith.constant 896 : i32
        %mul3A_122 = arith.muli %add3A_104, %mul3A_121 : i32
        %dma_start3A_123 = arith.constant 0 : i32
        %dma_start3A_124 = arith.constant 0 : i32
        %dma_start3A_125 = tpu.memref_slice %arg12[%dma_start3A_123, %dma_start3A_124] : memref<2x896xf32, #tpu.memory_space<vmem>> -> memref<1x896xf32, #tpu.memory_space<vmem>>
        %dma_start3A_126 = tpu.memref_squeeze %dma_start3A_125 : memref<1x896xf32, #tpu.memory_space<vmem>> -> memref<896xf32, #tpu.memory_space<vmem>>
        %dma_start3A_127 = tpu.memref_slice %arg4[%select_n3A, %mul3A_42, %mul3A_122] : memref<4x96x50176xf32, #tpu.memory_space<hbm>> -> memref<1x1x896xf32, #tpu.memory_space<hbm>>
        %dma_start3A_128 = tpu.memref_squeeze %dma_start3A_127 : memref<1x1x896xf32, #tpu.memory_space<hbm>> -> memref<896xf32, #tpu.memory_space<hbm>>
        %dma_start3A_129 = arith.constant 0 : i32
        %dma_start3A_130 = tpu.memref_slice %arg12[%dma_start3A_123, %dma_start3A_129] : memref<2x896xf32, #tpu.memory_space<vmem>> -> memref<1x896xf32, #tpu.memory_space<vmem>>
        %dma_start3A_131 = tpu.memref_squeeze %dma_start3A_130 : memref<1x896xf32, #tpu.memory_space<vmem>> -> memref<896xf32, #tpu.memory_space<vmem>>
        %dma_start3A_132 = tpu.memref_slice %arg4[%select_n3A, %mul3A_42, %mul3A_122] : memref<4x96x50176xf32, #tpu.memory_space<hbm>> -> memref<1x1x896xf32, #tpu.memory_space<hbm>>
        %dma_start3A_133 = tpu.memref_squeeze %dma_start3A_132 : memref<1x1x896xf32, #tpu.memory_space<hbm>> -> memref<896xf32, #tpu.memory_space<hbm>>
        tpu.enqueue_dma source(%dma_start3A_133 : memref<896xf32, #tpu.memory_space<hbm>>) target(%dma_start3A_131 : memref<896xf32, #tpu.memory_space<vmem>>) target_semaphore(%arg14 : memref<!tpu.dma_semaphore, #tpu.memory_space<semaphore_mem>>)
        %add3A_134 = arith.constant 1 : i32
        %add3A_135 = arith.addi %mul3A_42, %add3A_134 : i32
        %dma_start3A_136 = arith.constant 1 : i32
        %dma_start3A_137 = arith.constant 0 : i32
        %dma_start3A_138 = tpu.memref_slice %arg12[%dma_start3A_136, %dma_start3A_137] : memref<2x896xf32, #tpu.memory_space<vmem>> -> memref<1x896xf32, #tpu.memory_space<vmem>>
        %dma_start3A_139 = tpu.memref_squeeze %dma_start3A_138 : memref<1x896xf32, #tpu.memory_space<vmem>> -> memref<896xf32, #tpu.memory_space<vmem>>
        %dma_start3A_140 = tpu.memref_slice %arg4[%select_n3A, %add3A_135, %mul3A_122] : memref<4x96x50176xf32, #tpu.memory_space<hbm>> -> memref<1x1x896xf32, #tpu.memory_space<hbm>>
        %dma_start3A_141 = tpu.memref_squeeze %dma_start3A_140 : memref<1x1x896xf32, #tpu.memory_space<hbm>> -> memref<896xf32, #tpu.memory_space<hbm>>
        %dma_start3A_142 = arith.constant 0 : i32
        %dma_start3A_143 = tpu.memref_slice %arg12[%dma_start3A_136, %dma_start3A_142] : memref<2x896xf32, #tpu.memory_space<vmem>> -> memref<1x896xf32, #tpu.memory_space<vmem>>
        %dma_start3A_144 = tpu.memref_squeeze %dma_start3A_143 : memref<1x896xf32, #tpu.memory_space<vmem>> -> memref<896xf32, #tpu.memory_space<vmem>>
        %dma_start3A_145 = tpu.memref_slice %arg4[%select_n3A, %add3A_135, %mul3A_122] : memref<4x96x50176xf32, #tpu.memory_space<hbm>> -> memref<1x1x896xf32, #tpu.memory_space<hbm>>
        %dma_start3A_146 = tpu.memref_squeeze %dma_start3A_145 : memref<1x1x896xf32, #tpu.memory_space<hbm>> -> memref<896xf32, #tpu.memory_space<hbm>>
        tpu.enqueue_dma source(%dma_start3A_146 : memref<896xf32, #tpu.memory_space<hbm>>) target(%dma_start3A_144 : memref<896xf32, #tpu.memory_space<vmem>>) target_semaphore(%arg14 : memref<!tpu.dma_semaphore, #tpu.memory_space<semaphore_mem>>)
        %dma_wait3A = arith.constant 0 : i32
        %dma_wait3A_147 = arith.constant 0 : i32
        %dma_wait3A_148 = arith.constant 0 : i32
        %dma_wait3A_149 = arith.constant 0 : i32
        %dma_wait3A_150 = tpu.memref_slice %arg2[%dma_wait3A, %dma_wait3A_147, %dma_wait3A_148, %dma_wait3A_149] : memref<4x56x4x896xi32, #tpu.memory_space<hbm>> -> memref<1x1x4x896xi32, #tpu.memory_space<hbm>>
        %dma_wait3A_151 = tpu.memref_squeeze %dma_wait3A_150 : memref<1x1x4x896xi32, #tpu.memory_space<hbm>> -> memref<4x896xi32, #tpu.memory_space<hbm>>
        %dma_wait3A_152 = arith.constant 0 : i32
        %dma_wait3A_153 = arith.constant 0 : i32
        %dma_wait3A_154 = tpu.memref_slice %arg2[%dma_wait3A, %dma_wait3A_147, %dma_wait3A_152, %dma_wait3A_153] : memref<4x56x4x896xi32, #tpu.memory_space<hbm>> -> memref<1x1x4x896xi32, #tpu.memory_space<hbm>>
        %dma_wait3A_155 = tpu.memref_squeeze %dma_wait3A_154 : memref<1x1x4x896xi32, #tpu.memory_space<hbm>> -> memref<4x896xi32, #tpu.memory_space<hbm>>
        tpu.wait_dma2 semaphore(%arg13 : memref<!tpu.dma_semaphore, #tpu.memory_space<semaphore_mem>>) src(%dma_wait3A_155 : memref<4x896xi32, #tpu.memory_space<hbm>>) dst(%arg7 : memref<4x896xi32, #tpu.memory_space<vmem>>)
        %dma_wait3A_156 = arith.constant 0 : i32
        %dma_wait3A_157 = arith.constant 0 : i32
        %dma_wait3A_158 = arith.constant 0 : i32
        %dma_wait3A_159 = arith.constant 0 : i32
        %dma_wait3A_160 = tpu.memref_slice %arg3[%dma_wait3A_156, %dma_wait3A_157, %dma_wait3A_158, %dma_wait3A_159] : memref<4x56x4x896xf32, #tpu.memory_space<hbm>> -> memref<1x1x4x896xf32, #tpu.memory_space<hbm>>
        %dma_wait3A_161 = tpu.memref_squeeze %dma_wait3A_160 : memref<1x1x4x896xf32, #tpu.memory_space<hbm>> -> memref<4x896xf32, #tpu.memory_space<hbm>>
        %dma_wait3A_162 = arith.constant 0 : i32
        %dma_wait3A_163 = arith.constant 0 : i32
        %dma_wait3A_164 = tpu.memref_slice %arg3[%dma_wait3A_156, %dma_wait3A_157, %dma_wait3A_162, %dma_wait3A_163] : memref<4x56x4x896xf32, #tpu.memory_space<hbm>> -> memref<1x1x4x896xf32, #tpu.memory_space<hbm>>
        %dma_wait3A_165 = tpu.memref_squeeze %dma_wait3A_164 : memref<1x1x4x896xf32, #tpu.memory_space<hbm>> -> memref<4x896xf32, #tpu.memory_space<hbm>>
        tpu.wait_dma2 semaphore(%arg13 : memref<!tpu.dma_semaphore, #tpu.memory_space<semaphore_mem>>) src(%dma_wait3A_165 : memref<4x896xf32, #tpu.memory_space<hbm>>) dst(%arg8 : memref<4x896xf32, #tpu.memory_space<vmem>>)
        %dma_wait3A_166 = arith.constant 0 : i32
        %dma_wait3A_167 = arith.constant 0 : i32
        %dma_wait3A_168 = arith.constant 0 : i32
        %dma_wait3A_169 = arith.constant 0 : i32
        %dma_wait3A_170 = tpu.memref_slice %arg9[%dma_wait3A_168, %dma_wait3A_169] : memref<2x896xf32, #tpu.memory_space<vmem>> -> memref<1x896xf32, #tpu.memory_space<vmem>>
        %dma_wait3A_171 = tpu.memref_squeeze %dma_wait3A_170 : memref<1x896xf32, #tpu.memory_space<vmem>> -> memref<896xf32, #tpu.memory_space<vmem>>
        %dma_wait3A_172 = arith.constant 0 : i32
        %dma_wait3A_173 = tpu.memref_slice %arg4[%dma_wait3A_166, %dma_wait3A_167, %dma_wait3A_172] : memref<4x96x50176xf32, #tpu.memory_space<hbm>> -> memref<1x1x896xf32, #tpu.memory_space<hbm>>
        %dma_wait3A_174 = tpu.memref_squeeze %dma_wait3A_173 : memref<1x1x896xf32, #tpu.memory_space<hbm>> -> memref<896xf32, #tpu.memory_space<hbm>>
        %dma_wait3A_175 = arith.constant 0 : i32
        %dma_wait3A_176 = tpu.memref_slice %arg9[%dma_wait3A_168, %dma_wait3A_175] : memref<2x896xf32, #tpu.memory_space<vmem>> -> memref<1x896xf32, #tpu.memory_space<vmem>>
        %dma_wait3A_177 = tpu.memref_squeeze %dma_wait3A_176 : memref<1x896xf32, #tpu.memory_space<vmem>> -> memref<896xf32, #tpu.memory_space<vmem>>
        %dma_wait3A_178 = arith.constant 0 : i32
        %dma_wait3A_179 = tpu.memref_slice %arg4[%dma_wait3A_166, %dma_wait3A_167, %dma_wait3A_178] : memref<4x96x50176xf32, #tpu.memory_space<hbm>> -> memref<1x1x896xf32, #tpu.memory_space<hbm>>
        %dma_wait3A_180 = tpu.memref_squeeze %dma_wait3A_179 : memref<1x1x896xf32, #tpu.memory_space<hbm>> -> memref<896xf32, #tpu.memory_space<hbm>>
        tpu.wait_dma2 semaphore(%arg13 : memref<!tpu.dma_semaphore, #tpu.memory_space<semaphore_mem>>) src(%dma_wait3A_180 : memref<896xf32, #tpu.memory_space<hbm>>) dst(%dma_wait3A_177 : memref<896xf32, #tpu.memory_space<vmem>>)
        %dma_wait3A_181 = arith.constant 0 : i32
        %dma_wait3A_182 = arith.constant 0 : i32
        %dma_wait3A_183 = arith.constant 1 : i32
        %dma_wait3A_184 = arith.constant 0 : i32
        %dma_wait3A_185 = tpu.memref_slice %arg9[%dma_wait3A_183, %dma_wait3A_184] : memref<2x896xf32, #tpu.memory_space<vmem>> -> memref<1x896xf32, #tpu.memory_space<vmem>>
        %dma_wait3A_186 = tpu.memref_squeeze %dma_wait3A_185 : memref<1x896xf32, #tpu.memory_space<vmem>> -> memref<896xf32, #tpu.memory_space<vmem>>
        %dma_wait3A_187 = arith.constant 0 : i32
        %dma_wait3A_188 = tpu.memref_slice %arg4[%dma_wait3A_181, %dma_wait3A_182, %dma_wait3A_187] : memref<4x96x50176xf32, #tpu.memory_space<hbm>> -> memref<1x1x896xf32, #tpu.memory_space<hbm>>
        %dma_wait3A_189 = tpu.memref_squeeze %dma_wait3A_188 : memref<1x1x896xf32, #tpu.memory_space<hbm>> -> memref<896xf32, #tpu.memory_space<hbm>>
        %dma_wait3A_190 = arith.constant 0 : i32
        %dma_wait3A_191 = tpu.memref_slice %arg9[%dma_wait3A_183, %dma_wait3A_190] : memref<2x896xf32, #tpu.memory_space<vmem>> -> memref<1x896xf32, #tpu.memory_space<vmem>>
        %dma_wait3A_192 = tpu.memref_squeeze %dma_wait3A_191 : memref<1x896xf32, #tpu.memory_space<vmem>> -> memref<896xf32, #tpu.memory_space<vmem>>
        %dma_wait3A_193 = arith.constant 0 : i32
        %dma_wait3A_194 = tpu.memref_slice %arg4[%dma_wait3A_181, %dma_wait3A_182, %dma_wait3A_193] : memref<4x96x50176xf32, #tpu.memory_space<hbm>> -> memref<1x1x896xf32, #tpu.memory_space<hbm>>
        %dma_wait3A_195 = tpu.memref_squeeze %dma_wait3A_194 : memref<1x1x896xf32, #tpu.memory_space<hbm>> -> memref<896xf32, #tpu.memory_space<hbm>>
        tpu.wait_dma2 semaphore(%arg13 : memref<!tpu.dma_semaphore, #tpu.memory_space<semaphore_mem>>) src(%dma_wait3A_195 : memref<896xf32, #tpu.memory_space<hbm>>) dst(%dma_wait3A_192 : memref<896xf32, #tpu.memory_space<vmem>>)
        %scan3A_196 = arith.constant 0 : i32
        %scan3A_197 = arith.constant 28 : i32
        %scan3A_198 = arith.addi %scan3A_196, %scan3A_197 : i32
        %scan3A_199 = arith.constant 1 : i32
        scf.for %scan3A_263 = %scan3A_196 to %scan3A_198 step %scan3A_199  : i32 {
          %mul3A_264 = arith.constant 32 : i32
          %mul3A_265 = arith.muli %scan3A_263, %mul3A_264 : i32
          %get3A = arith.constant 0 : i32
          %get3A_266 = arith.index_cast %get3A : i32 to index
          %get3A_267 = arith.index_cast %mul3A_265 : i32 to index
          %get3A_268 = tpu.vector_load %arg9[%get3A_266, %get3A_267] {strides = array<i32>} : memref<2x896xf32, #tpu.memory_space<vmem>>, vector<16xf32>,
          %get3A_269 = arith.constant 1 : i32
          %get3A_270 = arith.index_cast %get3A_269 : i32 to index
          %get3A_271 = arith.index_cast %mul3A_265 : i32 to index
          %get3A_272 = tpu.vector_load %arg9[%get3A_270, %get3A_271] {strides = array<i32>} : memref<2x896xf32, #tpu.memory_space<vmem>>, vector<16xf32>,
          %get3A_273 = arith.constant 0 : i32
          %get3A_274 = arith.index_cast %get3A_273 : i32 to index
          %get3A_275 = arith.index_cast %mul3A_265 : i32 to index
          %get3A_276 = tpu.vector_load %arg7[%get3A_274, %get3A_275] {strides = array<i32>} : memref<4x896xi32, #tpu.memory_space<vmem>>, vector<16xi32>,
          %get3A_277 = arith.constant 0 : i32
          %get3A_278 = arith.index_cast %get3A_277 : i32 to index
          %get3A_279 = arith.index_cast %mul3A_265 : i32 to index
          %get3A_280 = tpu.vector_load %arg8[%get3A_278, %get3A_279] {strides = array<i32>} : memref<4x896xf32, #tpu.memory_space<vmem>>, vector<16xf32>,
          %mul3A_281 = arith.mulf %get3A_280, %get3A_268 : vector<16xf32>
          tpu.vector_store_idx %arg6[%get3A_276], %mul3A_281 {add = true} : memref<100352xf32, #tpu.memory_space<vmem>>[vector<16xi32>], vector<16xf32>,
          %add3A_282 = arith.constant 50176 : i32
          %add3A_283 = vector.broadcast %add3A_282 : i32 to vector<16xi32>
          %add3A_284 = arith.addi %get3A_276, %add3A_283 : vector<16xi32>
          %mul3A_285 = arith.mulf %get3A_280, %get3A_272 : vector<16xf32>
          tpu.vector_store_idx %arg6[%add3A_284], %mul3A_285 {add = true} : memref<100352xf32, #tpu.memory_space<vmem>>[vector<16xi32>], vector<16xf32>,
          %get3A_286 = arith.constant 1 : i32
          %get3A_287 = arith.index_cast %get3A_286 : i32 to index
          %get3A_288 = arith.index_cast %mul3A_265 : i32 to index
          %get3A_289 = tpu.vector_load %arg7[%get3A_287, %get3A_288] {strides = array<i32>} : memref<4x896xi32, #tpu.memory_space<vmem>>, vector<16xi32>,
          %get3A_290 = arith.constant 1 : i32
          %get3A_291 = arith.index_cast %get3A_290 : i32 to index
          %get3A_292 = arith.index_cast %mul3A_265 : i32 to index
          %get3A_293 = tpu.vector_load %arg8[%get3A_291, %get3A_292] {strides = array<i32>} : memref<4x896xf32, #tpu.memory_space<vmem>>, vector<16xf32>,
          %mul3A_294 = arith.mulf %get3A_293, %get3A_268 : vector<16xf32>
          tpu.vector_store_idx %arg6[%get3A_289], %mul3A_294 {add = true} : memref<100352xf32, #tpu.memory_space<vmem>>[vector<16xi32>], vector<16xf32>,
          %add3A_295 = arith.constant 50176 : i32
          %add3A_296 = vector.broadcast %add3A_295 : i32 to vector<16xi32>
          %add3A_297 = arith.addi %get3A_289, %add3A_296 : vector<16xi32>
          %mul3A_298 = arith.mulf %get3A_293, %get3A_272 : vector<16xf32>
          tpu.vector_store_idx %arg6[%add3A_297], %mul3A_298 {add = true} : memref<100352xf32, #tpu.memory_space<vmem>>[vector<16xi32>], vector<16xf32>,
          %get3A_299 = arith.constant 2 : i32
          %get3A_300 = arith.index_cast %get3A_299 : i32 to index
          %get3A_301 = arith.index_cast %mul3A_265 : i32 to index
          %get3A_302 = tpu.vector_load %arg7[%get3A_300, %get3A_301] {strides = array<i32>} : memref<4x896xi32, #tpu.memory_space<vmem>>, vector<16xi32>,
          %get3A_303 = arith.constant 2 : i32
          %get3A_304 = arith.index_cast %get3A_303 : i32 to index
          %get3A_305 = arith.index_cast %mul3A_265 : i32 to index
          %get3A_306 = tpu.vector_load %arg8[%get3A_304, %get3A_305] {strides = array<i32>} : memref<4x896xf32, #tpu.memory_space<vmem>>, vector<16xf32>,
          %mul3A_307 = arith.mulf %get3A_306, %get3A_268 : vector<16xf32>
          tpu.vector_store_idx %arg6[%get3A_302], %mul3A_307 {add = true} : memref<100352xf32, #tpu.memory_space<vmem>>[vector<16xi32>], vector<16xf32>,
          %add3A_308 = arith.constant 50176 : i32
          %add3A_309 = vector.broadcast %add3A_308 : i32 to vector<16xi32>
          %add3A_310 = arith.addi %get3A_302, %add3A_309 : vector<16xi32>
          %mul3A_311 = arith.mulf %get3A_306, %get3A_272 : vector<16xf32>
          tpu.vector_store_idx %arg6[%add3A_310], %mul3A_311 {add = true} : memref<100352xf32, #tpu.memory_space<vmem>>[vector<16xi32>], vector<16xf32>,
          %get3A_312 = arith.constant 3 : i32
          %get3A_313 = arith.index_cast %get3A_312 : i32 to index
          %get3A_314 = arith.index_cast %mul3A_265 : i32 to index
          %get3A_315 = tpu.vector_load %arg7[%get3A_313, %get3A_314] {strides = array<i32>} : memref<4x896xi32, #tpu.memory_space<vmem>>, vector<16xi32>,
          %get3A_316 = arith.constant 3 : i32
          %get3A_317 = arith.index_cast %get3A_316 : i32 to index
          %get3A_318 = arith.index_cast %mul3A_265 : i32 to index
          %get3A_319 = tpu.vector_load %arg8[%get3A_317, %get3A_318] {strides = array<i32>} : memref<4x896xf32, #tpu.memory_space<vmem>>, vector<16xf32>,
          %mul3A_320 = arith.mulf %get3A_319, %get3A_268 : vector<16xf32>
          tpu.vector_store_idx %arg6[%get3A_315], %mul3A_320 {add = true} : memref<100352xf32, #tpu.memory_space<vmem>>[vector<16xi32>], vector<16xf32>,
          %add3A_321 = arith.constant 50176 : i32
          %add3A_322 = vector.broadcast %add3A_321 : i32 to vector<16xi32>
          %add3A_323 = arith.addi %get3A_315, %add3A_322 : vector<16xi32>
          %mul3A_324 = arith.mulf %get3A_319, %get3A_272 : vector<16xf32>
          tpu.vector_store_idx %arg6[%add3A_323], %mul3A_324 {add = true} : memref<100352xf32, #tpu.memory_space<vmem>>[vector<16xi32>], vector<16xf32>,
          %add3A_325 = arith.constant 16 : i32
          %add3A_326 = arith.addi %mul3A_265, %add3A_325 : i32
          %get3A_327 = arith.constant 0 : i32
          %get3A_328 = arith.index_cast %get3A_327 : i32 to index
          %get3A_329 = arith.index_cast %add3A_326 : i32 to index
          %get3A_330 = tpu.vector_load %arg9[%get3A_328, %get3A_329] {strides = array<i32>} : memref<2x896xf32, #tpu.memory_space<vmem>>, vector<16xf32>,
          %get3A_331 = arith.constant 1 : i32
          %get3A_332 = arith.index_cast %get3A_331 : i32 to index
          %get3A_333 = arith.index_cast %add3A_326 : i32 to index
          %get3A_334 = tpu.vector_load %arg9[%get3A_332, %get3A_333] {strides = array<i32>} : memref<2x896xf32, #tpu.memory_space<vmem>>, vector<16xf32>,
          %get3A_335 = arith.constant 0 : i32
          %get3A_336 = arith.index_cast %get3A_335 : i32 to index
          %get3A_337 = arith.index_cast %add3A_326 : i32 to index
          %get3A_338 = tpu.vector_load %arg7[%get3A_336, %get3A_337] {strides = array<i32>} : memref<4x896xi32, #tpu.memory_space<vmem>>, vector<16xi32>,
          %get3A_339 = arith.constant 0 : i32
          %get3A_340 = arith.index_cast %get3A_339 : i32 to index
          %get3A_341 = arith.index_cast %add3A_326 : i32 to index
          %get3A_342 = tpu.vector_load %arg8[%get3A_340, %get3A_341] {strides = array<i32>} : memref<4x896xf32, #tpu.memory_space<vmem>>, vector<16xf32>,
          %mul3A_343 = arith.mulf %get3A_342, %get3A_330 : vector<16xf32>
          tpu.vector_store_idx %arg6[%get3A_338], %mul3A_343 {add = true} : memref<100352xf32, #tpu.memory_space<vmem>>[vector<16xi32>], vector<16xf32>,
          %add3A_344 = arith.constant 50176 : i32
          %add3A_345 = vector.broadcast %add3A_344 : i32 to vector<16xi32>
          %add3A_346 = arith.addi %get3A_338, %add3A_345 : vector<16xi32>
          %mul3A_347 = arith.mulf %get3A_342, %get3A_334 : vector<16xf32>
          tpu.vector_store_idx %arg6[%add3A_346], %mul3A_347 {add = true} : memref<100352xf32, #tpu.memory_space<vmem>>[vector<16xi32>], vector<16xf32>,
          %get3A_348 = arith.constant 1 : i32
          %get3A_349 = arith.index_cast %get3A_348 : i32 to index
          %get3A_350 = arith.index_cast %add3A_326 : i32 to index
          %get3A_351 = tpu.vector_load %arg7[%get3A_349, %get3A_350] {strides = array<i32>} : memref<4x896xi32, #tpu.memory_space<vmem>>, vector<16xi32>,
          %get3A_352 = arith.constant 1 : i32
          %get3A_353 = arith.index_cast %get3A_352 : i32 to index
          %get3A_354 = arith.index_cast %add3A_326 : i32 to index
          %get3A_355 = tpu.vector_load %arg8[%get3A_353, %get3A_354] {strides = array<i32>} : memref<4x896xf32, #tpu.memory_space<vmem>>, vector<16xf32>,
          %mul3A_356 = arith.mulf %get3A_355, %get3A_330 : vector<16xf32>
          tpu.vector_store_idx %arg6[%get3A_351], %mul3A_356 {add = true} : memref<100352xf32, #tpu.memory_space<vmem>>[vector<16xi32>], vector<16xf32>,
          %add3A_357 = arith.constant 50176 : i32
          %add3A_358 = vector.broadcast %add3A_357 : i32 to vector<16xi32>
          %add3A_359 = arith.addi %get3A_351, %add3A_358 : vector<16xi32>
          %mul3A_360 = arith.mulf %get3A_355, %get3A_334 : vector<16xf32>
          tpu.vector_store_idx %arg6[%add3A_359], %mul3A_360 {add = true} : memref<100352xf32, #tpu.memory_space<vmem>>[vector<16xi32>], vector<16xf32>,
          %get3A_361 = arith.constant 2 : i32
          %get3A_362 = arith.index_cast %get3A_361 : i32 to index
          %get3A_363 = arith.index_cast %add3A_326 : i32 to index
          %get3A_364 = tpu.vector_load %arg7[%get3A_362, %get3A_363] {strides = array<i32>} : memref<4x896xi32, #tpu.memory_space<vmem>>, vector<16xi32>,
          %get3A_365 = arith.constant 2 : i32
          %get3A_366 = arith.index_cast %get3A_365 : i32 to index
          %get3A_367 = arith.index_cast %add3A_326 : i32 to index
          %get3A_368 = tpu.vector_load %arg8[%get3A_366, %get3A_367] {strides = array<i32>} : memref<4x896xf32, #tpu.memory_space<vmem>>, vector<16xf32>,
          %mul3A_369 = arith.mulf %get3A_368, %get3A_330 : vector<16xf32>
          tpu.vector_store_idx %arg6[%get3A_364], %mul3A_369 {add = true} : memref<100352xf32, #tpu.memory_space<vmem>>[vector<16xi32>], vector<16xf32>,
          %add3A_370 = arith.constant 50176 : i32
          %add3A_371 = vector.broadcast %add3A_370 : i32 to vector<16xi32>
          %add3A_372 = arith.addi %get3A_364, %add3A_371 : vector<16xi32>
          %mul3A_373 = arith.mulf %get3A_368, %get3A_334 : vector<16xf32>
          tpu.vector_store_idx %arg6[%add3A_372], %mul3A_373 {add = true} : memref<100352xf32, #tpu.memory_space<vmem>>[vector<16xi32>], vector<16xf32>,
          %get3A_374 = arith.constant 3 : i32
          %get3A_375 = arith.index_cast %get3A_374 : i32 to index
          %get3A_376 = arith.index_cast %add3A_326 : i32 to index
          %get3A_377 = tpu.vector_load %arg7[%get3A_375, %get3A_376] {strides = array<i32>} : memref<4x896xi32, #tpu.memory_space<vmem>>, vector<16xi32>,
          %get3A_378 = arith.constant 3 : i32
          %get3A_379 = arith.index_cast %get3A_378 : i32 to index
          %get3A_380 = arith.index_cast %add3A_326 : i32 to index
          %get3A_381 = tpu.vector_load %arg8[%get3A_379, %get3A_380] {strides = array<i32>} : memref<4x896xf32, #tpu.memory_space<vmem>>, vector<16xf32>,
          %mul3A_382 = arith.mulf %get3A_381, %get3A_330 : vector<16xf32>
          tpu.vector_store_idx %arg6[%get3A_377], %mul3A_382 {add = true} : memref<100352xf32, #tpu.memory_space<vmem>>[vector<16xi32>], vector<16xf32>,
          %add3A_383 = arith.constant 50176 : i32
          %add3A_384 = vector.broadcast %add3A_383 : i32 to vector<16xi32>
          %add3A_385 = arith.addi %get3A_377, %add3A_384 : vector<16xi32>
          %mul3A_386 = arith.mulf %get3A_381, %get3A_334 : vector<16xf32>
          tpu.vector_store_idx %arg6[%add3A_385], %mul3A_386 {add = true} : memref<100352xf32, #tpu.memory_space<vmem>>[vector<16xi32>], vector<16xf32>,
        }
        %scan3A_200 = arith.constant 28 : i32
        %add3A_201 = arith.constant 2 : i32
        %add3A_202 = arith.addi %mul3A_102, %add3A_201 : i32
        %lt3A_203 = arith.constant 56 : i32
        %lt3A_204 = arith.cmpi slt, %add3A_202, %lt3A_203 : i32
        %convert_element_type3A_205 = arith.extui %lt3A_204 : i1 to i32
        %cond3A_206 = arith.constant 0 : i32
        %cond3A_207 = arith.cmpi ne, %convert_element_type3A_205, %cond3A_206 : i32
        scf.if %cond3A_207 {
          %add3A_263 = arith.constant 2 : i32
          %add3A_264 = arith.addi %mul3A_102, %add3A_263 : i32
          %dma_start3A_265 = arith.constant 0 : i32
          %dma_start3A_266 = arith.constant 0 : i32
          %dma_start3A_267 = tpu.memref_slice %arg2[%select_n3A, %add3A_264, %dma_start3A_265, %dma_start3A_266] : memref<4x56x4x896xi32, #tpu.memory_space<hbm>> -> memref<1x1x4x896xi32, #tpu.memory_space<hbm>>
          %dma_start3A_268 = tpu.memref_squeeze %dma_start3A_267 : memref<1x1x4x896xi32, #tpu.memory_space<hbm>> -> memref<4x896xi32, #tpu.memory_space<hbm>>
          %dma_start3A_269 = arith.constant 0 : i32
          %dma_start3A_270 = arith.constant 0 : i32
          %dma_start3A_271 = tpu.memref_slice %arg2[%select_n3A, %add3A_264, %dma_start3A_269, %dma_start3A_270] : memref<4x56x4x896xi32, #tpu.memory_space<hbm>> -> memref<1x1x4x896xi32, #tpu.memory_space<hbm>>
          %dma_start3A_272 = tpu.memref_squeeze %dma_start3A_271 : memref<1x1x4x896xi32, #tpu.memory_space<hbm>> -> memref<4x896xi32, #tpu.memory_space<hbm>>
          tpu.enqueue_dma source(%dma_start3A_272 : memref<4x896xi32, #tpu.memory_space<hbm>>) target(%arg7 : memref<4x896xi32, #tpu.memory_space<vmem>>) target_semaphore(%arg13 : memref<!tpu.dma_semaphore, #tpu.memory_space<semaphore_mem>>)
          %dma_start3A_273 = arith.constant 0 : i32
          %dma_start3A_274 = arith.constant 0 : i32
          %dma_start3A_275 = tpu.memref_slice %arg3[%select_n3A, %add3A_264, %dma_start3A_273, %dma_start3A_274] : memref<4x56x4x896xf32, #tpu.memory_space<hbm>> -> memref<1x1x4x896xf32, #tpu.memory_space<hbm>>
          %dma_start3A_276 = tpu.memref_squeeze %dma_start3A_275 : memref<1x1x4x896xf32, #tpu.memory_space<hbm>> -> memref<4x896xf32, #tpu.memory_space<hbm>>
          %dma_start3A_277 = arith.constant 0 : i32
          %dma_start3A_278 = arith.constant 0 : i32
          %dma_start3A_279 = tpu.memref_slice %arg3[%select_n3A, %add3A_264, %dma_start3A_277, %dma_start3A_278] : memref<4x56x4x896xf32, #tpu.memory_space<hbm>> -> memref<1x1x4x896xf32, #tpu.memory_space<hbm>>
          %dma_start3A_280 = tpu.memref_squeeze %dma_start3A_279 : memref<1x1x4x896xf32, #tpu.memory_space<hbm>> -> memref<4x896xf32, #tpu.memory_space<hbm>>
          tpu.enqueue_dma source(%dma_start3A_280 : memref<4x896xf32, #tpu.memory_space<hbm>>) target(%arg8 : memref<4x896xf32, #tpu.memory_space<vmem>>) target_semaphore(%arg13 : memref<!tpu.dma_semaphore, #tpu.memory_space<semaphore_mem>>)
          %mul3A_281 = arith.constant 896 : i32
          %mul3A_282 = arith.muli %add3A_264, %mul3A_281 : i32
          %dma_start3A_283 = arith.constant 0 : i32
          %dma_start3A_284 = arith.constant 0 : i32
          %dma_start3A_285 = tpu.memref_slice %arg9[%dma_start3A_283, %dma_start3A_284] : memref<2x896xf32, #tpu.memory_space<vmem>> -> memref<1x896xf32, #tpu.memory_space<vmem>>
          %dma_start3A_286 = tpu.memref_squeeze %dma_start3A_285 : memref<1x896xf32, #tpu.memory_space<vmem>> -> memref<896xf32, #tpu.memory_space<vmem>>
          %dma_start3A_287 = tpu.memref_slice %arg4[%select_n3A, %mul3A_42, %mul3A_282] : memref<4x96x50176xf32, #tpu.memory_space<hbm>> -> memref<1x1x896xf32, #tpu.memory_space<hbm>>
          %dma_start3A_288 = tpu.memref_squeeze %dma_start3A_287 : memref<1x1x896xf32, #tpu.memory_space<hbm>> -> memref<896xf32, #tpu.memory_space<hbm>>
          %dma_start3A_289 = arith.constant 0 : i32
          %dma_start3A_290 = tpu.memref_slice %arg9[%dma_start3A_283, %dma_start3A_289] : memref<2x896xf32, #tpu.memory_space<vmem>> -> memref<1x896xf32, #tpu.memory_space<vmem>>
          %dma_start3A_291 = tpu.memref_squeeze %dma_start3A_290 : memref<1x896xf32, #tpu.memory_space<vmem>> -> memref<896xf32, #tpu.memory_space<vmem>>
          %dma_start3A_292 = tpu.memref_slice %arg4[%select_n3A, %mul3A_42, %mul3A_282] : memref<4x96x50176xf32, #tpu.memory_space<hbm>> -> memref<1x1x896xf32, #tpu.memory_space<hbm>>
          %dma_start3A_293 = tpu.memref_squeeze %dma_start3A_292 : memref<1x1x896xf32, #tpu.memory_space<hbm>> -> memref<896xf32, #tpu.memory_space<hbm>>
          tpu.enqueue_dma source(%dma_start3A_293 : memref<896xf32, #tpu.memory_space<hbm>>) target(%dma_start3A_291 : memref<896xf32, #tpu.memory_space<vmem>>) target_semaphore(%arg13 : memref<!tpu.dma_semaphore, #tpu.memory_space<semaphore_mem>>)
          %add3A_294 = arith.constant 1 : i32
          %add3A_295 = arith.addi %mul3A_42, %add3A_294 : i32
          %dma_start3A_296 = arith.constant 1 : i32
          %dma_start3A_297 = arith.constant 0 : i32
          %dma_start3A_298 = tpu.memref_slice %arg9[%dma_start3A_296, %dma_start3A_297] : memref<2x896xf32, #tpu.memory_space<vmem>> -> memref<1x896xf32, #tpu.memory_space<vmem>>
          %dma_start3A_299 = tpu.memref_squeeze %dma_start3A_298 : memref<1x896xf32, #tpu.memory_space<vmem>> -> memref<896xf32, #tpu.memory_space<vmem>>
          %dma_start3A_300 = tpu.memref_slice %arg4[%select_n3A, %add3A_295, %mul3A_282] : memref<4x96x50176xf32, #tpu.memory_space<hbm>> -> memref<1x1x896xf32, #tpu.memory_space<hbm>>
          %dma_start3A_301 = tpu.memref_squeeze %dma_start3A_300 : memref<1x1x896xf32, #tpu.memory_space<hbm>> -> memref<896xf32, #tpu.memory_space<hbm>>
          %dma_start3A_302 = arith.constant 0 : i32
          %dma_start3A_303 = tpu.memref_slice %arg9[%dma_start3A_296, %dma_start3A_302] : memref<2x896xf32, #tpu.memory_space<vmem>> -> memref<1x896xf32, #tpu.memory_space<vmem>>
          %dma_start3A_304 = tpu.memref_squeeze %dma_start3A_303 : memref<1x896xf32, #tpu.memory_space<vmem>> -> memref<896xf32, #tpu.memory_space<vmem>>
          %dma_start3A_305 = tpu.memref_slice %arg4[%select_n3A, %add3A_295, %mul3A_282] : memref<4x96x50176xf32, #tpu.memory_space<hbm>> -> memref<1x1x896xf32, #tpu.memory_space<hbm>>
          %dma_start3A_306 = tpu.memref_squeeze %dma_start3A_305 : memref<1x1x896xf32, #tpu.memory_space<hbm>> -> memref<896xf32, #tpu.memory_space<hbm>>
          tpu.enqueue_dma source(%dma_start3A_306 : memref<896xf32, #tpu.memory_space<hbm>>) target(%dma_start3A_304 : memref<896xf32, #tpu.memory_space<vmem>>) target_semaphore(%arg13 : memref<!tpu.dma_semaphore, #tpu.memory_space<semaphore_mem>>)
        } else {
        }
        %dma_wait3A_208 = arith.constant 0 : i32
        %dma_wait3A_209 = arith.constant 0 : i32
        %dma_wait3A_210 = arith.constant 0 : i32
        %dma_wait3A_211 = arith.constant 0 : i32
        %dma_wait3A_212 = tpu.memref_slice %arg2[%dma_wait3A_208, %dma_wait3A_209, %dma_wait3A_210, %dma_wait3A_211] : memref<4x56x4x896xi32, #tpu.memory_space<hbm>> -> memref<1x1x4x896xi32, #tpu.memory_space<hbm>>
        %dma_wait3A_213 = tpu.memref_squeeze %dma_wait3A_212 : memref<1x1x4x896xi32, #tpu.memory_space<hbm>> -> memref<4x896xi32, #tpu.memory_space<hbm>>
        %dma_wait3A_214 = arith.constant 0 : i32
        %dma_wait3A_215 = arith.constant 0 : i32
        %dma_wait3A_216 = tpu.memref_slice %arg2[%dma_wait3A_208, %dma_wait3A_209, %dma_wait3A_214, %dma_wait3A_215] : memref<4x56x4x896xi32, #tpu.memory_space<hbm>> -> memref<1x1x4x896xi32, #tpu.memory_space<hbm>>
        %dma_wait3A_217 = tpu.memref_squeeze %dma_wait3A_216 : memref<1x1x4x896xi32, #tpu.memory_space<hbm>> -> memref<4x896xi32, #tpu.memory_space<hbm>>
        tpu.wait_dma2 semaphore(%arg14 : memref<!tpu.dma_semaphore, #tpu.memory_space<semaphore_mem>>) src(%dma_wait3A_217 : memref<4x896xi32, #tpu.memory_space<hbm>>) dst(%arg10 : memref<4x896xi32, #tpu.memory_space<vmem>>)
        %dma_wait3A_218 = arith.constant 0 : i32
        %dma_wait3A_219 = arith.constant 0 : i32
        %dma_wait3A_220 = arith.constant 0 : i32
        %dma_wait3A_221 = arith.constant 0 : i32
        %dma_wait3A_222 = tpu.memref_slice %arg3[%dma_wait3A_218, %dma_wait3A_219, %dma_wait3A_220, %dma_wait3A_221] : memref<4x56x4x896xf32, #tpu.memory_space<hbm>> -> memref<1x1x4x896xf32, #tpu.memory_space<hbm>>
        %dma_wait3A_223 = tpu.memref_squeeze %dma_wait3A_222 : memref<1x1x4x896xf32, #tpu.memory_space<hbm>> -> memref<4x896xf32, #tpu.memory_space<hbm>>
        %dma_wait3A_224 = arith.constant 0 : i32
        %dma_wait3A_225 = arith.constant 0 : i32
        %dma_wait3A_226 = tpu.memref_slice %arg3[%dma_wait3A_218, %dma_wait3A_219, %dma_wait3A_224, %dma_wait3A_225] : memref<4x56x4x896xf32, #tpu.memory_space<hbm>> -> memref<1x1x4x896xf32, #tpu.memory_space<hbm>>
        %dma_wait3A_227 = tpu.memref_squeeze %dma_wait3A_226 : memref<1x1x4x896xf32, #tpu.memory_space<hbm>> -> memref<4x896xf32, #tpu.memory_space<hbm>>
        tpu.wait_dma2 semaphore(%arg14 : memref<!tpu.dma_semaphore, #tpu.memory_space<semaphore_mem>>) src(%dma_wait3A_227 : memref<4x896xf32, #tpu.memory_space<hbm>>) dst(%arg11 : memref<4x896xf32, #tpu.memory_space<vmem>>)
        %dma_wait3A_228 = arith.constant 0 : i32
        %dma_wait3A_229 = arith.constant 0 : i32
        %dma_wait3A_230 = arith.constant 0 : i32
        %dma_wait3A_231 = arith.constant 0 : i32
        %dma_wait3A_232 = tpu.memref_slice %arg12[%dma_wait3A_230, %dma_wait3A_231] : memref<2x896xf32, #tpu.memory_space<vmem>> -> memref<1x896xf32, #tpu.memory_space<vmem>>
        %dma_wait3A_233 = tpu.memref_squeeze %dma_wait3A_232 : memref<1x896xf32, #tpu.memory_space<vmem>> -> memref<896xf32, #tpu.memory_space<vmem>>
        %dma_wait3A_234 = arith.constant 0 : i32
        %dma_wait3A_235 = tpu.memref_slice %arg4[%dma_wait3A_228, %dma_wait3A_229, %dma_wait3A_234] : memref<4x96x50176xf32, #tpu.memory_space<hbm>> -> memref<1x1x896xf32, #tpu.memory_space<hbm>>
        %dma_wait3A_236 = tpu.memref_squeeze %dma_wait3A_235 : memref<1x1x896xf32, #tpu.memory_space<hbm>> -> memref<896xf32, #tpu.memory_space<hbm>>
        %dma_wait3A_237 = arith.constant 0 : i32
        %dma_wait3A_238 = tpu.memref_slice %arg12[%dma_wait3A_230, %dma_wait3A_237] : memref<2x896xf32, #tpu.memory_space<vmem>> -> memref<1x896xf32, #tpu.memory_space<vmem>>
        %dma_wait3A_239 = tpu.memref_squeeze %dma_wait3A_238 : memref<1x896xf32, #tpu.memory_space<vmem>> -> memref<896xf32, #tpu.memory_space<vmem>>
        %dma_wait3A_240 = arith.constant 0 : i32
        %dma_wait3A_241 = tpu.memref_slice %arg4[%dma_wait3A_228, %dma_wait3A_229, %dma_wait3A_240] : memref<4x96x50176xf32, #tpu.memory_space<hbm>> -> memref<1x1x896xf32, #tpu.memory_space<hbm>>
        %dma_wait3A_242 = tpu.memref_squeeze %dma_wait3A_241 : memref<1x1x896xf32, #tpu.memory_space<hbm>> -> memref<896xf32, #tpu.memory_space<hbm>>
        tpu.wait_dma2 semaphore(%arg14 : memref<!tpu.dma_semaphore, #tpu.memory_space<semaphore_mem>>) src(%dma_wait3A_242 : memref<896xf32, #tpu.memory_space<hbm>>) dst(%dma_wait3A_239 : memref<896xf32, #tpu.memory_space<vmem>>)
        %dma_wait3A_243 = arith.constant 0 : i32
        %dma_wait3A_244 = arith.constant 0 : i32
        %dma_wait3A_245 = arith.constant 1 : i32
        %dma_wait3A_246 = arith.constant 0 : i32
        %dma_wait3A_247 = tpu.memref_slice %arg12[%dma_wait3A_245, %dma_wait3A_246] : memref<2x896xf32, #tpu.memory_space<vmem>> -> memref<1x896xf32, #tpu.memory_space<vmem>>
        %dma_wait3A_248 = tpu.memref_squeeze %dma_wait3A_247 : memref<1x896xf32, #tpu.memory_space<vmem>> -> memref<896xf32, #tpu.memory_space<vmem>>
        %dma_wait3A_249 = arith.constant 0 : i32
        %dma_wait3A_250 = tpu.memref_slice %arg4[%dma_wait3A_243, %dma_wait3A_244, %dma_wait3A_249] : memref<4x96x50176xf32, #tpu.memory_space<hbm>> -> memref<1x1x896xf32, #tpu.memory_space<hbm>>
        %dma_wait3A_251 = tpu.memref_squeeze %dma_wait3A_250 : memref<1x1x896xf32, #tpu.memory_space<hbm>> -> memref<896xf32, #tpu.memory_space<hbm>>
        %dma_wait3A_252 = arith.constant 0 : i32
        %dma_wait3A_253 = tpu.memref_slice %arg12[%dma_wait3A_245, %dma_wait3A_252] : memref<2x896xf32, #tpu.memory_space<vmem>> -> memref<1x896xf32, #tpu.memory_space<vmem>>
        %dma_wait3A_254 = tpu.memref_squeeze %dma_wait3A_253 : memref<1x896xf32, #tpu.memory_space<vmem>> -> memref<896xf32, #tpu.memory_space<vmem>>
        %dma_wait3A_255 = arith.constant 0 : i32
        %dma_wait3A_256 = tpu.memref_slice %arg4[%dma_wait3A_243, %dma_wait3A_244, %dma_wait3A_255] : memref<4x96x50176xf32, #tpu.memory_space<hbm>> -> memref<1x1x896xf32, #tpu.memory_space<hbm>>
        %dma_wait3A_257 = tpu.memref_squeeze %dma_wait3A_256 : memref<1x1x896xf32, #tpu.memory_space<hbm>> -> memref<896xf32, #tpu.memory_space<hbm>>
        tpu.wait_dma2 semaphore(%arg14 : memref<!tpu.dma_semaphore, #tpu.memory_space<semaphore_mem>>) src(%dma_wait3A_257 : memref<896xf32, #tpu.memory_space<hbm>>) dst(%dma_wait3A_254 : memref<896xf32, #tpu.memory_space<vmem>>)
        %scan3A_258 = arith.constant 0 : i32
        %scan3A_259 = arith.constant 28 : i32
        %scan3A_260 = arith.addi %scan3A_258, %scan3A_259 : i32
        %scan3A_261 = arith.constant 1 : i32
        scf.for %scan3A_263 = %scan3A_258 to %scan3A_260 step %scan3A_261  : i32 {
          %mul3A_264 = arith.constant 32 : i32
          %mul3A_265 = arith.muli %scan3A_263, %mul3A_264 : i32
          %get3A = arith.constant 0 : i32
          %get3A_266 = arith.index_cast %get3A : i32 to index
          %get3A_267 = arith.index_cast %mul3A_265 : i32 to index
          %get3A_268 = tpu.vector_load %arg12[%get3A_266, %get3A_267] {strides = array<i32>} : memref<2x896xf32, #tpu.memory_space<vmem>>, vector<16xf32>,
          %get3A_269 = arith.constant 1 : i32
          %get3A_270 = arith.index_cast %get3A_269 : i32 to index
          %get3A_271 = arith.index_cast %mul3A_265 : i32 to index
          %get3A_272 = tpu.vector_load %arg12[%get3A_270, %get3A_271] {strides = array<i32>} : memref<2x896xf32, #tpu.memory_space<vmem>>, vector<16xf32>,
          %get3A_273 = arith.constant 0 : i32
          %get3A_274 = arith.index_cast %get3A_273 : i32 to index
          %get3A_275 = arith.index_cast %mul3A_265 : i32 to index
          %get3A_276 = tpu.vector_load %arg10[%get3A_274, %get3A_275] {strides = array<i32>} : memref<4x896xi32, #tpu.memory_space<vmem>>, vector<16xi32>,
          %get3A_277 = arith.constant 0 : i32
          %get3A_278 = arith.index_cast %get3A_277 : i32 to index
          %get3A_279 = arith.index_cast %mul3A_265 : i32 to index
          %get3A_280 = tpu.vector_load %arg11[%get3A_278, %get3A_279] {strides = array<i32>} : memref<4x896xf32, #tpu.memory_space<vmem>>, vector<16xf32>,
          %mul3A_281 = arith.mulf %get3A_280, %get3A_268 : vector<16xf32>
          tpu.vector_store_idx %arg6[%get3A_276], %mul3A_281 {add = true} : memref<100352xf32, #tpu.memory_space<vmem>>[vector<16xi32>], vector<16xf32>,
          %add3A_282 = arith.constant 50176 : i32
          %add3A_283 = vector.broadcast %add3A_282 : i32 to vector<16xi32>
          %add3A_284 = arith.addi %get3A_276, %add3A_283 : vector<16xi32>
          %mul3A_285 = arith.mulf %get3A_280, %get3A_272 : vector<16xf32>
          tpu.vector_store_idx %arg6[%add3A_284], %mul3A_285 {add = true} : memref<100352xf32, #tpu.memory_space<vmem>>[vector<16xi32>], vector<16xf32>,
          %get3A_286 = arith.constant 1 : i32
          %get3A_287 = arith.index_cast %get3A_286 : i32 to index
          %get3A_288 = arith.index_cast %mul3A_265 : i32 to index
          %get3A_289 = tpu.vector_load %arg10[%get3A_287, %get3A_288] {strides = array<i32>} : memref<4x896xi32, #tpu.memory_space<vmem>>, vector<16xi32>,
          %get3A_290 = arith.constant 1 : i32
          %get3A_291 = arith.index_cast %get3A_290 : i32 to index
          %get3A_292 = arith.index_cast %mul3A_265 : i32 to index
          %get3A_293 = tpu.vector_load %arg11[%get3A_291, %get3A_292] {strides = array<i32>} : memref<4x896xf32, #tpu.memory_space<vmem>>, vector<16xf32>,
          %mul3A_294 = arith.mulf %get3A_293, %get3A_268 : vector<16xf32>
          tpu.vector_store_idx %arg6[%get3A_289], %mul3A_294 {add = true} : memref<100352xf32, #tpu.memory_space<vmem>>[vector<16xi32>], vector<16xf32>,
          %add3A_295 = arith.constant 50176 : i32
          %add3A_296 = vector.broadcast %add3A_295 : i32 to vector<16xi32>
          %add3A_297 = arith.addi %get3A_289, %add3A_296 : vector<16xi32>
          %mul3A_298 = arith.mulf %get3A_293, %get3A_272 : vector<16xf32>
          tpu.vector_store_idx %arg6[%add3A_297], %mul3A_298 {add = true} : memref<100352xf32, #tpu.memory_space<vmem>>[vector<16xi32>], vector<16xf32>,
          %get3A_299 = arith.constant 2 : i32
          %get3A_300 = arith.index_cast %get3A_299 : i32 to index
          %get3A_301 = arith.index_cast %mul3A_265 : i32 to index
          %get3A_302 = tpu.vector_load %arg10[%get3A_300, %get3A_301] {strides = array<i32>} : memref<4x896xi32, #tpu.memory_space<vmem>>, vector<16xi32>,
          %get3A_303 = arith.constant 2 : i32
          %get3A_304 = arith.index_cast %get3A_303 : i32 to index
          %get3A_305 = arith.index_cast %mul3A_265 : i32 to index
          %get3A_306 = tpu.vector_load %arg11[%get3A_304, %get3A_305] {strides = array<i32>} : memref<4x896xf32, #tpu.memory_space<vmem>>, vector<16xf32>,
          %mul3A_307 = arith.mulf %get3A_306, %get3A_268 : vector<16xf32>
          tpu.vector_store_idx %arg6[%get3A_302], %mul3A_307 {add = true} : memref<100352xf32, #tpu.memory_space<vmem>>[vector<16xi32>], vector<16xf32>,
          %add3A_308 = arith.constant 50176 : i32
          %add3A_309 = vector.broadcast %add3A_308 : i32 to vector<16xi32>
          %add3A_310 = arith.addi %get3A_302, %add3A_309 : vector<16xi32>
          %mul3A_311 = arith.mulf %get3A_306, %get3A_272 : vector<16xf32>
          tpu.vector_store_idx %arg6[%add3A_310], %mul3A_311 {add = true} : memref<100352xf32, #tpu.memory_space<vmem>>[vector<16xi32>], vector<16xf32>,
          %get3A_312 = arith.constant 3 : i32
          %get3A_313 = arith.index_cast %get3A_312 : i32 to index
          %get3A_314 = arith.index_cast %mul3A_265 : i32 to index
          %get3A_315 = tpu.vector_load %arg10[%get3A_313, %get3A_314] {strides = array<i32>} : memref<4x896xi32, #tpu.memory_space<vmem>>, vector<16xi32>,
          %get3A_316 = arith.constant 3 : i32
          %get3A_317 = arith.index_cast %get3A_316 : i32 to index
          %get3A_318 = arith.index_cast %mul3A_265 : i32 to index
          %get3A_319 = tpu.vector_load %arg11[%get3A_317, %get3A_318] {strides = array<i32>} : memref<4x896xf32, #tpu.memory_space<vmem>>, vector<16xf32>,
          %mul3A_320 = arith.mulf %get3A_319, %get3A_268 : vector<16xf32>
          tpu.vector_store_idx %arg6[%get3A_315], %mul3A_320 {add = true} : memref<100352xf32, #tpu.memory_space<vmem>>[vector<16xi32>], vector<16xf32>,
          %add3A_321 = arith.constant 50176 : i32
          %add3A_322 = vector.broadcast %add3A_321 : i32 to vector<16xi32>
          %add3A_323 = arith.addi %get3A_315, %add3A_322 : vector<16xi32>
          %mul3A_324 = arith.mulf %get3A_319, %get3A_272 : vector<16xf32>
          tpu.vector_store_idx %arg6[%add3A_323], %mul3A_324 {add = true} : memref<100352xf32, #tpu.memory_space<vmem>>[vector<16xi32>], vector<16xf32>,
          %add3A_325 = arith.constant 16 : i32
          %add3A_326 = arith.addi %mul3A_265, %add3A_325 : i32
          %get3A_327 = arith.constant 0 : i32
          %get3A_328 = arith.index_cast %get3A_327 : i32 to index
          %get3A_329 = arith.index_cast %add3A_326 : i32 to index
          %get3A_330 = tpu.vector_load %arg12[%get3A_328, %get3A_329] {strides = array<i32>} : memref<2x896xf32, #tpu.memory_space<vmem>>, vector<16xf32>,
          %get3A_331 = arith.constant 1 : i32
          %get3A_332 = arith.index_cast %get3A_331 : i32 to index
          %get3A_333 = arith.index_cast %add3A_326 : i32 to index
          %get3A_334 = tpu.vector_load %arg12[%get3A_332, %get3A_333] {strides = array<i32>} : memref<2x896xf32, #tpu.memory_space<vmem>>, vector<16xf32>,
          %get3A_335 = arith.constant 0 : i32
          %get3A_336 = arith.index_cast %get3A_335 : i32 to index
          %get3A_337 = arith.index_cast %add3A_326 : i32 to index
          %get3A_338 = tpu.vector_load %arg10[%get3A_336, %get3A_337] {strides = array<i32>} : memref<4x896xi32, #tpu.memory_space<vmem>>, vector<16xi32>,
          %get3A_339 = arith.constant 0 : i32
          %get3A_340 = arith.index_cast %get3A_339 : i32 to index
          %get3A_341 = arith.index_cast %add3A_326 : i32 to index
          %get3A_342 = tpu.vector_load %arg11[%get3A_340, %get3A_341] {strides = array<i32>} : memref<4x896xf32, #tpu.memory_space<vmem>>, vector<16xf32>,
          %mul3A_343 = arith.mulf %get3A_342, %get3A_330 : vector<16xf32>
          tpu.vector_store_idx %arg6[%get3A_338], %mul3A_343 {add = true} : memref<100352xf32, #tpu.memory_space<vmem>>[vector<16xi32>], vector<16xf32>,
          %add3A_344 = arith.constant 50176 : i32
          %add3A_345 = vector.broadcast %add3A_344 : i32 to vector<16xi32>
          %add3A_346 = arith.addi %get3A_338, %add3A_345 : vector<16xi32>
          %mul3A_347 = arith.mulf %get3A_342, %get3A_334 : vector<16xf32>
          tpu.vector_store_idx %arg6[%add3A_346], %mul3A_347 {add = true} : memref<100352xf32, #tpu.memory_space<vmem>>[vector<16xi32>], vector<16xf32>,
          %get3A_348 = arith.constant 1 : i32
          %get3A_349 = arith.index_cast %get3A_348 : i32 to index
          %get3A_350 = arith.index_cast %add3A_326 : i32 to index
          %get3A_351 = tpu.vector_load %arg10[%get3A_349, %get3A_350] {strides = array<i32>} : memref<4x896xi32, #tpu.memory_space<vmem>>, vector<16xi32>,
          %get3A_352 = arith.constant 1 : i32
          %get3A_353 = arith.index_cast %get3A_352 : i32 to index
          %get3A_354 = arith.index_cast %add3A_326 : i32 to index
          %get3A_355 = tpu.vector_load %arg11[%get3A_353, %get3A_354] {strides = array<i32>} : memref<4x896xf32, #tpu.memory_space<vmem>>, vector<16xf32>,
          %mul3A_356 = arith.mulf %get3A_355, %get3A_330 : vector<16xf32>
          tpu.vector_store_idx %arg6[%get3A_351], %mul3A_356 {add = true} : memref<100352xf32, #tpu.memory_space<vmem>>[vector<16xi32>], vector<16xf32>,
          %add3A_357 = arith.constant 50176 : i32
          %add3A_358 = vector.broadcast %add3A_357 : i32 to vector<16xi32>
          %add3A_359 = arith.addi %get3A_351, %add3A_358 : vector<16xi32>
          %mul3A_360 = arith.mulf %get3A_355, %get3A_334 : vector<16xf32>
          tpu.vector_store_idx %arg6[%add3A_359], %mul3A_360 {add = true} : memref<100352xf32, #tpu.memory_space<vmem>>[vector<16xi32>], vector<16xf32>,
          %get3A_361 = arith.constant 2 : i32
          %get3A_362 = arith.index_cast %get3A_361 : i32 to index
          %get3A_363 = arith.index_cast %add3A_326 : i32 to index
          %get3A_364 = tpu.vector_load %arg10[%get3A_362, %get3A_363] {strides = array<i32>} : memref<4x896xi32, #tpu.memory_space<vmem>>, vector<16xi32>,
          %get3A_365 = arith.constant 2 : i32
          %get3A_366 = arith.index_cast %get3A_365 : i32 to index
          %get3A_367 = arith.index_cast %add3A_326 : i32 to index
          %get3A_368 = tpu.vector_load %arg11[%get3A_366, %get3A_367] {strides = array<i32>} : memref<4x896xf32, #tpu.memory_space<vmem>>, vector<16xf32>,
          %mul3A_369 = arith.mulf %get3A_368, %get3A_330 : vector<16xf32>
          tpu.vector_store_idx %arg6[%get3A_364], %mul3A_369 {add = true} : memref<100352xf32, #tpu.memory_space<vmem>>[vector<16xi32>], vector<16xf32>,
          %add3A_370 = arith.constant 50176 : i32
          %add3A_371 = vector.broadcast %add3A_370 : i32 to vector<16xi32>
          %add3A_372 = arith.addi %get3A_364, %add3A_371 : vector<16xi32>
          %mul3A_373 = arith.mulf %get3A_368, %get3A_334 : vector<16xf32>
          tpu.vector_store_idx %arg6[%add3A_372], %mul3A_373 {add = true} : memref<100352xf32, #tpu.memory_space<vmem>>[vector<16xi32>], vector<16xf32>,
          %get3A_374 = arith.constant 3 : i32
          %get3A_375 = arith.index_cast %get3A_374 : i32 to index
          %get3A_376 = arith.index_cast %add3A_326 : i32 to index
          %get3A_377 = tpu.vector_load %arg10[%get3A_375, %get3A_376] {strides = array<i32>} : memref<4x896xi32, #tpu.memory_space<vmem>>, vector<16xi32>,
          %get3A_378 = arith.constant 3 : i32
          %get3A_379 = arith.index_cast %get3A_378 : i32 to index
          %get3A_380 = arith.index_cast %add3A_326 : i32 to index
          %get3A_381 = tpu.vector_load %arg11[%get3A_379, %get3A_380] {strides = array<i32>} : memref<4x896xf32, #tpu.memory_space<vmem>>, vector<16xf32>,
          %mul3A_382 = arith.mulf %get3A_381, %get3A_330 : vector<16xf32>
          tpu.vector_store_idx %arg6[%get3A_377], %mul3A_382 {add = true} : memref<100352xf32, #tpu.memory_space<vmem>>[vector<16xi32>], vector<16xf32>,
          %add3A_383 = arith.constant 50176 : i32
          %add3A_384 = vector.broadcast %add3A_383 : i32 to vector<16xi32>
          %add3A_385 = arith.addi %get3A_377, %add3A_384 : vector<16xi32>
          %mul3A_386 = arith.mulf %get3A_381, %get3A_334 : vector<16xf32>
          tpu.vector_store_idx %arg6[%add3A_385], %mul3A_386 {add = true} : memref<100352xf32, #tpu.memory_space<vmem>>[vector<16xi32>], vector<16xf32>,
        }
        %scan3A_262 = arith.constant 28 : i32
      }
      %scan3A_97 = arith.constant 28 : i32
      "tpu.region"() ({
        %run_scoped3A = tpu.sem_alloc : memref<!tpu.dma_semaphore, #tpu.memory_space<semaphore_mem>>
        %dma_start3A_100 = arith.constant 0 : i32
        %dma_start3A_101 = tpu.memref_slice %arg6[%dma_start3A_100] : memref<100352xf32, #tpu.memory_space<vmem>> -> memref<50176xf32, #tpu.memory_space<vmem>>
        %dma_start3A_102 = arith.constant 0 : i32
        %dma_start3A_103 = tpu.memref_slice %arg5[%select_n3A, %mul3A_42, %dma_start3A_102] : memref<4x98x50176xf32, #tpu.memory_space<hbm>> -> memref<1x1x50176xf32, #tpu.memory_space<hbm>>
        %dma_start3A_104 = tpu.memref_squeeze %dma_start3A_103 : memref<1x1x50176xf32, #tpu.memory_space<hbm>> -> memref<50176xf32, #tpu.memory_space<hbm>>
        %dma_start3A_105 = arith.constant 0 : i32
        %dma_start3A_106 = tpu.memref_slice %arg5[%select_n3A, %mul3A_42, %dma_start3A_105] : memref<4x98x50176xf32, #tpu.memory_space<hbm>> -> memref<1x1x50176xf32, #tpu.memory_space<hbm>>
        %dma_start3A_107 = tpu.memref_squeeze %dma_start3A_106 : memref<1x1x50176xf32, #tpu.memory_space<hbm>> -> memref<50176xf32, #tpu.memory_space<hbm>>
        %dma_start3A_108 = arith.constant 0 : i32
        %dma_start3A_109 = tpu.memref_slice %arg6[%dma_start3A_108] : memref<100352xf32, #tpu.memory_space<vmem>> -> memref<50176xf32, #tpu.memory_space<vmem>>
        tpu.enqueue_dma source(%dma_start3A_109 : memref<50176xf32, #tpu.memory_space<vmem>>) target(%dma_start3A_107 : memref<50176xf32, #tpu.memory_space<hbm>>) target_semaphore(%run_scoped3A : memref<!tpu.dma_semaphore, #tpu.memory_space<semaphore_mem>>)
        %dma_wait3A = arith.constant 0 : i32
        %dma_wait3A_110 = tpu.memref_slice %arg6[%dma_wait3A] : memref<100352xf32, #tpu.memory_space<vmem>> -> memref<50176xf32, #tpu.memory_space<vmem>>
        %dma_wait3A_111 = arith.constant 0 : i32
        %dma_wait3A_112 = tpu.memref_slice %arg5[%select_n3A, %mul3A_42, %dma_wait3A_111] : memref<4x98x50176xf32, #tpu.memory_space<hbm>> -> memref<1x1x50176xf32, #tpu.memory_space<hbm>>
        %dma_wait3A_113 = tpu.memref_squeeze %dma_wait3A_112 : memref<1x1x50176xf32, #tpu.memory_space<hbm>> -> memref<50176xf32, #tpu.memory_space<hbm>>
        %dma_wait3A_114 = arith.constant 0 : i32
        %dma_wait3A_115 = tpu.memref_slice %arg5[%select_n3A, %mul3A_42, %dma_wait3A_114] : memref<4x98x50176xf32, #tpu.memory_space<hbm>> -> memref<1x1x50176xf32, #tpu.memory_space<hbm>>
        %dma_wait3A_116 = tpu.memref_squeeze %dma_wait3A_115 : memref<1x1x50176xf32, #tpu.memory_space<hbm>> -> memref<50176xf32, #tpu.memory_space<hbm>>
        %dma_wait3A_117 = arith.constant 0 : i32
        %dma_wait3A_118 = tpu.memref_slice %arg6[%dma_wait3A_117] : memref<100352xf32, #tpu.memory_space<vmem>> -> memref<50176xf32, #tpu.memory_space<vmem>>
        tpu.wait_dma2 semaphore(%run_scoped3A : memref<!tpu.dma_semaphore, #tpu.memory_space<semaphore_mem>>) src(%dma_wait3A_118 : memref<50176xf32, #tpu.memory_space<vmem>>) dst(%dma_wait3A_116 : memref<50176xf32, #tpu.memory_space<hbm>>)
        tpu.yield
      }) : () -> ()
      %add3A_98 = arith.constant 1 : i32
      %add3A_99 = arith.addi %mul3A_42, %add3A_98 : i32
      "tpu.region"() ({
        %run_scoped3A = tpu.sem_alloc : memref<!tpu.dma_semaphore, #tpu.memory_space<semaphore_mem>>
        %dma_start3A_100 = arith.constant 50176 : i32
        %dma_start3A_101 = tpu.memref_slice %arg6[%dma_start3A_100] : memref<100352xf32, #tpu.memory_space<vmem>> -> memref<50176xf32, #tpu.memory_space<vmem>>
        %dma_start3A_102 = arith.constant 0 : i32
        %dma_start3A_103 = tpu.memref_slice %arg5[%select_n3A, %add3A_99, %dma_start3A_102] : memref<4x98x50176xf32, #tpu.memory_space<hbm>> -> memref<1x1x50176xf32, #tpu.memory_space<hbm>>
        %dma_start3A_104 = tpu.memref_squeeze %dma_start3A_103 : memref<1x1x50176xf32, #tpu.memory_space<hbm>> -> memref<50176xf32, #tpu.memory_space<hbm>>
        %dma_start3A_105 = arith.constant 0 : i32
        %dma_start3A_106 = tpu.memref_slice %arg5[%select_n3A, %add3A_99, %dma_start3A_105] : memref<4x98x50176xf32, #tpu.memory_space<hbm>> -> memref<1x1x50176xf32, #tpu.memory_space<hbm>>
        %dma_start3A_107 = tpu.memref_squeeze %dma_start3A_106 : memref<1x1x50176xf32, #tpu.memory_space<hbm>> -> memref<50176xf32, #tpu.memory_space<hbm>>
        %dma_start3A_108 = arith.constant 50176 : i32
        %dma_start3A_109 = tpu.memref_slice %arg6[%dma_start3A_108] : memref<100352xf32, #tpu.memory_space<vmem>> -> memref<50176xf32, #tpu.memory_space<vmem>>
        tpu.enqueue_dma source(%dma_start3A_109 : memref<50176xf32, #tpu.memory_space<vmem>>) target(%dma_start3A_107 : memref<50176xf32, #tpu.memory_space<hbm>>) target_semaphore(%run_scoped3A : memref<!tpu.dma_semaphore, #tpu.memory_space<semaphore_mem>>)
        %dma_wait3A = arith.constant 50176 : i32
        %dma_wait3A_110 = tpu.memref_slice %arg6[%dma_wait3A] : memref<100352xf32, #tpu.memory_space<vmem>> -> memref<50176xf32, #tpu.memory_space<vmem>>
        %dma_wait3A_111 = arith.constant 0 : i32
        %dma_wait3A_112 = tpu.memref_slice %arg5[%select_n3A, %add3A_99, %dma_wait3A_111] : memref<4x98x50176xf32, #tpu.memory_space<hbm>> -> memref<1x1x50176xf32, #tpu.memory_space<hbm>>
        %dma_wait3A_113 = tpu.memref_squeeze %dma_wait3A_112 : memref<1x1x50176xf32, #tpu.memory_space<hbm>> -> memref<50176xf32, #tpu.memory_space<hbm>>
        %dma_wait3A_114 = arith.constant 0 : i32
        %dma_wait3A_115 = tpu.memref_slice %arg5[%select_n3A, %add3A_99, %dma_wait3A_114] : memref<4x98x50176xf32, #tpu.memory_space<hbm>> -> memref<1x1x50176xf32, #tpu.memory_space<hbm>>
        %dma_wait3A_116 = tpu.memref_squeeze %dma_wait3A_115 : memref<1x1x50176xf32, #tpu.memory_space<hbm>> -> memref<50176xf32, #tpu.memory_space<hbm>>
        %dma_wait3A_117 = arith.constant 50176 : i32
        %dma_wait3A_118 = tpu.memref_slice %arg6[%dma_wait3A_117] : memref<100352xf32, #tpu.memory_space<vmem>> -> memref<50176xf32, #tpu.memory_space<vmem>>
        tpu.wait_dma2 semaphore(%run_scoped3A : memref<!tpu.dma_semaphore, #tpu.memory_space<semaphore_mem>>) src(%dma_wait3A_118 : memref<50176xf32, #tpu.memory_space<vmem>>) dst(%dma_wait3A_116 : memref<50176xf32, #tpu.memory_space<hbm>>)
        tpu.yield
      }) : () -> ()
    }
    %scan3A_4 = arith.constant 6 : i32
    %ge3A = arith.constant 28 : i32
    %ge3A_5 = arith.cmpi sge, %add3A, %ge3A : i32
    %convert_element_type3A = arith.extui %ge3A_5 : i1 to i32
    %cond3A = arith.constant 0 : i32
    %cond3A_6 = arith.cmpi ne, %convert_element_type3A, %cond3A : i32
    scf.if %cond3A_6 {
      %sub3A = arith.constant 28 : i32
      %sub3A_7 = arith.subi %add3A, %sub3A : i32
      %dma_start3A = arith.constant 0 : i32
      %dma_start3A_8 = arith.constant 0 : i32
      %dma_start3A_9 = arith.constant 0 : i32
      %dma_start3A_10 = tpu.memref_slice %arg2[%sub3A_7, %dma_start3A, %dma_start3A_8, %dma_start3A_9] : memref<4x56x4x896xi32, #tpu.memory_space<hbm>> -> memref<1x1x4x896xi32, #tpu.memory_space<hbm>>
      %dma_start3A_11 = tpu.memref_squeeze %dma_start3A_10 : memref<1x1x4x896xi32, #tpu.memory_space<hbm>> -> memref<4x896xi32, #tpu.memory_space<hbm>>
      %dma_start3A_12 = arith.constant 0 : i32
      %dma_start3A_13 = arith.constant 0 : i32
      %dma_start3A_14 = tpu.memref_slice %arg2[%sub3A_7, %dma_start3A, %dma_start3A_12, %dma_start3A_13] : memref<4x56x4x896xi32, #tpu.memory_space<hbm>> -> memref<1x1x4x896xi32, #tpu.memory_space<hbm>>
      %dma_start3A_15 = tpu.memref_squeeze %dma_start3A_14 : memref<1x1x4x896xi32, #tpu.memory_space<hbm>> -> memref<4x896xi32, #tpu.memory_space<hbm>>
      tpu.enqueue_dma source(%dma_start3A_15 : memref<4x896xi32, #tpu.memory_space<hbm>>) target(%arg7 : memref<4x896xi32, #tpu.memory_space<vmem>>) target_semaphore(%arg13 : memref<!tpu.dma_semaphore, #tpu.memory_space<semaphore_mem>>)
      %dma_start3A_16 = arith.constant 0 : i32
      %dma_start3A_17 = arith.constant 0 : i32
      %dma_start3A_18 = arith.constant 0 : i32
      %dma_start3A_19 = tpu.memref_slice %arg3[%sub3A_7, %dma_start3A_16, %dma_start3A_17, %dma_start3A_18] : memref<4x56x4x896xf32, #tpu.memory_space<hbm>> -> memref<1x1x4x896xf32, #tpu.memory_space<hbm>>
      %dma_start3A_20 = tpu.memref_squeeze %dma_start3A_19 : memref<1x1x4x896xf32, #tpu.memory_space<hbm>> -> memref<4x896xf32, #tpu.memory_space<hbm>>
      %dma_start3A_21 = arith.constant 0 : i32
      %dma_start3A_22 = arith.constant 0 : i32
      %dma_start3A_23 = tpu.memref_slice %arg3[%sub3A_7, %dma_start3A_16, %dma_start3A_21, %dma_start3A_22] : memref<4x56x4x896xf32, #tpu.memory_space<hbm>> -> memref<1x1x4x896xf32, #tpu.memory_space<hbm>>
      %dma_start3A_24 = tpu.memref_squeeze %dma_start3A_23 : memref<1x1x4x896xf32, #tpu.memory_space<hbm>> -> memref<4x896xf32, #tpu.memory_space<hbm>>
      tpu.enqueue_dma source(%dma_start3A_24 : memref<4x896xf32, #tpu.memory_space<hbm>>) target(%arg8 : memref<4x896xf32, #tpu.memory_space<vmem>>) target_semaphore(%arg13 : memref<!tpu.dma_semaphore, #tpu.memory_space<semaphore_mem>>)
      %scan3A_25 = arith.constant 0 : i32
      %scan3A_26 = arith.constant 196 : i32
      %scan3A_27 = arith.addi %scan3A_25, %scan3A_26 : i32
      %scan3A_28 = arith.constant 1 : i32
      scf.for %scan3A_36 = %scan3A_25 to %scan3A_27 step %scan3A_28  : i32 {
        %mul3A_37 = arith.constant 512 : i32
        %mul3A_38 = arith.muli %scan3A_36, %mul3A_37 : i32
        %broadcast_in_dim3A = arith.constant 0.000000e+00 : f32
        %broadcast_in_dim3A_39 = vector.broadcast %broadcast_in_dim3A : f32 to vector<16xf32>
        %add3A_40 = arith.constant 0 : i32
        %add3A_41 = arith.addi %mul3A_38, %add3A_40 : i32
        %swap3A = arith.index_cast %add3A_41 : i32 to index
        %swap3A_42 = tpu.vector_load %arg6[%swap3A] {strides = array<i32>} : memref<100352xf32, #tpu.memory_space<vmem>>, vector<16xf32>,
        tpu.vector_store %arg6[%swap3A], %broadcast_in_dim3A_39 {strides = array<i32>} : memref<100352xf32, #tpu.memory_space<vmem>>, vector<16xf32>,
        %broadcast_in_dim3A_43 = arith.constant 0.000000e+00 : f32
        %broadcast_in_dim3A_44 = vector.broadcast %broadcast_in_dim3A_43 : f32 to vector<16xf32>
        %add3A_45 = arith.constant 16 : i32
        %add3A_46 = arith.addi %mul3A_38, %add3A_45 : i32
        %swap3A_47 = arith.index_cast %add3A_46 : i32 to index
        %swap3A_48 = tpu.vector_load %arg6[%swap3A_47] {strides = array<i32>} : memref<100352xf32, #tpu.memory_space<vmem>>, vector<16xf32>,
        tpu.vector_store %arg6[%swap3A_47], %broadcast_in_dim3A_44 {strides = array<i32>} : memref<100352xf32, #tpu.memory_space<vmem>>, vector<16xf32>,
        %broadcast_in_dim3A_49 = arith.constant 0.000000e+00 : f32
        %broadcast_in_dim3A_50 = vector.broadcast %broadcast_in_dim3A_49 : f32 to vector<16xf32>
        %add3A_51 = arith.constant 32 : i32
        %add3A_52 = arith.addi %mul3A_38, %add3A_51 : i32
        %swap3A_53 = arith.index_cast %add3A_52 : i32 to index
        %swap3A_54 = tpu.vector_load %arg6[%swap3A_53] {strides = array<i32>} : memref<100352xf32, #tpu.memory_space<vmem>>, vector<16xf32>,
        tpu.vector_store %arg6[%swap3A_53], %broadcast_in_dim3A_50 {strides = array<i32>} : memref<100352xf32, #tpu.memory_space<vmem>>, vector<16xf32>,
        %broadcast_in_dim3A_55 = arith.constant 0.000000e+00 : f32
        %broadcast_in_dim3A_56 = vector.broadcast %broadcast_in_dim3A_55 : f32 to vector<16xf32>
        %add3A_57 = arith.constant 48 : i32
        %add3A_58 = arith.addi %mul3A_38, %add3A_57 : i32
        %swap3A_59 = arith.index_cast %add3A_58 : i32 to index
        %swap3A_60 = tpu.vector_load %arg6[%swap3A_59] {strides = array<i32>} : memref<100352xf32, #tpu.memory_space<vmem>>, vector<16xf32>,
        tpu.vector_store %arg6[%swap3A_59], %broadcast_in_dim3A_56 {strides = array<i32>} : memref<100352xf32, #tpu.memory_space<vmem>>, vector<16xf32>,
        %broadcast_in_dim3A_61 = arith.constant 0.000000e+00 : f32
        %broadcast_in_dim3A_62 = vector.broadcast %broadcast_in_dim3A_61 : f32 to vector<16xf32>
        %add3A_63 = arith.constant 64 : i32
        %add3A_64 = arith.addi %mul3A_38, %add3A_63 : i32
        %swap3A_65 = arith.index_cast %add3A_64 : i32 to index
        %swap3A_66 = tpu.vector_load %arg6[%swap3A_65] {strides = array<i32>} : memref<100352xf32, #tpu.memory_space<vmem>>, vector<16xf32>,
        tpu.vector_store %arg6[%swap3A_65], %broadcast_in_dim3A_62 {strides = array<i32>} : memref<100352xf32, #tpu.memory_space<vmem>>, vector<16xf32>,
        %broadcast_in_dim3A_67 = arith.constant 0.000000e+00 : f32
        %broadcast_in_dim3A_68 = vector.broadcast %broadcast_in_dim3A_67 : f32 to vector<16xf32>
        %add3A_69 = arith.constant 80 : i32
        %add3A_70 = arith.addi %mul3A_38, %add3A_69 : i32
        %swap3A_71 = arith.index_cast %add3A_70 : i32 to index
        %swap3A_72 = tpu.vector_load %arg6[%swap3A_71] {strides = array<i32>} : memref<100352xf32, #tpu.memory_space<vmem>>, vector<16xf32>,
        tpu.vector_store %arg6[%swap3A_71], %broadcast_in_dim3A_68 {strides = array<i32>} : memref<100352xf32, #tpu.memory_space<vmem>>, vector<16xf32>,
        %broadcast_in_dim3A_73 = arith.constant 0.000000e+00 : f32
        %broadcast_in_dim3A_74 = vector.broadcast %broadcast_in_dim3A_73 : f32 to vector<16xf32>
        %add3A_75 = arith.constant 96 : i32
        %add3A_76 = arith.addi %mul3A_38, %add3A_75 : i32
        %swap3A_77 = arith.index_cast %add3A_76 : i32 to index
        %swap3A_78 = tpu.vector_load %arg6[%swap3A_77] {strides = array<i32>} : memref<100352xf32, #tpu.memory_space<vmem>>, vector<16xf32>,
        tpu.vector_store %arg6[%swap3A_77], %broadcast_in_dim3A_74 {strides = array<i32>} : memref<100352xf32, #tpu.memory_space<vmem>>, vector<16xf32>,
        %broadcast_in_dim3A_79 = arith.constant 0.000000e+00 : f32
        %broadcast_in_dim3A_80 = vector.broadcast %broadcast_in_dim3A_79 : f32 to vector<16xf32>
        %add3A_81 = arith.constant 112 : i32
        %add3A_82 = arith.addi %mul3A_38, %add3A_81 : i32
        %swap3A_83 = arith.index_cast %add3A_82 : i32 to index
        %swap3A_84 = tpu.vector_load %arg6[%swap3A_83] {strides = array<i32>} : memref<100352xf32, #tpu.memory_space<vmem>>, vector<16xf32>,
        tpu.vector_store %arg6[%swap3A_83], %broadcast_in_dim3A_80 {strides = array<i32>} : memref<100352xf32, #tpu.memory_space<vmem>>, vector<16xf32>,
        %broadcast_in_dim3A_85 = arith.constant 0.000000e+00 : f32
        %broadcast_in_dim3A_86 = vector.broadcast %broadcast_in_dim3A_85 : f32 to vector<16xf32>
        %add3A_87 = arith.constant 128 : i32
        %add3A_88 = arith.addi %mul3A_38, %add3A_87 : i32
        %swap3A_89 = arith.index_cast %add3A_88 : i32 to index
        %swap3A_90 = tpu.vector_load %arg6[%swap3A_89] {strides = array<i32>} : memref<100352xf32, #tpu.memory_space<vmem>>, vector<16xf32>,
        tpu.vector_store %arg6[%swap3A_89], %broadcast_in_dim3A_86 {strides = array<i32>} : memref<100352xf32, #tpu.memory_space<vmem>>, vector<16xf32>,
        %broadcast_in_dim3A_91 = arith.constant 0.000000e+00 : f32
        %broadcast_in_dim3A_92 = vector.broadcast %broadcast_in_dim3A_91 : f32 to vector<16xf32>
        %add3A_93 = arith.constant 144 : i32
        %add3A_94 = arith.addi %mul3A_38, %add3A_93 : i32
        %swap3A_95 = arith.index_cast %add3A_94 : i32 to index
        %swap3A_96 = tpu.vector_load %arg6[%swap3A_95] {strides = array<i32>} : memref<100352xf32, #tpu.memory_space<vmem>>, vector<16xf32>,
        tpu.vector_store %arg6[%swap3A_95], %broadcast_in_dim3A_92 {strides = array<i32>} : memref<100352xf32, #tpu.memory_space<vmem>>, vector<16xf32>,
        %broadcast_in_dim3A_97 = arith.constant 0.000000e+00 : f32
        %broadcast_in_dim3A_98 = vector.broadcast %broadcast_in_dim3A_97 : f32 to vector<16xf32>
        %add3A_99 = arith.constant 160 : i32
        %add3A_100 = arith.addi %mul3A_38, %add3A_99 : i32
        %swap3A_101 = arith.index_cast %add3A_100 : i32 to index
        %swap3A_102 = tpu.vector_load %arg6[%swap3A_101] {strides = array<i32>} : memref<100352xf32, #tpu.memory_space<vmem>>, vector<16xf32>,
        tpu.vector_store %arg6[%swap3A_101], %broadcast_in_dim3A_98 {strides = array<i32>} : memref<100352xf32, #tpu.memory_space<vmem>>, vector<16xf32>,
        %broadcast_in_dim3A_103 = arith.constant 0.000000e+00 : f32
        %broadcast_in_dim3A_104 = vector.broadcast %broadcast_in_dim3A_103 : f32 to vector<16xf32>
        %add3A_105 = arith.constant 176 : i32
        %add3A_106 = arith.addi %mul3A_38, %add3A_105 : i32
        %swap3A_107 = arith.index_cast %add3A_106 : i32 to index
        %swap3A_108 = tpu.vector_load %arg6[%swap3A_107] {strides = array<i32>} : memref<100352xf32, #tpu.memory_space<vmem>>, vector<16xf32>,
        tpu.vector_store %arg6[%swap3A_107], %broadcast_in_dim3A_104 {strides = array<i32>} : memref<100352xf32, #tpu.memory_space<vmem>>, vector<16xf32>,
        %broadcast_in_dim3A_109 = arith.constant 0.000000e+00 : f32
        %broadcast_in_dim3A_110 = vector.broadcast %broadcast_in_dim3A_109 : f32 to vector<16xf32>
        %add3A_111 = arith.constant 192 : i32
        %add3A_112 = arith.addi %mul3A_38, %add3A_111 : i32
        %swap3A_113 = arith.index_cast %add3A_112 : i32 to index
        %swap3A_114 = tpu.vector_load %arg6[%swap3A_113] {strides = array<i32>} : memref<100352xf32, #tpu.memory_space<vmem>>, vector<16xf32>,
        tpu.vector_store %arg6[%swap3A_113], %broadcast_in_dim3A_110 {strides = array<i32>} : memref<100352xf32, #tpu.memory_space<vmem>>, vector<16xf32>,
        %broadcast_in_dim3A_115 = arith.constant 0.000000e+00 : f32
        %broadcast_in_dim3A_116 = vector.broadcast %broadcast_in_dim3A_115 : f32 to vector<16xf32>
        %add3A_117 = arith.constant 208 : i32
        %add3A_118 = arith.addi %mul3A_38, %add3A_117 : i32
        %swap3A_119 = arith.index_cast %add3A_118 : i32 to index
        %swap3A_120 = tpu.vector_load %arg6[%swap3A_119] {strides = array<i32>} : memref<100352xf32, #tpu.memory_space<vmem>>, vector<16xf32>,
        tpu.vector_store %arg6[%swap3A_119], %broadcast_in_dim3A_116 {strides = array<i32>} : memref<100352xf32, #tpu.memory_space<vmem>>, vector<16xf32>,
        %broadcast_in_dim3A_121 = arith.constant 0.000000e+00 : f32
        %broadcast_in_dim3A_122 = vector.broadcast %broadcast_in_dim3A_121 : f32 to vector<16xf32>
        %add3A_123 = arith.constant 224 : i32
        %add3A_124 = arith.addi %mul3A_38, %add3A_123 : i32
        %swap3A_125 = arith.index_cast %add3A_124 : i32 to index
        %swap3A_126 = tpu.vector_load %arg6[%swap3A_125] {strides = array<i32>} : memref<100352xf32, #tpu.memory_space<vmem>>, vector<16xf32>,
        tpu.vector_store %arg6[%swap3A_125], %broadcast_in_dim3A_122 {strides = array<i32>} : memref<100352xf32, #tpu.memory_space<vmem>>, vector<16xf32>,
        %broadcast_in_dim3A_127 = arith.constant 0.000000e+00 : f32
        %broadcast_in_dim3A_128 = vector.broadcast %broadcast_in_dim3A_127 : f32 to vector<16xf32>
        %add3A_129 = arith.constant 240 : i32
        %add3A_130 = arith.addi %mul3A_38, %add3A_129 : i32
        %swap3A_131 = arith.index_cast %add3A_130 : i32 to index
        %swap3A_132 = tpu.vector_load %arg6[%swap3A_131] {strides = array<i32>} : memref<100352xf32, #tpu.memory_space<vmem>>, vector<16xf32>,
        tpu.vector_store %arg6[%swap3A_131], %broadcast_in_dim3A_128 {strides = array<i32>} : memref<100352xf32, #tpu.memory_space<vmem>>, vector<16xf32>,
        %broadcast_in_dim3A_133 = arith.constant 0.000000e+00 : f32
        %broadcast_in_dim3A_134 = vector.broadcast %broadcast_in_dim3A_133 : f32 to vector<16xf32>
        %add3A_135 = arith.constant 256 : i32
        %add3A_136 = arith.addi %mul3A_38, %add3A_135 : i32
        %swap3A_137 = arith.index_cast %add3A_136 : i32 to index
        %swap3A_138 = tpu.vector_load %arg6[%swap3A_137] {strides = array<i32>} : memref<100352xf32, #tpu.memory_space<vmem>>, vector<16xf32>,
        tpu.vector_store %arg6[%swap3A_137], %broadcast_in_dim3A_134 {strides = array<i32>} : memref<100352xf32, #tpu.memory_space<vmem>>, vector<16xf32>,
        %broadcast_in_dim3A_139 = arith.constant 0.000000e+00 : f32
        %broadcast_in_dim3A_140 = vector.broadcast %broadcast_in_dim3A_139 : f32 to vector<16xf32>
        %add3A_141 = arith.constant 272 : i32
        %add3A_142 = arith.addi %mul3A_38, %add3A_141 : i32
        %swap3A_143 = arith.index_cast %add3A_142 : i32 to index
        %swap3A_144 = tpu.vector_load %arg6[%swap3A_143] {strides = array<i32>} : memref<100352xf32, #tpu.memory_space<vmem>>, vector<16xf32>,
        tpu.vector_store %arg6[%swap3A_143], %broadcast_in_dim3A_140 {strides = array<i32>} : memref<100352xf32, #tpu.memory_space<vmem>>, vector<16xf32>,
        %broadcast_in_dim3A_145 = arith.constant 0.000000e+00 : f32
        %broadcast_in_dim3A_146 = vector.broadcast %broadcast_in_dim3A_145 : f32 to vector<16xf32>
        %add3A_147 = arith.constant 288 : i32
        %add3A_148 = arith.addi %mul3A_38, %add3A_147 : i32
        %swap3A_149 = arith.index_cast %add3A_148 : i32 to index
        %swap3A_150 = tpu.vector_load %arg6[%swap3A_149] {strides = array<i32>} : memref<100352xf32, #tpu.memory_space<vmem>>, vector<16xf32>,
        tpu.vector_store %arg6[%swap3A_149], %broadcast_in_dim3A_146 {strides = array<i32>} : memref<100352xf32, #tpu.memory_space<vmem>>, vector<16xf32>,
        %broadcast_in_dim3A_151 = arith.constant 0.000000e+00 : f32
        %broadcast_in_dim3A_152 = vector.broadcast %broadcast_in_dim3A_151 : f32 to vector<16xf32>
        %add3A_153 = arith.constant 304 : i32
        %add3A_154 = arith.addi %mul3A_38, %add3A_153 : i32
        %swap3A_155 = arith.index_cast %add3A_154 : i32 to index
        %swap3A_156 = tpu.vector_load %arg6[%swap3A_155] {strides = array<i32>} : memref<100352xf32, #tpu.memory_space<vmem>>, vector<16xf32>,
        tpu.vector_store %arg6[%swap3A_155], %broadcast_in_dim3A_152 {strides = array<i32>} : memref<100352xf32, #tpu.memory_space<vmem>>, vector<16xf32>,
        %broadcast_in_dim3A_157 = arith.constant 0.000000e+00 : f32
        %broadcast_in_dim3A_158 = vector.broadcast %broadcast_in_dim3A_157 : f32 to vector<16xf32>
        %add3A_159 = arith.constant 320 : i32
        %add3A_160 = arith.addi %mul3A_38, %add3A_159 : i32
        %swap3A_161 = arith.index_cast %add3A_160 : i32 to index
        %swap3A_162 = tpu.vector_load %arg6[%swap3A_161] {strides = array<i32>} : memref<100352xf32, #tpu.memory_space<vmem>>, vector<16xf32>,
        tpu.vector_store %arg6[%swap3A_161], %broadcast_in_dim3A_158 {strides = array<i32>} : memref<100352xf32, #tpu.memory_space<vmem>>, vector<16xf32>,
        %broadcast_in_dim3A_163 = arith.constant 0.000000e+00 : f32
        %broadcast_in_dim3A_164 = vector.broadcast %broadcast_in_dim3A_163 : f32 to vector<16xf32>
        %add3A_165 = arith.constant 336 : i32
        %add3A_166 = arith.addi %mul3A_38, %add3A_165 : i32
        %swap3A_167 = arith.index_cast %add3A_166 : i32 to index
        %swap3A_168 = tpu.vector_load %arg6[%swap3A_167] {strides = array<i32>} : memref<100352xf32, #tpu.memory_space<vmem>>, vector<16xf32>,
        tpu.vector_store %arg6[%swap3A_167], %broadcast_in_dim3A_164 {strides = array<i32>} : memref<100352xf32, #tpu.memory_space<vmem>>, vector<16xf32>,
        %broadcast_in_dim3A_169 = arith.constant 0.000000e+00 : f32
        %broadcast_in_dim3A_170 = vector.broadcast %broadcast_in_dim3A_169 : f32 to vector<16xf32>
        %add3A_171 = arith.constant 352 : i32
        %add3A_172 = arith.addi %mul3A_38, %add3A_171 : i32
        %swap3A_173 = arith.index_cast %add3A_172 : i32 to index
        %swap3A_174 = tpu.vector_load %arg6[%swap3A_173] {strides = array<i32>} : memref<100352xf32, #tpu.memory_space<vmem>>, vector<16xf32>,
        tpu.vector_store %arg6[%swap3A_173], %broadcast_in_dim3A_170 {strides = array<i32>} : memref<100352xf32, #tpu.memory_space<vmem>>, vector<16xf32>,
        %broadcast_in_dim3A_175 = arith.constant 0.000000e+00 : f32
        %broadcast_in_dim3A_176 = vector.broadcast %broadcast_in_dim3A_175 : f32 to vector<16xf32>
        %add3A_177 = arith.constant 368 : i32
        %add3A_178 = arith.addi %mul3A_38, %add3A_177 : i32
        %swap3A_179 = arith.index_cast %add3A_178 : i32 to index
        %swap3A_180 = tpu.vector_load %arg6[%swap3A_179] {strides = array<i32>} : memref<100352xf32, #tpu.memory_space<vmem>>, vector<16xf32>,
        tpu.vector_store %arg6[%swap3A_179], %broadcast_in_dim3A_176 {strides = array<i32>} : memref<100352xf32, #tpu.memory_space<vmem>>, vector<16xf32>,
        %broadcast_in_dim3A_181 = arith.constant 0.000000e+00 : f32
        %broadcast_in_dim3A_182 = vector.broadcast %broadcast_in_dim3A_181 : f32 to vector<16xf32>
        %add3A_183 = arith.constant 384 : i32
        %add3A_184 = arith.addi %mul3A_38, %add3A_183 : i32
        %swap3A_185 = arith.index_cast %add3A_184 : i32 to index
        %swap3A_186 = tpu.vector_load %arg6[%swap3A_185] {strides = array<i32>} : memref<100352xf32, #tpu.memory_space<vmem>>, vector<16xf32>,
        tpu.vector_store %arg6[%swap3A_185], %broadcast_in_dim3A_182 {strides = array<i32>} : memref<100352xf32, #tpu.memory_space<vmem>>, vector<16xf32>,
        %broadcast_in_dim3A_187 = arith.constant 0.000000e+00 : f32
        %broadcast_in_dim3A_188 = vector.broadcast %broadcast_in_dim3A_187 : f32 to vector<16xf32>
        %add3A_189 = arith.constant 400 : i32
        %add3A_190 = arith.addi %mul3A_38, %add3A_189 : i32
        %swap3A_191 = arith.index_cast %add3A_190 : i32 to index
        %swap3A_192 = tpu.vector_load %arg6[%swap3A_191] {strides = array<i32>} : memref<100352xf32, #tpu.memory_space<vmem>>, vector<16xf32>,
        tpu.vector_store %arg6[%swap3A_191], %broadcast_in_dim3A_188 {strides = array<i32>} : memref<100352xf32, #tpu.memory_space<vmem>>, vector<16xf32>,
        %broadcast_in_dim3A_193 = arith.constant 0.000000e+00 : f32
        %broadcast_in_dim3A_194 = vector.broadcast %broadcast_in_dim3A_193 : f32 to vector<16xf32>
        %add3A_195 = arith.constant 416 : i32
        %add3A_196 = arith.addi %mul3A_38, %add3A_195 : i32
        %swap3A_197 = arith.index_cast %add3A_196 : i32 to index
        %swap3A_198 = tpu.vector_load %arg6[%swap3A_197] {strides = array<i32>} : memref<100352xf32, #tpu.memory_space<vmem>>, vector<16xf32>,
        tpu.vector_store %arg6[%swap3A_197], %broadcast_in_dim3A_194 {strides = array<i32>} : memref<100352xf32, #tpu.memory_space<vmem>>, vector<16xf32>,
        %broadcast_in_dim3A_199 = arith.constant 0.000000e+00 : f32
        %broadcast_in_dim3A_200 = vector.broadcast %broadcast_in_dim3A_199 : f32 to vector<16xf32>
        %add3A_201 = arith.constant 432 : i32
        %add3A_202 = arith.addi %mul3A_38, %add3A_201 : i32
        %swap3A_203 = arith.index_cast %add3A_202 : i32 to index
        %swap3A_204 = tpu.vector_load %arg6[%swap3A_203] {strides = array<i32>} : memref<100352xf32, #tpu.memory_space<vmem>>, vector<16xf32>,
        tpu.vector_store %arg6[%swap3A_203], %broadcast_in_dim3A_200 {strides = array<i32>} : memref<100352xf32, #tpu.memory_space<vmem>>, vector<16xf32>,
        %broadcast_in_dim3A_205 = arith.constant 0.000000e+00 : f32
        %broadcast_in_dim3A_206 = vector.broadcast %broadcast_in_dim3A_205 : f32 to vector<16xf32>
        %add3A_207 = arith.constant 448 : i32
        %add3A_208 = arith.addi %mul3A_38, %add3A_207 : i32
        %swap3A_209 = arith.index_cast %add3A_208 : i32 to index
        %swap3A_210 = tpu.vector_load %arg6[%swap3A_209] {strides = array<i32>} : memref<100352xf32, #tpu.memory_space<vmem>>, vector<16xf32>,
        tpu.vector_store %arg6[%swap3A_209], %broadcast_in_dim3A_206 {strides = array<i32>} : memref<100352xf32, #tpu.memory_space<vmem>>, vector<16xf32>,
        %broadcast_in_dim3A_211 = arith.constant 0.000000e+00 : f32
        %broadcast_in_dim3A_212 = vector.broadcast %broadcast_in_dim3A_211 : f32 to vector<16xf32>
        %add3A_213 = arith.constant 464 : i32
        %add3A_214 = arith.addi %mul3A_38, %add3A_213 : i32
        %swap3A_215 = arith.index_cast %add3A_214 : i32 to index
        %swap3A_216 = tpu.vector_load %arg6[%swap3A_215] {strides = array<i32>} : memref<100352xf32, #tpu.memory_space<vmem>>, vector<16xf32>,
        tpu.vector_store %arg6[%swap3A_215], %broadcast_in_dim3A_212 {strides = array<i32>} : memref<100352xf32, #tpu.memory_space<vmem>>, vector<16xf32>,
        %broadcast_in_dim3A_217 = arith.constant 0.000000e+00 : f32
        %broadcast_in_dim3A_218 = vector.broadcast %broadcast_in_dim3A_217 : f32 to vector<16xf32>
        %add3A_219 = arith.constant 480 : i32
        %add3A_220 = arith.addi %mul3A_38, %add3A_219 : i32
        %swap3A_221 = arith.index_cast %add3A_220 : i32 to index
        %swap3A_222 = tpu.vector_load %arg6[%swap3A_221] {strides = array<i32>} : memref<100352xf32, #tpu.memory_space<vmem>>, vector<16xf32>,
        tpu.vector_store %arg6[%swap3A_221], %broadcast_in_dim3A_218 {strides = array<i32>} : memref<100352xf32, #tpu.memory_space<vmem>>, vector<16xf32>,
        %broadcast_in_dim3A_223 = arith.constant 0.000000e+00 : f32
        %broadcast_in_dim3A_224 = vector.broadcast %broadcast_in_dim3A_223 : f32 to vector<16xf32>
        %add3A_225 = arith.constant 496 : i32
        %add3A_226 = arith.addi %mul3A_38, %add3A_225 : i32
        %swap3A_227 = arith.index_cast %add3A_226 : i32 to index
        %swap3A_228 = tpu.vector_load %arg6[%swap3A_227] {strides = array<i32>} : memref<100352xf32, #tpu.memory_space<vmem>>, vector<16xf32>,
        tpu.vector_store %arg6[%swap3A_227], %broadcast_in_dim3A_224 {strides = array<i32>} : memref<100352xf32, #tpu.memory_space<vmem>>, vector<16xf32>,
      }
      %scan3A_29 = arith.constant 196 : i32
      %scan3A_30 = arith.constant 0 : i32
      %scan3A_31 = arith.constant 28 : i32
      %scan3A_32 = arith.addi %scan3A_30, %scan3A_31 : i32
      %scan3A_33 = arith.constant 1 : i32
      scf.for %scan3A_36 = %scan3A_30 to %scan3A_32 step %scan3A_33  : i32 {
        %mul3A_37 = arith.constant 2 : i32
        %mul3A_38 = arith.muli %mul3A_37, %scan3A_36 : i32
        %add3A_39 = arith.constant 1 : i32
        %add3A_40 = arith.addi %mul3A_38, %add3A_39 : i32
        %dma_start3A_41 = arith.constant 0 : i32
        %dma_start3A_42 = arith.constant 0 : i32
        %dma_start3A_43 = tpu.memref_slice %arg2[%sub3A_7, %add3A_40, %dma_start3A_41, %dma_start3A_42] : memref<4x56x4x896xi32, #tpu.memory_space<hbm>> -> memref<1x1x4x896xi32, #tpu.memory_space<hbm>>
        %dma_start3A_44 = tpu.memref_squeeze %dma_start3A_43 : memref<1x1x4x896xi32, #tpu.memory_space<hbm>> -> memref<4x896xi32, #tpu.memory_space<hbm>>
        %dma_start3A_45 = arith.constant 0 : i32
        %dma_start3A_46 = arith.constant 0 : i32
        %dma_start3A_47 = tpu.memref_slice %arg2[%sub3A_7, %add3A_40, %dma_start3A_45, %dma_start3A_46] : memref<4x56x4x896xi32, #tpu.memory_space<hbm>> -> memref<1x1x4x896xi32, #tpu.memory_space<hbm>>
        %dma_start3A_48 = tpu.memref_squeeze %dma_start3A_47 : memref<1x1x4x896xi32, #tpu.memory_space<hbm>> -> memref<4x896xi32, #tpu.memory_space<hbm>>
        tpu.enqueue_dma source(%dma_start3A_48 : memref<4x896xi32, #tpu.memory_space<hbm>>) target(%arg10 : memref<4x896xi32, #tpu.memory_space<vmem>>) target_semaphore(%arg14 : memref<!tpu.dma_semaphore, #tpu.memory_space<semaphore_mem>>)
        %dma_start3A_49 = arith.constant 0 : i32
        %dma_start3A_50 = arith.constant 0 : i32
        %dma_start3A_51 = tpu.memref_slice %arg3[%sub3A_7, %add3A_40, %dma_start3A_49, %dma_start3A_50] : memref<4x56x4x896xf32, #tpu.memory_space<hbm>> -> memref<1x1x4x896xf32, #tpu.memory_space<hbm>>
        %dma_start3A_52 = tpu.memref_squeeze %dma_start3A_51 : memref<1x1x4x896xf32, #tpu.memory_space<hbm>> -> memref<4x896xf32, #tpu.memory_space<hbm>>
        %dma_start3A_53 = arith.constant 0 : i32
        %dma_start3A_54 = arith.constant 0 : i32
        %dma_start3A_55 = tpu.memref_slice %arg3[%sub3A_7, %add3A_40, %dma_start3A_53, %dma_start3A_54] : memref<4x56x4x896xf32, #tpu.memory_space<hbm>> -> memref<1x1x4x896xf32, #tpu.memory_space<hbm>>
        %dma_start3A_56 = tpu.memref_squeeze %dma_start3A_55 : memref<1x1x4x896xf32, #tpu.memory_space<hbm>> -> memref<4x896xf32, #tpu.memory_space<hbm>>
        tpu.enqueue_dma source(%dma_start3A_56 : memref<4x896xf32, #tpu.memory_space<hbm>>) target(%arg11 : memref<4x896xf32, #tpu.memory_space<vmem>>) target_semaphore(%arg14 : memref<!tpu.dma_semaphore, #tpu.memory_space<semaphore_mem>>)
        %dma_wait3A = arith.constant 0 : i32
        %dma_wait3A_57 = arith.constant 0 : i32
        %dma_wait3A_58 = arith.constant 0 : i32
        %dma_wait3A_59 = arith.constant 0 : i32
        %dma_wait3A_60 = tpu.memref_slice %arg2[%dma_wait3A, %dma_wait3A_57, %dma_wait3A_58, %dma_wait3A_59] : memref<4x56x4x896xi32, #tpu.memory_space<hbm>> -> memref<1x1x4x896xi32, #tpu.memory_space<hbm>>
        %dma_wait3A_61 = tpu.memref_squeeze %dma_wait3A_60 : memref<1x1x4x896xi32, #tpu.memory_space<hbm>> -> memref<4x896xi32, #tpu.memory_space<hbm>>
        %dma_wait3A_62 = arith.constant 0 : i32
        %dma_wait3A_63 = arith.constant 0 : i32
        %dma_wait3A_64 = tpu.memref_slice %arg2[%dma_wait3A, %dma_wait3A_57, %dma_wait3A_62, %dma_wait3A_63] : memref<4x56x4x896xi32, #tpu.memory_space<hbm>> -> memref<1x1x4x896xi32, #tpu.memory_space<hbm>>
        %dma_wait3A_65 = tpu.memref_squeeze %dma_wait3A_64 : memref<1x1x4x896xi32, #tpu.memory_space<hbm>> -> memref<4x896xi32, #tpu.memory_space<hbm>>
        tpu.wait_dma2 semaphore(%arg13 : memref<!tpu.dma_semaphore, #tpu.memory_space<semaphore_mem>>) src(%dma_wait3A_65 : memref<4x896xi32, #tpu.memory_space<hbm>>) dst(%arg7 : memref<4x896xi32, #tpu.memory_space<vmem>>)
        %dma_wait3A_66 = arith.constant 0 : i32
        %dma_wait3A_67 = arith.constant 0 : i32
        %dma_wait3A_68 = arith.constant 0 : i32
        %dma_wait3A_69 = arith.constant 0 : i32
        %dma_wait3A_70 = tpu.memref_slice %arg3[%dma_wait3A_66, %dma_wait3A_67, %dma_wait3A_68, %dma_wait3A_69] : memref<4x56x4x896xf32, #tpu.memory_space<hbm>> -> memref<1x1x4x896xf32, #tpu.memory_space<hbm>>
        %dma_wait3A_71 = tpu.memref_squeeze %dma_wait3A_70 : memref<1x1x4x896xf32, #tpu.memory_space<hbm>> -> memref<4x896xf32, #tpu.memory_space<hbm>>
        %dma_wait3A_72 = arith.constant 0 : i32
        %dma_wait3A_73 = arith.constant 0 : i32
        %dma_wait3A_74 = tpu.memref_slice %arg3[%dma_wait3A_66, %dma_wait3A_67, %dma_wait3A_72, %dma_wait3A_73] : memref<4x56x4x896xf32, #tpu.memory_space<hbm>> -> memref<1x1x4x896xf32, #tpu.memory_space<hbm>>
        %dma_wait3A_75 = tpu.memref_squeeze %dma_wait3A_74 : memref<1x1x4x896xf32, #tpu.memory_space<hbm>> -> memref<4x896xf32, #tpu.memory_space<hbm>>
        tpu.wait_dma2 semaphore(%arg13 : memref<!tpu.dma_semaphore, #tpu.memory_space<semaphore_mem>>) src(%dma_wait3A_75 : memref<4x896xf32, #tpu.memory_space<hbm>>) dst(%arg8 : memref<4x896xf32, #tpu.memory_space<vmem>>)
        %scan3A_76 = arith.constant 0 : i32
        %scan3A_77 = arith.constant 28 : i32
        %scan3A_78 = arith.addi %scan3A_76, %scan3A_77 : i32
        %scan3A_79 = arith.constant 1 : i32
        scf.for %scan3A_112 = %scan3A_76 to %scan3A_78 step %scan3A_79  : i32 {
          %mul3A_113 = arith.constant 32 : i32
          %mul3A_114 = arith.muli %scan3A_112, %mul3A_113 : i32
          %get3A = arith.constant 0 : i32
          %get3A_115 = arith.index_cast %get3A : i32 to index
          %get3A_116 = arith.index_cast %mul3A_114 : i32 to index
          %get3A_117 = tpu.vector_load %arg7[%get3A_115, %get3A_116] {strides = array<i32>} : memref<4x896xi32, #tpu.memory_space<vmem>>, vector<16xi32>,
          %get3A_118 = arith.constant 0 : i32
          %get3A_119 = arith.index_cast %get3A_118 : i32 to index
          %get3A_120 = arith.index_cast %mul3A_114 : i32 to index
          %get3A_121 = tpu.vector_load %arg8[%get3A_119, %get3A_120] {strides = array<i32>} : memref<4x896xf32, #tpu.memory_space<vmem>>, vector<16xf32>,
          tpu.vector_store_idx %arg6[%get3A_117], %get3A_121 {add = true} : memref<100352xf32, #tpu.memory_space<vmem>>[vector<16xi32>], vector<16xf32>,
          %get3A_122 = arith.constant 1 : i32
          %get3A_123 = arith.index_cast %get3A_122 : i32 to index
          %get3A_124 = arith.index_cast %mul3A_114 : i32 to index
          %get3A_125 = tpu.vector_load %arg7[%get3A_123, %get3A_124] {strides = array<i32>} : memref<4x896xi32, #tpu.memory_space<vmem>>, vector<16xi32>,
          %get3A_126 = arith.constant 1 : i32
          %get3A_127 = arith.index_cast %get3A_126 : i32 to index
          %get3A_128 = arith.index_cast %mul3A_114 : i32 to index
          %get3A_129 = tpu.vector_load %arg8[%get3A_127, %get3A_128] {strides = array<i32>} : memref<4x896xf32, #tpu.memory_space<vmem>>, vector<16xf32>,
          tpu.vector_store_idx %arg6[%get3A_125], %get3A_129 {add = true} : memref<100352xf32, #tpu.memory_space<vmem>>[vector<16xi32>], vector<16xf32>,
          %get3A_130 = arith.constant 2 : i32
          %get3A_131 = arith.index_cast %get3A_130 : i32 to index
          %get3A_132 = arith.index_cast %mul3A_114 : i32 to index
          %get3A_133 = tpu.vector_load %arg7[%get3A_131, %get3A_132] {strides = array<i32>} : memref<4x896xi32, #tpu.memory_space<vmem>>, vector<16xi32>,
          %get3A_134 = arith.constant 2 : i32
          %get3A_135 = arith.index_cast %get3A_134 : i32 to index
          %get3A_136 = arith.index_cast %mul3A_114 : i32 to index
          %get3A_137 = tpu.vector_load %arg8[%get3A_135, %get3A_136] {strides = array<i32>} : memref<4x896xf32, #tpu.memory_space<vmem>>, vector<16xf32>,
          tpu.vector_store_idx %arg6[%get3A_133], %get3A_137 {add = true} : memref<100352xf32, #tpu.memory_space<vmem>>[vector<16xi32>], vector<16xf32>,
          %get3A_138 = arith.constant 3 : i32
          %get3A_139 = arith.index_cast %get3A_138 : i32 to index
          %get3A_140 = arith.index_cast %mul3A_114 : i32 to index
          %get3A_141 = tpu.vector_load %arg7[%get3A_139, %get3A_140] {strides = array<i32>} : memref<4x896xi32, #tpu.memory_space<vmem>>, vector<16xi32>,
          %get3A_142 = arith.constant 3 : i32
          %get3A_143 = arith.index_cast %get3A_142 : i32 to index
          %get3A_144 = arith.index_cast %mul3A_114 : i32 to index
          %get3A_145 = tpu.vector_load %arg8[%get3A_143, %get3A_144] {strides = array<i32>} : memref<4x896xf32, #tpu.memory_space<vmem>>, vector<16xf32>,
          tpu.vector_store_idx %arg6[%get3A_141], %get3A_145 {add = true} : memref<100352xf32, #tpu.memory_space<vmem>>[vector<16xi32>], vector<16xf32>,
          %add3A_146 = arith.constant 16 : i32
          %add3A_147 = arith.addi %mul3A_114, %add3A_146 : i32
          %get3A_148 = arith.constant 0 : i32
          %get3A_149 = arith.index_cast %get3A_148 : i32 to index
          %get3A_150 = arith.index_cast %add3A_147 : i32 to index
          %get3A_151 = tpu.vector_load %arg7[%get3A_149, %get3A_150] {strides = array<i32>} : memref<4x896xi32, #tpu.memory_space<vmem>>, vector<16xi32>,
          %get3A_152 = arith.constant 0 : i32
          %get3A_153 = arith.index_cast %get3A_152 : i32 to index
          %get3A_154 = arith.index_cast %add3A_147 : i32 to index
          %get3A_155 = tpu.vector_load %arg8[%get3A_153, %get3A_154] {strides = array<i32>} : memref<4x896xf32, #tpu.memory_space<vmem>>, vector<16xf32>,
          tpu.vector_store_idx %arg6[%get3A_151], %get3A_155 {add = true} : memref<100352xf32, #tpu.memory_space<vmem>>[vector<16xi32>], vector<16xf32>,
          %get3A_156 = arith.constant 1 : i32
          %get3A_157 = arith.index_cast %get3A_156 : i32 to index
          %get3A_158 = arith.index_cast %add3A_147 : i32 to index
          %get3A_159 = tpu.vector_load %arg7[%get3A_157, %get3A_158] {strides = array<i32>} : memref<4x896xi32, #tpu.memory_space<vmem>>, vector<16xi32>,
          %get3A_160 = arith.constant 1 : i32
          %get3A_161 = arith.index_cast %get3A_160 : i32 to index
          %get3A_162 = arith.index_cast %add3A_147 : i32 to index
          %get3A_163 = tpu.vector_load %arg8[%get3A_161, %get3A_162] {strides = array<i32>} : memref<4x896xf32, #tpu.memory_space<vmem>>, vector<16xf32>,
          tpu.vector_store_idx %arg6[%get3A_159], %get3A_163 {add = true} : memref<100352xf32, #tpu.memory_space<vmem>>[vector<16xi32>], vector<16xf32>,
          %get3A_164 = arith.constant 2 : i32
          %get3A_165 = arith.index_cast %get3A_164 : i32 to index
          %get3A_166 = arith.index_cast %add3A_147 : i32 to index
          %get3A_167 = tpu.vector_load %arg7[%get3A_165, %get3A_166] {strides = array<i32>} : memref<4x896xi32, #tpu.memory_space<vmem>>, vector<16xi32>,
          %get3A_168 = arith.constant 2 : i32
          %get3A_169 = arith.index_cast %get3A_168 : i32 to index
          %get3A_170 = arith.index_cast %add3A_147 : i32 to index
          %get3A_171 = tpu.vector_load %arg8[%get3A_169, %get3A_170] {strides = array<i32>} : memref<4x896xf32, #tpu.memory_space<vmem>>, vector<16xf32>,
          tpu.vector_store_idx %arg6[%get3A_167], %get3A_171 {add = true} : memref<100352xf32, #tpu.memory_space<vmem>>[vector<16xi32>], vector<16xf32>,
          %get3A_172 = arith.constant 3 : i32
          %get3A_173 = arith.index_cast %get3A_172 : i32 to index
          %get3A_174 = arith.index_cast %add3A_147 : i32 to index
          %get3A_175 = tpu.vector_load %arg7[%get3A_173, %get3A_174] {strides = array<i32>} : memref<4x896xi32, #tpu.memory_space<vmem>>, vector<16xi32>,
          %get3A_176 = arith.constant 3 : i32
          %get3A_177 = arith.index_cast %get3A_176 : i32 to index
          %get3A_178 = arith.index_cast %add3A_147 : i32 to index
          %get3A_179 = tpu.vector_load %arg8[%get3A_177, %get3A_178] {strides = array<i32>} : memref<4x896xf32, #tpu.memory_space<vmem>>, vector<16xf32>,
          tpu.vector_store_idx %arg6[%get3A_175], %get3A_179 {add = true} : memref<100352xf32, #tpu.memory_space<vmem>>[vector<16xi32>], vector<16xf32>,
        }
        %scan3A_80 = arith.constant 28 : i32
        %add3A_81 = arith.constant 2 : i32
        %add3A_82 = arith.addi %mul3A_38, %add3A_81 : i32
        %lt3A = arith.constant 56 : i32
        %lt3A_83 = arith.cmpi slt, %add3A_82, %lt3A : i32
        %convert_element_type3A_84 = arith.extui %lt3A_83 : i1 to i32
        %cond3A_85 = arith.constant 0 : i32
        %cond3A_86 = arith.cmpi ne, %convert_element_type3A_84, %cond3A_85 : i32
        scf.if %cond3A_86 {
          %add3A_112 = arith.constant 2 : i32
          %add3A_113 = arith.addi %mul3A_38, %add3A_112 : i32
          %dma_start3A_114 = arith.constant 0 : i32
          %dma_start3A_115 = arith.constant 0 : i32
          %dma_start3A_116 = tpu.memref_slice %arg2[%sub3A_7, %add3A_113, %dma_start3A_114, %dma_start3A_115] : memref<4x56x4x896xi32, #tpu.memory_space<hbm>> -> memref<1x1x4x896xi32, #tpu.memory_space<hbm>>
          %dma_start3A_117 = tpu.memref_squeeze %dma_start3A_116 : memref<1x1x4x896xi32, #tpu.memory_space<hbm>> -> memref<4x896xi32, #tpu.memory_space<hbm>>
          %dma_start3A_118 = arith.constant 0 : i32
          %dma_start3A_119 = arith.constant 0 : i32
          %dma_start3A_120 = tpu.memref_slice %arg2[%sub3A_7, %add3A_113, %dma_start3A_118, %dma_start3A_119] : memref<4x56x4x896xi32, #tpu.memory_space<hbm>> -> memref<1x1x4x896xi32, #tpu.memory_space<hbm>>
          %dma_start3A_121 = tpu.memref_squeeze %dma_start3A_120 : memref<1x1x4x896xi32, #tpu.memory_space<hbm>> -> memref<4x896xi32, #tpu.memory_space<hbm>>
          tpu.enqueue_dma source(%dma_start3A_121 : memref<4x896xi32, #tpu.memory_space<hbm>>) target(%arg7 : memref<4x896xi32, #tpu.memory_space<vmem>>) target_semaphore(%arg13 : memref<!tpu.dma_semaphore, #tpu.memory_space<semaphore_mem>>)
          %dma_start3A_122 = arith.constant 0 : i32
          %dma_start3A_123 = arith.constant 0 : i32
          %dma_start3A_124 = tpu.memref_slice %arg3[%sub3A_7, %add3A_113, %dma_start3A_122, %dma_start3A_123] : memref<4x56x4x896xf32, #tpu.memory_space<hbm>> -> memref<1x1x4x896xf32, #tpu.memory_space<hbm>>
          %dma_start3A_125 = tpu.memref_squeeze %dma_start3A_124 : memref<1x1x4x896xf32, #tpu.memory_space<hbm>> -> memref<4x896xf32, #tpu.memory_space<hbm>>
          %dma_start3A_126 = arith.constant 0 : i32
          %dma_start3A_127 = arith.constant 0 : i32
          %dma_start3A_128 = tpu.memref_slice %arg3[%sub3A_7, %add3A_113, %dma_start3A_126, %dma_start3A_127] : memref<4x56x4x896xf32, #tpu.memory_space<hbm>> -> memref<1x1x4x896xf32, #tpu.memory_space<hbm>>
          %dma_start3A_129 = tpu.memref_squeeze %dma_start3A_128 : memref<1x1x4x896xf32, #tpu.memory_space<hbm>> -> memref<4x896xf32, #tpu.memory_space<hbm>>
          tpu.enqueue_dma source(%dma_start3A_129 : memref<4x896xf32, #tpu.memory_space<hbm>>) target(%arg8 : memref<4x896xf32, #tpu.memory_space<vmem>>) target_semaphore(%arg13 : memref<!tpu.dma_semaphore, #tpu.memory_space<semaphore_mem>>)
        } else {
        }
        %dma_wait3A_87 = arith.constant 0 : i32
        %dma_wait3A_88 = arith.constant 0 : i32
        %dma_wait3A_89 = arith.constant 0 : i32
        %dma_wait3A_90 = arith.constant 0 : i32
        %dma_wait3A_91 = tpu.memref_slice %arg2[%dma_wait3A_87, %dma_wait3A_88, %dma_wait3A_89, %dma_wait3A_90] : memref<4x56x4x896xi32, #tpu.memory_space<hbm>> -> memref<1x1x4x896xi32, #tpu.memory_space<hbm>>
        %dma_wait3A_92 = tpu.memref_squeeze %dma_wait3A_91 : memref<1x1x4x896xi32, #tpu.memory_space<hbm>> -> memref<4x896xi32, #tpu.memory_space<hbm>>
        %dma_wait3A_93 = arith.constant 0 : i32
        %dma_wait3A_94 = arith.constant 0 : i32
        %dma_wait3A_95 = tpu.memref_slice %arg2[%dma_wait3A_87, %dma_wait3A_88, %dma_wait3A_93, %dma_wait3A_94] : memref<4x56x4x896xi32, #tpu.memory_space<hbm>> -> memref<1x1x4x896xi32, #tpu.memory_space<hbm>>
        %dma_wait3A_96 = tpu.memref_squeeze %dma_wait3A_95 : memref<1x1x4x896xi32, #tpu.memory_space<hbm>> -> memref<4x896xi32, #tpu.memory_space<hbm>>
        tpu.wait_dma2 semaphore(%arg14 : memref<!tpu.dma_semaphore, #tpu.memory_space<semaphore_mem>>) src(%dma_wait3A_96 : memref<4x896xi32, #tpu.memory_space<hbm>>) dst(%arg10 : memref<4x896xi32, #tpu.memory_space<vmem>>)
        %dma_wait3A_97 = arith.constant 0 : i32
        %dma_wait3A_98 = arith.constant 0 : i32
        %dma_wait3A_99 = arith.constant 0 : i32
        %dma_wait3A_100 = arith.constant 0 : i32
        %dma_wait3A_101 = tpu.memref_slice %arg3[%dma_wait3A_97, %dma_wait3A_98, %dma_wait3A_99, %dma_wait3A_100] : memref<4x56x4x896xf32, #tpu.memory_space<hbm>> -> memref<1x1x4x896xf32, #tpu.memory_space<hbm>>
        %dma_wait3A_102 = tpu.memref_squeeze %dma_wait3A_101 : memref<1x1x4x896xf32, #tpu.memory_space<hbm>> -> memref<4x896xf32, #tpu.memory_space<hbm>>
        %dma_wait3A_103 = arith.constant 0 : i32
        %dma_wait3A_104 = arith.constant 0 : i32
        %dma_wait3A_105 = tpu.memref_slice %arg3[%dma_wait3A_97, %dma_wait3A_98, %dma_wait3A_103, %dma_wait3A_104] : memref<4x56x4x896xf32, #tpu.memory_space<hbm>> -> memref<1x1x4x896xf32, #tpu.memory_space<hbm>>
        %dma_wait3A_106 = tpu.memref_squeeze %dma_wait3A_105 : memref<1x1x4x896xf32, #tpu.memory_space<hbm>> -> memref<4x896xf32, #tpu.memory_space<hbm>>
        tpu.wait_dma2 semaphore(%arg14 : memref<!tpu.dma_semaphore, #tpu.memory_space<semaphore_mem>>) src(%dma_wait3A_106 : memref<4x896xf32, #tpu.memory_space<hbm>>) dst(%arg11 : memref<4x896xf32, #tpu.memory_space<vmem>>)
        %scan3A_107 = arith.constant 0 : i32
        %scan3A_108 = arith.constant 28 : i32
        %scan3A_109 = arith.addi %scan3A_107, %scan3A_108 : i32
        %scan3A_110 = arith.constant 1 : i32
        scf.for %scan3A_112 = %scan3A_107 to %scan3A_109 step %scan3A_110  : i32 {
          %mul3A_113 = arith.constant 32 : i32
          %mul3A_114 = arith.muli %scan3A_112, %mul3A_113 : i32
          %get3A = arith.constant 0 : i32
          %get3A_115 = arith.index_cast %get3A : i32 to index
          %get3A_116 = arith.index_cast %mul3A_114 : i32 to index
          %get3A_117 = tpu.vector_load %arg10[%get3A_115, %get3A_116] {strides = array<i32>} : memref<4x896xi32, #tpu.memory_space<vmem>>, vector<16xi32>,
          %get3A_118 = arith.constant 0 : i32
          %get3A_119 = arith.index_cast %get3A_118 : i32 to index
          %get3A_120 = arith.index_cast %mul3A_114 : i32 to index
          %get3A_121 = tpu.vector_load %arg11[%get3A_119, %get3A_120] {strides = array<i32>} : memref<4x896xf32, #tpu.memory_space<vmem>>, vector<16xf32>,
          tpu.vector_store_idx %arg6[%get3A_117], %get3A_121 {add = true} : memref<100352xf32, #tpu.memory_space<vmem>>[vector<16xi32>], vector<16xf32>,
          %get3A_122 = arith.constant 1 : i32
          %get3A_123 = arith.index_cast %get3A_122 : i32 to index
          %get3A_124 = arith.index_cast %mul3A_114 : i32 to index
          %get3A_125 = tpu.vector_load %arg10[%get3A_123, %get3A_124] {strides = array<i32>} : memref<4x896xi32, #tpu.memory_space<vmem>>, vector<16xi32>,
          %get3A_126 = arith.constant 1 : i32
          %get3A_127 = arith.index_cast %get3A_126 : i32 to index
          %get3A_128 = arith.index_cast %mul3A_114 : i32 to index
          %get3A_129 = tpu.vector_load %arg11[%get3A_127, %get3A_128] {strides = array<i32>} : memref<4x896xf32, #tpu.memory_space<vmem>>, vector<16xf32>,
          tpu.vector_store_idx %arg6[%get3A_125], %get3A_129 {add = true} : memref<100352xf32, #tpu.memory_space<vmem>>[vector<16xi32>], vector<16xf32>,
          %get3A_130 = arith.constant 2 : i32
          %get3A_131 = arith.index_cast %get3A_130 : i32 to index
          %get3A_132 = arith.index_cast %mul3A_114 : i32 to index
          %get3A_133 = tpu.vector_load %arg10[%get3A_131, %get3A_132] {strides = array<i32>} : memref<4x896xi32, #tpu.memory_space<vmem>>, vector<16xi32>,
          %get3A_134 = arith.constant 2 : i32
          %get3A_135 = arith.index_cast %get3A_134 : i32 to index
          %get3A_136 = arith.index_cast %mul3A_114 : i32 to index
          %get3A_137 = tpu.vector_load %arg11[%get3A_135, %get3A_136] {strides = array<i32>} : memref<4x896xf32, #tpu.memory_space<vmem>>, vector<16xf32>,
          tpu.vector_store_idx %arg6[%get3A_133], %get3A_137 {add = true} : memref<100352xf32, #tpu.memory_space<vmem>>[vector<16xi32>], vector<16xf32>,
          %get3A_138 = arith.constant 3 : i32
          %get3A_139 = arith.index_cast %get3A_138 : i32 to index
          %get3A_140 = arith.index_cast %mul3A_114 : i32 to index
          %get3A_141 = tpu.vector_load %arg10[%get3A_139, %get3A_140] {strides = array<i32>} : memref<4x896xi32, #tpu.memory_space<vmem>>, vector<16xi32>,
          %get3A_142 = arith.constant 3 : i32
          %get3A_143 = arith.index_cast %get3A_142 : i32 to index
          %get3A_144 = arith.index_cast %mul3A_114 : i32 to index
          %get3A_145 = tpu.vector_load %arg11[%get3A_143, %get3A_144] {strides = array<i32>} : memref<4x896xf32, #tpu.memory_space<vmem>>, vector<16xf32>,
          tpu.vector_store_idx %arg6[%get3A_141], %get3A_145 {add = true} : memref<100352xf32, #tpu.memory_space<vmem>>[vector<16xi32>], vector<16xf32>,
          %add3A_146 = arith.constant 16 : i32
          %add3A_147 = arith.addi %mul3A_114, %add3A_146 : i32
          %get3A_148 = arith.constant 0 : i32
          %get3A_149 = arith.index_cast %get3A_148 : i32 to index
          %get3A_150 = arith.index_cast %add3A_147 : i32 to index
          %get3A_151 = tpu.vector_load %arg10[%get3A_149, %get3A_150] {strides = array<i32>} : memref<4x896xi32, #tpu.memory_space<vmem>>, vector<16xi32>,
          %get3A_152 = arith.constant 0 : i32
          %get3A_153 = arith.index_cast %get3A_152 : i32 to index
          %get3A_154 = arith.index_cast %add3A_147 : i32 to index
          %get3A_155 = tpu.vector_load %arg11[%get3A_153, %get3A_154] {strides = array<i32>} : memref<4x896xf32, #tpu.memory_space<vmem>>, vector<16xf32>,
          tpu.vector_store_idx %arg6[%get3A_151], %get3A_155 {add = true} : memref<100352xf32, #tpu.memory_space<vmem>>[vector<16xi32>], vector<16xf32>,
          %get3A_156 = arith.constant 1 : i32
          %get3A_157 = arith.index_cast %get3A_156 : i32 to index
          %get3A_158 = arith.index_cast %add3A_147 : i32 to index
          %get3A_159 = tpu.vector_load %arg10[%get3A_157, %get3A_158] {strides = array<i32>} : memref<4x896xi32, #tpu.memory_space<vmem>>, vector<16xi32>,
          %get3A_160 = arith.constant 1 : i32
          %get3A_161 = arith.index_cast %get3A_160 : i32 to index
          %get3A_162 = arith.index_cast %add3A_147 : i32 to index
          %get3A_163 = tpu.vector_load %arg11[%get3A_161, %get3A_162] {strides = array<i32>} : memref<4x896xf32, #tpu.memory_space<vmem>>, vector<16xf32>,
          tpu.vector_store_idx %arg6[%get3A_159], %get3A_163 {add = true} : memref<100352xf32, #tpu.memory_space<vmem>>[vector<16xi32>], vector<16xf32>,
          %get3A_164 = arith.constant 2 : i32
          %get3A_165 = arith.index_cast %get3A_164 : i32 to index
          %get3A_166 = arith.index_cast %add3A_147 : i32 to index
          %get3A_167 = tpu.vector_load %arg10[%get3A_165, %get3A_166] {strides = array<i32>} : memref<4x896xi32, #tpu.memory_space<vmem>>, vector<16xi32>,
          %get3A_168 = arith.constant 2 : i32
          %get3A_169 = arith.index_cast %get3A_168 : i32 to index
          %get3A_170 = arith.index_cast %add3A_147 : i32 to index
          %get3A_171 = tpu.vector_load %arg11[%get3A_169, %get3A_170] {strides = array<i32>} : memref<4x896xf32, #tpu.memory_space<vmem>>, vector<16xf32>,
          tpu.vector_store_idx %arg6[%get3A_167], %get3A_171 {add = true} : memref<100352xf32, #tpu.memory_space<vmem>>[vector<16xi32>], vector<16xf32>,
          %get3A_172 = arith.constant 3 : i32
          %get3A_173 = arith.index_cast %get3A_172 : i32 to index
          %get3A_174 = arith.index_cast %add3A_147 : i32 to index
          %get3A_175 = tpu.vector_load %arg10[%get3A_173, %get3A_174] {strides = array<i32>} : memref<4x896xi32, #tpu.memory_space<vmem>>, vector<16xi32>,
          %get3A_176 = arith.constant 3 : i32
          %get3A_177 = arith.index_cast %get3A_176 : i32 to index
          %get3A_178 = arith.index_cast %add3A_147 : i32 to index
          %get3A_179 = tpu.vector_load %arg11[%get3A_177, %get3A_178] {strides = array<i32>} : memref<4x896xf32, #tpu.memory_space<vmem>>, vector<16xf32>,
          tpu.vector_store_idx %arg6[%get3A_175], %get3A_179 {add = true} : memref<100352xf32, #tpu.memory_space<vmem>>[vector<16xi32>], vector<16xf32>,
        }
        %scan3A_111 = arith.constant 28 : i32
      }
      %scan3A_34 = arith.constant 28 : i32
      %run_scoped3A = arith.constant 96 : i32
      "tpu.region"() ({
        %run_scoped3A_36 = tpu.sem_alloc : memref<!tpu.dma_semaphore, #tpu.memory_space<semaphore_mem>>
        %dma_start3A_37 = arith.constant 0 : i32
        %dma_start3A_38 = tpu.memref_slice %arg6[%dma_start3A_37] : memref<100352xf32, #tpu.memory_space<vmem>> -> memref<50176xf32, #tpu.memory_space<vmem>>
        %dma_start3A_39 = arith.constant 0 : i32
        %dma_start3A_40 = tpu.memref_slice %arg5[%sub3A_7, %run_scoped3A, %dma_start3A_39] : memref<4x98x50176xf32, #tpu.memory_space<hbm>> -> memref<1x1x50176xf32, #tpu.memory_space<hbm>>
        %dma_start3A_41 = tpu.memref_squeeze %dma_start3A_40 : memref<1x1x50176xf32, #tpu.memory_space<hbm>> -> memref<50176xf32, #tpu.memory_space<hbm>>
        %dma_start3A_42 = arith.constant 0 : i32
        %dma_start3A_43 = tpu.memref_slice %arg5[%sub3A_7, %run_scoped3A, %dma_start3A_42] : memref<4x98x50176xf32, #tpu.memory_space<hbm>> -> memref<1x1x50176xf32, #tpu.memory_space<hbm>>
        %dma_start3A_44 = tpu.memref_squeeze %dma_start3A_43 : memref<1x1x50176xf32, #tpu.memory_space<hbm>> -> memref<50176xf32, #tpu.memory_space<hbm>>
        %dma_start3A_45 = arith.constant 0 : i32
        %dma_start3A_46 = tpu.memref_slice %arg6[%dma_start3A_45] : memref<100352xf32, #tpu.memory_space<vmem>> -> memref<50176xf32, #tpu.memory_space<vmem>>
        tpu.enqueue_dma source(%dma_start3A_46 : memref<50176xf32, #tpu.memory_space<vmem>>) target(%dma_start3A_44 : memref<50176xf32, #tpu.memory_space<hbm>>) target_semaphore(%run_scoped3A_36 : memref<!tpu.dma_semaphore, #tpu.memory_space<semaphore_mem>>)
        %dma_wait3A = arith.constant 0 : i32
        %dma_wait3A_47 = tpu.memref_slice %arg6[%dma_wait3A] : memref<100352xf32, #tpu.memory_space<vmem>> -> memref<50176xf32, #tpu.memory_space<vmem>>
        %dma_wait3A_48 = arith.constant 0 : i32
        %dma_wait3A_49 = tpu.memref_slice %arg5[%sub3A_7, %run_scoped3A, %dma_wait3A_48] : memref<4x98x50176xf32, #tpu.memory_space<hbm>> -> memref<1x1x50176xf32, #tpu.memory_space<hbm>>
        %dma_wait3A_50 = tpu.memref_squeeze %dma_wait3A_49 : memref<1x1x50176xf32, #tpu.memory_space<hbm>> -> memref<50176xf32, #tpu.memory_space<hbm>>
        %dma_wait3A_51 = arith.constant 0 : i32
        %dma_wait3A_52 = tpu.memref_slice %arg5[%sub3A_7, %run_scoped3A, %dma_wait3A_51] : memref<4x98x50176xf32, #tpu.memory_space<hbm>> -> memref<1x1x50176xf32, #tpu.memory_space<hbm>>
        %dma_wait3A_53 = tpu.memref_squeeze %dma_wait3A_52 : memref<1x1x50176xf32, #tpu.memory_space<hbm>> -> memref<50176xf32, #tpu.memory_space<hbm>>
        %dma_wait3A_54 = arith.constant 0 : i32
        %dma_wait3A_55 = tpu.memref_slice %arg6[%dma_wait3A_54] : memref<100352xf32, #tpu.memory_space<vmem>> -> memref<50176xf32, #tpu.memory_space<vmem>>
        tpu.wait_dma2 semaphore(%run_scoped3A_36 : memref<!tpu.dma_semaphore, #tpu.memory_space<semaphore_mem>>) src(%dma_wait3A_55 : memref<50176xf32, #tpu.memory_space<vmem>>) dst(%dma_wait3A_53 : memref<50176xf32, #tpu.memory_space<hbm>>)
        tpu.yield
      }) : () -> ()
      %run_scoped3A_35 = arith.constant 97 : i32
      "tpu.region"() ({
        %run_scoped3A_36 = tpu.sem_alloc : memref<!tpu.dma_semaphore, #tpu.memory_space<semaphore_mem>>
        %dma_start3A_37 = arith.constant 50176 : i32
        %dma_start3A_38 = tpu.memref_slice %arg6[%dma_start3A_37] : memref<100352xf32, #tpu.memory_space<vmem>> -> memref<50176xf32, #tpu.memory_space<vmem>>
        %dma_start3A_39 = arith.constant 0 : i32
        %dma_start3A_40 = tpu.memref_slice %arg5[%sub3A_7, %run_scoped3A_35, %dma_start3A_39] : memref<4x98x50176xf32, #tpu.memory_space<hbm>> -> memref<1x1x50176xf32, #tpu.memory_space<hbm>>
        %dma_start3A_41 = tpu.memref_squeeze %dma_start3A_40 : memref<1x1x50176xf32, #tpu.memory_space<hbm>> -> memref<50176xf32, #tpu.memory_space<hbm>>
        %dma_start3A_42 = arith.constant 0 : i32
        %dma_start3A_43 = tpu.memref_slice %arg5[%sub3A_7, %run_scoped3A_35, %dma_start3A_42] : memref<4x98x50176xf32, #tpu.memory_space<hbm>> -> memref<1x1x50176xf32, #tpu.memory_space<hbm>>
        %dma_start3A_44 = tpu.memref_squeeze %dma_start3A_43 : memref<1x1x50176xf32, #tpu.memory_space<hbm>> -> memref<50176xf32, #tpu.memory_space<hbm>>
        %dma_start3A_45 = arith.constant 50176 : i32
        %dma_start3A_46 = tpu.memref_slice %arg6[%dma_start3A_45] : memref<100352xf32, #tpu.memory_space<vmem>> -> memref<50176xf32, #tpu.memory_space<vmem>>
        tpu.enqueue_dma source(%dma_start3A_46 : memref<50176xf32, #tpu.memory_space<vmem>>) target(%dma_start3A_44 : memref<50176xf32, #tpu.memory_space<hbm>>) target_semaphore(%run_scoped3A_36 : memref<!tpu.dma_semaphore, #tpu.memory_space<semaphore_mem>>)
        %dma_wait3A = arith.constant 50176 : i32
        %dma_wait3A_47 = tpu.memref_slice %arg6[%dma_wait3A] : memref<100352xf32, #tpu.memory_space<vmem>> -> memref<50176xf32, #tpu.memory_space<vmem>>
        %dma_wait3A_48 = arith.constant 0 : i32
        %dma_wait3A_49 = tpu.memref_slice %arg5[%sub3A_7, %run_scoped3A_35, %dma_wait3A_48] : memref<4x98x50176xf32, #tpu.memory_space<hbm>> -> memref<1x1x50176xf32, #tpu.memory_space<hbm>>
        %dma_wait3A_50 = tpu.memref_squeeze %dma_wait3A_49 : memref<1x1x50176xf32, #tpu.memory_space<hbm>> -> memref<50176xf32, #tpu.memory_space<hbm>>
        %dma_wait3A_51 = arith.constant 0 : i32
        %dma_wait3A_52 = tpu.memref_slice %arg5[%sub3A_7, %run_scoped3A_35, %dma_wait3A_51] : memref<4x98x50176xf32, #tpu.memory_space<hbm>> -> memref<1x1x50176xf32, #tpu.memory_space<hbm>>
        %dma_wait3A_53 = tpu.memref_squeeze %dma_wait3A_52 : memref<1x1x50176xf32, #tpu.memory_space<hbm>> -> memref<50176xf32, #tpu.memory_space<hbm>>
        %dma_wait3A_54 = arith.constant 50176 : i32
        %dma_wait3A_55 = tpu.memref_slice %arg6[%dma_wait3A_54] : memref<100352xf32, #tpu.memory_space<vmem>> -> memref<50176xf32, #tpu.memory_space<vmem>>
        tpu.wait_dma2 semaphore(%run_scoped3A_36 : memref<!tpu.dma_semaphore, #tpu.memory_space<semaphore_mem>>) src(%dma_wait3A_55 : memref<50176xf32, #tpu.memory_space<vmem>>) dst(%dma_wait3A_53 : memref<50176xf32, #tpu.memory_space<hbm>>)
        tpu.yield
      }) : () -> ()
    } else {
    }
    return
  }
}

module attributes {stable_mosaic.version = 14 : i64} {
  func.func @_prep_body(%arg0: i32, %arg1: memref<1x2x224x224xf32, #tpu.memory_space<vmem>>, %arg2: memref<1x1x224x224xf32, #tpu.memory_space<vmem>>, %arg3: memref<1x4x224x224xi32, #tpu.memory_space<vmem>>, %arg4: memref<1x4x224x224xf32, #tpu.memory_space<vmem>>) attributes {dimension_semantics = [#tpu.dimension_semantics<arbitrary>], iteration_bounds = array<i64: 4>, scalar_prefetch = 0 : i64, scratch_operands = 0 : i64, tpu.core_type = #tpu.core_type<tc>, window_params = [{transform_indices = @transform_0, window_bounds = array<i64: 1, 2, 224, 224>}, {transform_indices = @transform_1, window_bounds = array<i64: 1, 1, 224, 224>}, {transform_indices = @transform_2, window_bounds = array<i64: 1, 4, 224, 224>}, {transform_indices = @transform_3, window_bounds = array<i64: 1, 4, 224, 224>}]} {
    %get3A = arith.constant 0 : index
    %get3A_0 = arith.constant 0 : index
    %get3A_1 = arith.constant 0 : index
    %get3A_2 = arith.constant 0 : index
    %get3A_3 = vector.load %arg1[%get3A, %get3A_0, %get3A_1, %get3A_2] : memref<1x2x224x224xf32, #tpu.memory_space<vmem>>, vector<1x2x224x224xf32>
    %get3A_4 = vector.shape_cast %get3A_3 : vector<1x2x224x224xf32> to vector<2x224x224xf32>
    %iota3A = tpu.iota {dimensions = array<i32: 1>} : vector<224x224xi32>
    %convert_element_type3A = arith.sitofp %iota3A : vector<224x224xi32> to vector<224x224xf32>
    %iota3A_5 = tpu.iota {dimensions = array<i32: 0>} : vector<224x224xi32>
    %convert_element_type3A_6 = arith.sitofp %iota3A_5 : vector<224x224xi32> to vector<224x224xf32>
    %slice3A = vector.extract_strided_slice %get3A_4 {offsets = [0, 0, 0], sizes = [1, 224, 224], strides = [1, 1, 1]} : vector<2x224x224xf32> to vector<1x224x224xf32>
    %squeeze3A = vector.shape_cast %slice3A : vector<1x224x224xf32> to vector<224x224xf32>
    %add3A = arith.addf %convert_element_type3A, %squeeze3A : vector<224x224xf32>
    %slice3A_7 = vector.extract_strided_slice %get3A_4 {offsets = [1, 0, 0], sizes = [1, 224, 224], strides = [1, 1, 1]} : vector<2x224x224xf32> to vector<1x224x224xf32>
    %squeeze3A_8 = vector.shape_cast %slice3A_7 : vector<1x224x224xf32> to vector<224x224xf32>
    %add3A_9 = arith.addf %convert_element_type3A_6, %squeeze3A_8 : vector<224x224xf32>
    %is_finite3A = tpu.weird %add3A : vector<224x224xf32> -> vector<224x224xi1>
    %is_finite3A_10 = arith.constant dense<true> : vector<224x224xi1>
    %is_finite3A_11 = arith.xori %is_finite3A, %is_finite3A_10 : vector<224x224xi1>
    %is_finite3A_12 = tpu.weird %add3A_9 : vector<224x224xf32> -> vector<224x224xi1>
    %is_finite3A_13 = arith.constant dense<true> : vector<224x224xi1>
    %is_finite3A_14 = arith.xori %is_finite3A_12, %is_finite3A_13 : vector<224x224xi1>
    %and3A = arith.andi %is_finite3A_11, %is_finite3A_14 : vector<224x224xi1>
    %broadcast_in_dim3A = arith.constant 0.000000e+00 : f32
    %broadcast_in_dim3A_15 = vector.broadcast %broadcast_in_dim3A : f32 to vector<224x224xf32>
    %select_n3A = arith.select %and3A, %add3A, %broadcast_in_dim3A_15 : vector<224x224xi1>, vector<224x224xf32>
    %select_n3A_16 = arith.select %and3A, %add3A_9, %broadcast_in_dim3A_15 : vector<224x224xi1>, vector<224x224xf32>
    %floor3A = math.floor %select_n3A : vector<224x224xf32>
    %floor3A_17 = math.floor %select_n3A_16 : vector<224x224xf32>
    %add3A_18 = arith.constant 1.000000e+00 : f32
    %add3A_19 = vector.broadcast %add3A_18 : f32 to vector<224x224xf32>
    %add3A_20 = arith.addf %floor3A, %add3A_19 : vector<224x224xf32>
    %add3A_21 = arith.constant 1.000000e+00 : f32
    %add3A_22 = vector.broadcast %add3A_21 : f32 to vector<224x224xf32>
    %add3A_23 = arith.addf %floor3A_17, %add3A_22 : vector<224x224xf32>
    %convert_element_type3A_24 = arith.fptosi %floor3A : vector<224x224xf32> to vector<224x224xi32>
    %convert_element_type3A_25 = arith.fptosi %floor3A_17 : vector<224x224xf32> to vector<224x224xi32>
    %convert_element_type3A_26 = arith.fptosi %add3A_20 : vector<224x224xf32> to vector<224x224xi32>
    %convert_element_type3A_27 = arith.fptosi %add3A_23 : vector<224x224xf32> to vector<224x224xi32>
    %sub3A = arith.subf %add3A_20, %select_n3A : vector<224x224xf32>
    %sub3A_28 = arith.subf %select_n3A, %floor3A : vector<224x224xf32>
    %sub3A_29 = arith.subf %add3A_23, %select_n3A_16 : vector<224x224xf32>
    %sub3A_30 = arith.subf %select_n3A_16, %floor3A_17 : vector<224x224xf32>
    %ge3A = arith.constant 0 : i32
    %ge3A_31 = vector.broadcast %ge3A : i32 to vector<224x224xi32>
    %ge3A_32 = arith.cmpi sge, %convert_element_type3A_24, %ge3A_31 : vector<224x224xi32>
    %lt3A = arith.constant 224 : i32
    %lt3A_33 = vector.broadcast %lt3A : i32 to vector<224x224xi32>
    %lt3A_34 = arith.cmpi slt, %convert_element_type3A_24, %lt3A_33 : vector<224x224xi32>
    %and3A_35 = arith.andi %ge3A_32, %lt3A_34 : vector<224x224xi1>
    %ge3A_36 = arith.constant 0 : i32
    %ge3A_37 = vector.broadcast %ge3A_36 : i32 to vector<224x224xi32>
    %ge3A_38 = arith.cmpi sge, %convert_element_type3A_26, %ge3A_37 : vector<224x224xi32>
    %lt3A_39 = arith.constant 224 : i32
    %lt3A_40 = vector.broadcast %lt3A_39 : i32 to vector<224x224xi32>
    %lt3A_41 = arith.cmpi slt, %convert_element_type3A_26, %lt3A_40 : vector<224x224xi32>
    %and3A_42 = arith.andi %ge3A_38, %lt3A_41 : vector<224x224xi1>
    %ge3A_43 = arith.constant 0 : i32
    %ge3A_44 = vector.broadcast %ge3A_43 : i32 to vector<224x224xi32>
    %ge3A_45 = arith.cmpi sge, %convert_element_type3A_25, %ge3A_44 : vector<224x224xi32>
    %lt3A_46 = arith.constant 224 : i32
    %lt3A_47 = vector.broadcast %lt3A_46 : i32 to vector<224x224xi32>
    %lt3A_48 = arith.cmpi slt, %convert_element_type3A_25, %lt3A_47 : vector<224x224xi32>
    %and3A_49 = arith.andi %ge3A_45, %lt3A_48 : vector<224x224xi1>
    %ge3A_50 = arith.constant 0 : i32
    %ge3A_51 = vector.broadcast %ge3A_50 : i32 to vector<224x224xi32>
    %ge3A_52 = arith.cmpi sge, %convert_element_type3A_27, %ge3A_51 : vector<224x224xi32>
    %lt3A_53 = arith.constant 224 : i32
    %lt3A_54 = vector.broadcast %lt3A_53 : i32 to vector<224x224xi32>
    %lt3A_55 = arith.cmpi slt, %convert_element_type3A_27, %lt3A_54 : vector<224x224xi32>
    %and3A_56 = arith.andi %ge3A_52, %lt3A_55 : vector<224x224xi1>
    %jit3A = arith.constant 0 : i32
    %jit3A_57 = arith.constant 223 : i32
    %max3A = vector.broadcast %jit3A : i32 to vector<224x224xi32>
    %max3A_58 = arith.maxsi %max3A, %convert_element_type3A_24 : vector<224x224xi32>
    %min3A = vector.broadcast %jit3A_57 : i32 to vector<224x224xi32>
    %min3A_59 = arith.minsi %min3A, %max3A_58 : vector<224x224xi32>
    %jit3A_60 = arith.constant 0 : i32
    %jit3A_61 = arith.constant 223 : i32
    %max3A_62 = vector.broadcast %jit3A_60 : i32 to vector<224x224xi32>
    %max3A_63 = arith.maxsi %max3A_62, %convert_element_type3A_26 : vector<224x224xi32>
    %min3A_64 = vector.broadcast %jit3A_61 : i32 to vector<224x224xi32>
    %min3A_65 = arith.minsi %min3A_64, %max3A_63 : vector<224x224xi32>
    %jit3A_66 = arith.constant 0 : i32
    %jit3A_67 = arith.constant 223 : i32
    %max3A_68 = vector.broadcast %jit3A_66 : i32 to vector<224x224xi32>
    %max3A_69 = arith.maxsi %max3A_68, %convert_element_type3A_25 : vector<224x224xi32>
    %min3A_70 = vector.broadcast %jit3A_67 : i32 to vector<224x224xi32>
    %min3A_71 = arith.minsi %min3A_70, %max3A_69 : vector<224x224xi32>
    %jit3A_72 = arith.constant 0 : i32
    %jit3A_73 = arith.constant 223 : i32
    %max3A_74 = vector.broadcast %jit3A_72 : i32 to vector<224x224xi32>
    %max3A_75 = arith.maxsi %max3A_74, %convert_element_type3A_27 : vector<224x224xi32>
    %min3A_76 = vector.broadcast %jit3A_73 : i32 to vector<224x224xi32>
    %min3A_77 = arith.minsi %min3A_76, %max3A_75 : vector<224x224xi32>
    %get3A_78 = arith.constant 0 : index
    %get3A_79 = arith.constant 0 : index
    %get3A_80 = arith.constant 0 : index
    %get3A_81 = arith.constant 0 : index
    %get3A_82 = vector.load %arg2[%get3A_78, %get3A_79, %get3A_80, %get3A_81] : memref<1x1x224x224xf32, #tpu.memory_space<vmem>>, vector<1x1x224x224xf32>
    %get3A_83 = vector.shape_cast %get3A_82 : vector<1x1x224x224xf32> to vector<224x224xf32>
    %exp3A = math.exp %get3A_83 : vector<224x224xf32>
    %mul3A = arith.mulf %sub3A, %sub3A_29 : vector<224x224xf32>
    %and3A_84 = arith.andi %and3A_35, %and3A_49 : vector<224x224xi1>
    %mul3A_85 = arith.constant 224 : i32
    %mul3A_86 = vector.broadcast %mul3A_85 : i32 to vector<224x224xi32>
    %mul3A_87 = arith.muli %min3A_71, %mul3A_86 : vector<224x224xi32>
    %add3A_88 = arith.addi %mul3A_87, %min3A_59 : vector<224x224xi32>
    %swap3A = arith.constant 0 : index
    %swap3A_89 = arith.constant 0 : index
    %swap3A_90 = arith.constant 0 : index
    %swap3A_91 = arith.constant 0 : index
    %swap3A_92 = vector.load %arg3[%swap3A, %swap3A_89, %swap3A_90, %swap3A_91] : memref<1x4x224x224xi32, #tpu.memory_space<vmem>>, vector<1x1x224x224xi32>
    %swap3A_93 = vector.shape_cast %swap3A_92 : vector<1x1x224x224xi32> to vector<224x224xi32>
    %swap3A_94 = vector.shape_cast %add3A_88 : vector<224x224xi32> to vector<1x1x224x224xi32>
    tpu.vector_store %arg3[%swap3A, %swap3A_89, %swap3A_90, %swap3A_91], %swap3A_94 {strides = array<i32>} : memref<1x4x224x224xi32, #tpu.memory_space<vmem>>, vector<1x1x224x224xi32>,
    %and3A_95 = arith.andi %and3A, %and3A_84 : vector<224x224xi1>
    %mul3A_96 = arith.mulf %mul3A, %exp3A : vector<224x224xf32>
    %select_n3A_97 = arith.select %and3A_95, %mul3A_96, %broadcast_in_dim3A_15 : vector<224x224xi1>, vector<224x224xf32>
    %swap3A_98 = arith.constant 0 : index
    %swap3A_99 = arith.constant 0 : index
    %swap3A_100 = arith.constant 0 : index
    %swap3A_101 = arith.constant 0 : index
    %swap3A_102 = vector.load %arg4[%swap3A_98, %swap3A_99, %swap3A_100, %swap3A_101] : memref<1x4x224x224xf32, #tpu.memory_space<vmem>>, vector<1x1x224x224xf32>
    %swap3A_103 = vector.shape_cast %swap3A_102 : vector<1x1x224x224xf32> to vector<224x224xf32>
    %swap3A_104 = vector.shape_cast %select_n3A_97 : vector<224x224xf32> to vector<1x1x224x224xf32>
    tpu.vector_store %arg4[%swap3A_98, %swap3A_99, %swap3A_100, %swap3A_101], %swap3A_104 {strides = array<i32>} : memref<1x4x224x224xf32, #tpu.memory_space<vmem>>, vector<1x1x224x224xf32>,
    %mul3A_105 = arith.mulf %sub3A_28, %sub3A_29 : vector<224x224xf32>
    %and3A_106 = arith.andi %and3A_42, %and3A_49 : vector<224x224xi1>
    %mul3A_107 = arith.constant 224 : i32
    %mul3A_108 = vector.broadcast %mul3A_107 : i32 to vector<224x224xi32>
    %mul3A_109 = arith.muli %min3A_71, %mul3A_108 : vector<224x224xi32>
    %add3A_110 = arith.addi %mul3A_109, %min3A_65 : vector<224x224xi32>
    %swap3A_111 = arith.constant 0 : index
    %swap3A_112 = arith.constant 1 : index
    %swap3A_113 = arith.constant 0 : index
    %swap3A_114 = arith.constant 0 : index
    %swap3A_115 = vector.load %arg3[%swap3A_111, %swap3A_112, %swap3A_113, %swap3A_114] : memref<1x4x224x224xi32, #tpu.memory_space<vmem>>, vector<1x1x224x224xi32>
    %swap3A_116 = vector.shape_cast %swap3A_115 : vector<1x1x224x224xi32> to vector<224x224xi32>
    %swap3A_117 = vector.shape_cast %add3A_110 : vector<224x224xi32> to vector<1x1x224x224xi32>
    tpu.vector_store %arg3[%swap3A_111, %swap3A_112, %swap3A_113, %swap3A_114], %swap3A_117 {strides = array<i32>} : memref<1x4x224x224xi32, #tpu.memory_space<vmem>>, vector<1x1x224x224xi32>,
    %and3A_118 = arith.andi %and3A, %and3A_106 : vector<224x224xi1>
    %mul3A_119 = arith.mulf %mul3A_105, %exp3A : vector<224x224xf32>
    %select_n3A_120 = arith.select %and3A_118, %mul3A_119, %broadcast_in_dim3A_15 : vector<224x224xi1>, vector<224x224xf32>
    %swap3A_121 = arith.constant 0 : index
    %swap3A_122 = arith.constant 1 : index
    %swap3A_123 = arith.constant 0 : index
    %swap3A_124 = arith.constant 0 : index
    %swap3A_125 = vector.load %arg4[%swap3A_121, %swap3A_122, %swap3A_123, %swap3A_124] : memref<1x4x224x224xf32, #tpu.memory_space<vmem>>, vector<1x1x224x224xf32>
    %swap3A_126 = vector.shape_cast %swap3A_125 : vector<1x1x224x224xf32> to vector<224x224xf32>
    %swap3A_127 = vector.shape_cast %select_n3A_120 : vector<224x224xf32> to vector<1x1x224x224xf32>
    tpu.vector_store %arg4[%swap3A_121, %swap3A_122, %swap3A_123, %swap3A_124], %swap3A_127 {strides = array<i32>} : memref<1x4x224x224xf32, #tpu.memory_space<vmem>>, vector<1x1x224x224xf32>,
    %mul3A_128 = arith.mulf %sub3A, %sub3A_30 : vector<224x224xf32>
    %and3A_129 = arith.andi %and3A_35, %and3A_56 : vector<224x224xi1>
    %mul3A_130 = arith.constant 224 : i32
    %mul3A_131 = vector.broadcast %mul3A_130 : i32 to vector<224x224xi32>
    %mul3A_132 = arith.muli %min3A_77, %mul3A_131 : vector<224x224xi32>
    %add3A_133 = arith.addi %mul3A_132, %min3A_59 : vector<224x224xi32>
    %swap3A_134 = arith.constant 0 : index
    %swap3A_135 = arith.constant 2 : index
    %swap3A_136 = arith.constant 0 : index
    %swap3A_137 = arith.constant 0 : index
    %swap3A_138 = vector.load %arg3[%swap3A_134, %swap3A_135, %swap3A_136, %swap3A_137] : memref<1x4x224x224xi32, #tpu.memory_space<vmem>>, vector<1x1x224x224xi32>
    %swap3A_139 = vector.shape_cast %swap3A_138 : vector<1x1x224x224xi32> to vector<224x224xi32>
    %swap3A_140 = vector.shape_cast %add3A_133 : vector<224x224xi32> to vector<1x1x224x224xi32>
    tpu.vector_store %arg3[%swap3A_134, %swap3A_135, %swap3A_136, %swap3A_137], %swap3A_140 {strides = array<i32>} : memref<1x4x224x224xi32, #tpu.memory_space<vmem>>, vector<1x1x224x224xi32>,
    %and3A_141 = arith.andi %and3A, %and3A_129 : vector<224x224xi1>
    %mul3A_142 = arith.mulf %mul3A_128, %exp3A : vector<224x224xf32>
    %select_n3A_143 = arith.select %and3A_141, %mul3A_142, %broadcast_in_dim3A_15 : vector<224x224xi1>, vector<224x224xf32>
    %swap3A_144 = arith.constant 0 : index
    %swap3A_145 = arith.constant 2 : index
    %swap3A_146 = arith.constant 0 : index
    %swap3A_147 = arith.constant 0 : index
    %swap3A_148 = vector.load %arg4[%swap3A_144, %swap3A_145, %swap3A_146, %swap3A_147] : memref<1x4x224x224xf32, #tpu.memory_space<vmem>>, vector<1x1x224x224xf32>
    %swap3A_149 = vector.shape_cast %swap3A_148 : vector<1x1x224x224xf32> to vector<224x224xf32>
    %swap3A_150 = vector.shape_cast %select_n3A_143 : vector<224x224xf32> to vector<1x1x224x224xf32>
    tpu.vector_store %arg4[%swap3A_144, %swap3A_145, %swap3A_146, %swap3A_147], %swap3A_150 {strides = array<i32>} : memref<1x4x224x224xf32, #tpu.memory_space<vmem>>, vector<1x1x224x224xf32>,
    %mul3A_151 = arith.mulf %sub3A_28, %sub3A_30 : vector<224x224xf32>
    %and3A_152 = arith.andi %and3A_42, %and3A_56 : vector<224x224xi1>
    %mul3A_153 = arith.constant 224 : i32
    %mul3A_154 = vector.broadcast %mul3A_153 : i32 to vector<224x224xi32>
    %mul3A_155 = arith.muli %min3A_77, %mul3A_154 : vector<224x224xi32>
    %add3A_156 = arith.addi %mul3A_155, %min3A_65 : vector<224x224xi32>
    %swap3A_157 = arith.constant 0 : index
    %swap3A_158 = arith.constant 3 : index
    %swap3A_159 = arith.constant 0 : index
    %swap3A_160 = arith.constant 0 : index
    %swap3A_161 = vector.load %arg3[%swap3A_157, %swap3A_158, %swap3A_159, %swap3A_160] : memref<1x4x224x224xi32, #tpu.memory_space<vmem>>, vector<1x1x224x224xi32>
    %swap3A_162 = vector.shape_cast %swap3A_161 : vector<1x1x224x224xi32> to vector<224x224xi32>
    %swap3A_163 = vector.shape_cast %add3A_156 : vector<224x224xi32> to vector<1x1x224x224xi32>
    tpu.vector_store %arg3[%swap3A_157, %swap3A_158, %swap3A_159, %swap3A_160], %swap3A_163 {strides = array<i32>} : memref<1x4x224x224xi32, #tpu.memory_space<vmem>>, vector<1x1x224x224xi32>,
    %and3A_164 = arith.andi %and3A, %and3A_152 : vector<224x224xi1>
    %mul3A_165 = arith.mulf %mul3A_151, %exp3A : vector<224x224xf32>
    %select_n3A_166 = arith.select %and3A_164, %mul3A_165, %broadcast_in_dim3A_15 : vector<224x224xi1>, vector<224x224xf32>
    %swap3A_167 = arith.constant 0 : index
    %swap3A_168 = arith.constant 3 : index
    %swap3A_169 = arith.constant 0 : index
    %swap3A_170 = arith.constant 0 : index
    %swap3A_171 = vector.load %arg4[%swap3A_167, %swap3A_168, %swap3A_169, %swap3A_170] : memref<1x4x224x224xf32, #tpu.memory_space<vmem>>, vector<1x1x224x224xf32>
    %swap3A_172 = vector.shape_cast %swap3A_171 : vector<1x1x224x224xf32> to vector<224x224xf32>
    %swap3A_173 = vector.shape_cast %select_n3A_166 : vector<224x224xf32> to vector<1x1x224x224xf32>
    tpu.vector_store %arg4[%swap3A_167, %swap3A_168, %swap3A_169, %swap3A_170], %swap3A_173 {strides = array<i32>} : memref<1x4x224x224xf32, #tpu.memory_space<vmem>>, vector<1x1x224x224xf32>,
    return
  }
  func.func @transform_0(%arg0: i32) -> (i32, i32, i32, i32) {
    %c0_i32 = arith.constant 0 : i32
    %c0_i32_0 = arith.constant 0 : i32
    %c0_i32_1 = arith.constant 0 : i32
    %c0_i32_2 = arith.constant 0 : i32
    return %arg0, %c0_i32, %c0_i32_0, %c0_i32_1 : i32, i32, i32, i32
  }
  func.func @transform_1(%arg0: i32) -> (i32, i32, i32, i32) {
    %c0_i32 = arith.constant 0 : i32
    %c0_i32_0 = arith.constant 0 : i32
    %c0_i32_1 = arith.constant 0 : i32
    %c0_i32_2 = arith.constant 0 : i32
    return %arg0, %c0_i32, %c0_i32_0, %c0_i32_1 : i32, i32, i32, i32
  }
  func.func @transform_2(%arg0: i32) -> (i32, i32, i32, i32) {
    %c0_i32 = arith.constant 0 : i32
    %c0_i32_0 = arith.constant 0 : i32
    %c0_i32_1 = arith.constant 0 : i32
    %c0_i32_2 = arith.constant 0 : i32
    return %arg0, %c0_i32, %c0_i32_0, %c0_i32_1 : i32, i32, i32, i32
  }
  func.func @transform_3(%arg0: i32) -> (i32, i32, i32, i32) {
    %c0_i32 = arith.constant 0 : i32
    %c0_i32_0 = arith.constant 0 : i32
    %c0_i32_1 = arith.constant 0 : i32
    %c0_i32_2 = arith.constant 0 : i32
    return %arg0, %c0_i32, %c0_i32_0, %c0_i32_1 : i32, i32, i32, i32
  }
}

module attributes {stable_mosaic.version = 14 : i64} {
  func.func @_norm_body(%arg0: i32, %arg1: i32, %arg2: memref<1x16x50176xf32, #tpu.memory_space<vmem>>, %arg3: memref<1x8x50176xf32, #tpu.memory_space<vmem>>, %arg4: memref<1x16x224x224xf32, #tpu.memory_space<vmem>>) attributes {dimension_semantics = [#tpu.dimension_semantics<arbitrary>, #tpu.dimension_semantics<arbitrary>], iteration_bounds = array<i64: 4, 6>, scalar_prefetch = 0 : i64, scratch_operands = 0 : i64, tpu.core_type = #tpu.core_type<tc>, window_params = [{transform_indices = @transform_0, window_bounds = array<i64: 1, 16, 50176>}, {transform_indices = @transform_1, window_bounds = array<i64: 1, 8, 50176>}, {transform_indices = @transform_2, window_bounds = array<i64: 1, 16, 224, 224>}]} {
    %get3A = arith.constant 0 : index
    %get3A_0 = arith.constant 0 : index
    %get3A_1 = arith.constant 0 : index
    %get3A_2 = vector.load %arg3[%get3A, %get3A_0, %get3A_1] : memref<1x8x50176xf32, #tpu.memory_space<vmem>>, vector<1x1x50176xf32>
    %get3A_3 = vector.shape_cast %get3A_2 : vector<1x1x50176xf32> to vector<1x50176xf32>
    %eq3A = arith.constant 0.000000e+00 : f32
    %eq3A_4 = vector.broadcast %eq3A : f32 to vector<1x50176xf32>
    %eq3A_5 = arith.cmpf oeq, %get3A_3, %eq3A_4 : vector<1x50176xf32>
    %broadcast_in_dim3A = arith.constant 1.000000e+00 : f32
    %broadcast_in_dim3A_6 = vector.broadcast %broadcast_in_dim3A : f32 to vector<1x50176xf32>
    %select_n3A = arith.select %eq3A_5, %broadcast_in_dim3A_6, %get3A_3 : vector<1x50176xi1>, vector<1x50176xf32>
    %get3A_7 = arith.constant 0 : index
    %get3A_8 = arith.constant 0 : index
    %get3A_9 = arith.constant 0 : index
    %get3A_10 = vector.load %arg2[%get3A_7, %get3A_8, %get3A_9] : memref<1x16x50176xf32, #tpu.memory_space<vmem>>, vector<1x16x50176xf32>
    %get3A_11 = vector.shape_cast %get3A_10 : vector<1x16x50176xf32> to vector<16x50176xf32>
    %div3A = vector.broadcast %select_n3A : vector<1x50176xf32> to vector<16x50176xf32>
    %div3A_12 = arith.divf %get3A_11, %div3A : vector<16x50176xf32>
    %reshape3A = vector.shape_cast %div3A_12 : vector<16x50176xf32> to vector<16x224x224xf32>
    %swap3A = arith.constant 0 : index
    %swap3A_13 = arith.constant 0 : index
    %swap3A_14 = arith.constant 0 : index
    %swap3A_15 = arith.constant 0 : index
    %swap3A_16 = vector.load %arg4[%swap3A, %swap3A_13, %swap3A_14, %swap3A_15] : memref<1x16x224x224xf32, #tpu.memory_space<vmem>>, vector<1x16x224x224xf32>
    %swap3A_17 = vector.shape_cast %swap3A_16 : vector<1x16x224x224xf32> to vector<16x224x224xf32>
    %swap3A_18 = vector.shape_cast %reshape3A : vector<16x224x224xf32> to vector<1x16x224x224xf32>
    tpu.vector_store %arg4[%swap3A, %swap3A_13, %swap3A_14, %swap3A_15], %swap3A_18 {strides = array<i32>} : memref<1x16x224x224xf32, #tpu.memory_space<vmem>>, vector<1x16x224x224xf32>,
    return
  }
  func.func @transform_0(%arg0: i32, %arg1: i32) -> (i32, i32, i32) {
    %c0_i32 = arith.constant 0 : i32
    %c0_i32_0 = arith.constant 0 : i32
    return %arg0, %arg1, %c0_i32 : i32, i32, i32
  }
  func.func @transform_1(%arg0: i32, %arg1: i32) -> (i32, i32, i32) {
    %c12_i32 = arith.constant 12 : i32
    %c0_i32 = arith.constant 0 : i32
    %c0_i32_0 = arith.constant 0 : i32
    return %arg0, %c12_i32, %c0_i32 : i32, i32, i32
  }
  func.func @transform_2(%arg0: i32, %arg1: i32) -> (i32, i32, i32, i32) {
    %c0_i32 = arith.constant 0 : i32
    %c0_i32_0 = arith.constant 0 : i32
    %c0_i32_1 = arith.constant 0 : i32
    return %arg0, %arg1, %c0_i32, %c0_i32_0 : i32, i32, i32, i32
  }
}

</mosaic_0001>

<sc_bundles>
// kernel: kernel.5.cloned.1.call-start
scs
__scs_entry_jumppad:
0x0: {  	(pc) =	sbr.rel $0x88, $3  }
0x1: {  	(tag) =	ssettag $0x0;
	lr =	simm.s32 $0x1  }
0x2: {  	[smem:$0x3F9E] =	sst lr;
	_ =	strace $0xD0000000  }
0x3: {  	_ = 	snop  }
0x4: {  	_ = 	snop  }
0x5: {  	_ = 	snop  }
0x6: {  	_ = 	snop  }
0x7: {  	_ = 	snop  }
__scs_overlays_trampoline_lowered:
0x8: {  	[smem:$0x3FAD] =	sst s0  }
0x9: {  	[smem:$0x3FAE] =	sst s1  }
0xa: {  	[smem:$0x3FAF] =	sst s2  }
0xb: {  	[smem:$0x3FB0] =	sst s3  }
0xc: {  	[smem:$0x3FB1] =	sst s4  }
0xd: {  	[smem:$0x3FB2] =	sst s5  }
0xe: {  	[smem:$0x3FB3] =	sst s6  }
0xf: {  	[smem:$0x3FB4] =	sst s7  }
0x10: {  	[smem:$0x3FB5] =	sst s8  }
0x11: {  	[smem:$0x3FB6] =	sst s9;
	s0 =	simm.s32 @!p0 $0x0  }
0x12: {  	s1 =	sld [smem:$0x3F9C];
	s0 =	simm.s32 @p0 $0x1  }
0x13: {  	[smem:$0x3FB7] =	sst s0;
	s0 =	simm.s32 @!p1 $0x0  }
0x14: {  	s2 =	sld [smem:$0x3F9B];
	s0 =	simm.s32 @p1 $0x1  }
0x15: {  	[smem:$0x3FB8] =	sst s0;
	s0 =	simm.s32 @!p2 $0x0  }
0x16: {  	s3 =	sld [smem:$0x3FDB];
	s0 =	simm.s32 @p2 $0x1  }
0x17: {  	s4 =	simm.s32 $0x1BF5;
	[smem:$0x3FBA] =	sst s0  }
0x18: {  	s0 =	sld [smem:$0x3F9D];
	_ =	swait.ge [sflag:s4], $0x0  }
0x19: {  	s7 =	sld [smem:$0x3F9E]  }
0x1a: {  	s8 =	sadd.s32 $0xFFFFE003, lr  }
0x1b: {  	s9 =	sadd.s32 $0xFFFFFEF7, lr;
	s5 =	simm.s32 $0xFFFFFFFF;
	p2 =	slt.u32 s8, $0xFFFFF086  }
0x1c: {  	p1 =	slt.u32 s9, $0xF7A;
	s5 =	simm.s32 @!p2 $0x0  }
0x1d: {  	s5 =	simm.s32 @p1 $0x1;
	p0 =	seq.s32 s7, s2  }
0x1e: {  	s7 =	smul.u32 @!p0 $0xF7A, s2;
	p2 =	seq.s32 @!p0 s5, $0x0  }
0x1f: {  	s9 =	smul.u32 $0xF7A, s1;
	s8 =	simm.s32 @!p0 $0x1BF5;
	p2 =	por !p2, p0  }
0x20: {  	[sflag:s8] =	ssyncset.s32 @!p0 $0xFFFFF086;
	s6 =	sadd.s32 @!p0 s3, s7;
	s7 =	simm.s32 @!p0 $0x108  }
0x21: {  	s3 =	sadd.s32 s3, s9;
	s6 =	sadd.s32 @!p0 $0x88, s6;
	s7 =	simm.s32 @p2 $0x1082  }
0x22: {  	[simem:s7], [sflag:s8] =	dma.local @!p0 [hbm:s6], $0xF7A  }
0x23: {  	s9 =	sor.u32 $0xD0000000, s2;
	s6 =	simm.s32 $0x108;
	_ =	swait.ge @!p0 [sflag:s8], $0x0  }
0x24: {  	s3 =	sadd.s32 $0x88, s3;
	s6 =	simm.s32 @!p1 $0x1082;
	[sflag:s4] =	ssyncset.s32 $0xFFFFF086  }
0x25: {  	[simem:s6], [sflag:s4] =	dma.local [hbm:s3], $0xF7A  }
0x26: {  	[smem:$0x3F9E] =	sst s1;
	(tag) =	ssettag s2;
	_ =	strace s9  }
0x27: {  	s1 =	sld [smem:$0x3FAE]  }
0x28: {  	s2 =	sld [smem:$0x3FAF]  }
0x29: {  	s4 =	sld [smem:$0x3FB1]  }
0x2a: {  	p0 =	seq.s32 s5, $0x0;
	s5 =	sld [smem:$0x3FB2]  }
0x2b: {  	s6 =	sld [smem:$0x3FB3]  }
0x2c: {  	s7 =	sld [smem:$0x3FB4]  }
0x2d: {  	s3 =	simm.s32 $0x108;
	s8 =	sld [smem:$0x3FB5]  }
0x2e: {  	s3 =	simm.s32 @!p0 $0x1082;
	s9 =	sld [smem:$0x3FB6]  }
0x2f: {  	lr =	sadd.s32 s0, s3;
	s0 =	sld [smem:$0x3FAD]  }
0x30: {  	s3 =	sld [smem:$0x3FB0]  }
0x31: {  	[smem:$0x3FB9] =	sst s10  }
0x32: {  	s10 =	sld [smem:$0x3FB7];
	_ =	sdelay $0x3  }
0x33: {  	p0 =	seq.s32 s10, $0x1;
	s10 =	sld [smem:$0x3FB9];
	_ =	sdelay $0x3  }
0x34: {  	[smem:$0x3FB9] =	sst s10  }
0x35: {  	s10 =	sld [smem:$0x3FB8];
	_ =	sdelay $0x3  }
0x36: {  	p1 =	seq.s32 s10, $0x1;
	s10 =	sld [smem:$0x3FB9];
	_ =	sdelay $0x3  }
0x37: {  	[smem:$0x3FB9] =	sst s10  }
0x38: {  	s10 =	sld [smem:$0x3FBA]  }
0x39: {  	_ = 	snop;
	(pc) =	sbr.ind lr, $3  }
0x3a: {  	_ = 	snop  }
0x3b: {  	_ = 	snop  }
0x3c: {  	p2 =	seq.s32 s10, $0x1;
	s10 =	sld [smem:$0x3FB9]  }
0x3d: {  	_ =	shalt  }
0x3e: {  	_ =	shalt  }
0x3f: {  	_ =	shalt  }
0x40: {  	_ =	shalt  }
0x41: {  	_ =	shalt  }
0x42: {  	_ =	shalt  }
0x43: {  	_ =	shalt  }
0x44: {  	_ =	shalt  }
0x45: {  	_ =	shalt  }
0x46: {  	_ =	shalt  }
0x47: {  	_ =	shalt  }
0x48: {  	_ =	shalt  }
0x49: {  	_ =	shalt  }
0x4a: {  	_ =	shalt  }
0x4b: {  	_ =	shalt  }
0x4c: {  	_ =	shalt  }
0x4d: {  	_ =	shalt  }
0x4e: {  	_ =	shalt  }
0x4f: {  	_ =	shalt  }
0x50: {  	_ =	shalt  }
0x51: {  	_ =	shalt  }
0x52: {  	_ =	shalt  }
0x53: {  	_ =	shalt  }
0x54: {  	_ =	shalt  }
0x55: {  	_ =	shalt  }
0x56: {  	_ =	shalt  }
0x57: {  	_ =	shalt  }
0x58: {  	_ =	shalt  }
0x59: {  	_ =	shalt  }
0x5a: {  	_ =	shalt  }
0x5b: {  	_ =	shalt  }
0x5c: {  	_ =	shalt  }
0x5d: {  	_ =	shalt  }
0x5e: {  	_ =	shalt  }
0x5f: {  	_ =	shalt  }
0x60: {  	_ =	shalt  }
0x61: {  	_ =	shalt  }
0x62: {  	_ =	shalt  }
0x63: {  	_ =	shalt  }
0x64: {  	_ =	shalt  }
0x65: {  	_ =	shalt  }
0x66: {  	_ =	shalt  }
0x67: {  	_ =	shalt  }
0x68: {  	_ =	shalt  }
0x69: {  	_ =	shalt  }
0x6a: {  	_ =	shalt  }
0x6b: {  	_ =	shalt  }
0x6c: {  	_ =	shalt  }
0x6d: {  	_ =	shalt  }
0x6e: {  	_ =	shalt  }
0x6f: {  	_ =	shalt  }
0x70: {  	_ =	shalt  }
0x71: {  	_ =	shalt  }
0x72: {  	_ =	shalt  }
0x73: {  	_ =	shalt  }
0x74: {  	_ =	shalt  }
0x75: {  	_ =	shalt  }
0x76: {  	_ =	shalt  }
0x77: {  	_ =	shalt  }
0x78: {  	_ =	shalt  }
0x79: {  	_ =	shalt  }
0x7a: {  	_ =	shalt  }
0x7b: {  	_ =	shalt  }
0x7c: {  	_ =	shalt  }
0x7d: {  	_ =	shalt  }
0x7e: {  	_ =	shalt  }
0x7f: {  	_ =	shalt  }
0x80: {  	_ =	shalt  }
0x81: {  	_ =	shalt  }
0x82: {  	_ =	shalt  }
0x83: {  	_ =	shalt  }
0x84: {  	_ =	shalt  }
0x85: {  	_ =	shalt  }
0x86: {  	_ =	shalt  }
0x87: {  	_ =	shalt  }
.Lfunc_end0:
.L_simem_size_0:
called_computation_lowered:
.L_overlay_start_0:
0x88: {  	s2 =	sld [smem:$0x3FD9]  }
0x89: {  	s3 =	sld [smem:$0x3FFE];
	_ =	sdelay $0x1  }
0x8a: {  	s1 =	srdreg.scid  }
0x8b: {  	s0 =	sand.u32 $0x1, s1  }
0x8c: {  	s17 =	sshll.u32 s0, $0xA;
	s2 =	sadd.s32 s3, s2  }
0x8d: {  	s2 =	sadd.s32 s2, s17  }
0x8e: {  	[smem:$0x3FC5] =	sst s2  }
0x8f: {  	_ = 	snop  }
0x90: {  	s2 =	sld [smem:$0x3FD0];
	(tm) =	ssettm $0x1  }
0x91: {  	s18 =	sld [smem:$0x3FFB];
	_ =	sdelay $0x3  }
0x92: {  	_ =	strace s18  }
0x93: {  	s3 =	sld [smem:$0x3FFC];
	_ =	sdelay $0x3  }
0x94: {  	_ =	strace s3  }
0x95: {  	s3 =	sld [smem:$0x3FFD];
	_ =	sdelay $0x3  }
0x96: {  	_ =	strace s3  }
0x97: {  	_ =	strace $0x8FFFFFFF  }
0x98: {  	s19 =	sld [smem:$0x3FDB];
	_ =	sdelay $0x1  }
0x99: {  	s4 =	simm.s32 $_scs_section_size  }
0x9a: {  	s5 =	simm.s32 $_size__tile_overlayer_lowered;
	s6 =	simm.s32 $_tile_overlayer_lowered  }
0x9b: {  	s22 =	simm.s32 $0x1BFF;
	s21 =	sshll.u32 s6, $0x1;
	s3 =	sadd.s32 s4, s19  }
0x9c: {  	s7 =	simm.s32 $0x0;
	s20 =	sshll.u32 s5, $0x1;
	s5 =	sadd.s32 s21, s3  }
0x9d: {  	[timem:s7], [sflag:s22] =	dma.local [hbm:s5], s20  }
0x9e: {  	_ =	swait.ge [sflag:s22], s20  }
0x9f: {  	s4 =	ssub.s32 $0x0, s20;
	[sflag:s22] =	ssyncset.done $0x0  }
0xa0: {  	[sflag:s22] =	ssyncadd.s32 s4;
	_ =	sdelay $0x1  }
0xa1: {  	s23 =	simm.s32 $0x1B8B  }
0xa2: {  	_ =	swait.ge [sflag:s23], $0x1  }
0xa3: {  	[sflag:s23] =	ssyncset.done $0x0  }
0xa4: {  	s25 =	simm.s32 $0x1B8E;
	s24 =	sld [smem:$0x3FFE];
	[sflag:s23] =	ssyncadd.s32 $0xFFFFFFFF  }
0xa5: {  	s26 =	simm.s32 $execute0_lowered;
	[smem:$0x3FD2] =	sst s25  }
0xa6: {  	s5 =	sshll.u32 s26, $0x1;
	_ =	strace $0x80000046;
	[dreg:$0x1] =	wrdreg $0xFFFFFFFF  }
0xa7: {  	s28 =	simm.s32 $_size_execute0_lowered;
	s3 =	sadd.s32 s3, s5;
	[dreg:$0x0] =	wrdreg $0x0  }
0xa8: {  	s5 =	sshll.u32 s28, $0x1;
	[dreg:$0x2] =	wrdreg s3  }
0xa9: {  	[dreg:$0x3] =	wrdreg s5  }
0xaa: {  	[dreg:$0x4] =	wrdreg $0xC0  }
0xab: {  	_ =	task [dreg:s7], $0x5FFFF  }
0xac: {  	[dreg:$0x1] =	wrdreg $0xFFFFFFFF  }
0xad: {  	[dreg:$0x0] =	wrdreg $0x60  }
0xae: {  	[dreg:$0x2] =	wrdreg s24  }
0xaf: {  	[dreg:$0x3] =	wrdreg s2  }
0xb0: {  	[dreg:$0x4] =	wrdreg $0x9  }
0xb1: {  	_ =	task.clear_ibuf [dreg:s7], $0x5FFFF;
	_ =	strace $0x90000046  }
0xb2: {  	s29 =	simm.s32 $0x9;
	_ =	strace $0x80000048  }
0xb3: {  	_ =	swait.ge [sflag:s29], $0x1  }
0xb4: {  	[sflag:s29] =	ssyncadd.s32 $0xFFFFFFFF  }
0xb5: {  	_ =	strace $0x90000048  }
0xb6: {  	_ =	sfence  }
0xb7: {  	s30 =	sld [smem:$0x0];
	_ =	sdelay $0x2  }
0xb8: {  	s31 =	sshll.u32 s1, $0xD;
	s1 =	sshrl.u32 s1, $0x2  }
0xb9: {  	s3 =	sand.u32 $0x4000, s31;
	s1 =	sadd.s32 s1, s30  }
0xba: {  	s0 =	sor.u32 s3, s0;
	s1 =	sshll.u32 s1, $0x11  }
0xbb: {  	s0 =	sor.u32 s1, s0  }
0xbc: {  	s0 =	sadd.s32 $0x8F2B, s0  }
0xbd: {  	[sflag:s0] =	ssyncadd.remote.s32 $0x1  }
0xbe: {  	_ =	sfence.sel $0xFFFF  }
0xbf: {  	[dreg:$0x0] =	wrdreg $0xFFFFFFFF;
	(pc) =	sbr.abs _section_cstart, $3  }
0xc0: {  	[dreg:$0x1] =	wrdreg $0xFFFFFFFF  }
0xc1: {  	_ =	task.clear_ibuf [dreg:s7], $0x2FFFF;
	_ =	strace $0x9FFFFFFF  }
0xc2: {  	(tm) =	ssettm $0x7FFFFFFF  }
0xc3: {  	_ =	shalt  }
tec
execute0_lowered:
.L_overlay_start_1:
0x0: {  	(tag) =	ssettag $0x1  }
0x1: {  	s0 =	rddreg [dreg:$0x0];
	s1 =	srdreg.scid  }
0x2: {  	s8 =	stileid.u32;
	s2 =	rddreg [dreg:$0x1]  }
0x3: {  	s3 =	simm.s32 $0x0;
	s14 =	simm.s32 $0x1CB00;
	s11 =	simm.s32 $0x1CD00  }
0x4: {  	s17 =	simm.s32 $0x1C780;
	s18 =	simm.s32 $0x1C880;
	s19 =	simm.s32 $0x1C980  }
0x5: {  	s20 =	simm.s32 $0x1CA80;
	s21 =	simm.s32 $0x1CB80;
	s22 =	simm.s32 $0x1CC80  }
0x6: {  	s23 =	simm.s32 $0x1CD80;
	s24 =	simm.s32 $0x1;
	s25 =	simm.s32 $0x2  }
0x7: {  	s1 =	sand.u32 $0x1, s1;
	s4 =	sshll.u32 s8, $0x1;
	[smem:$0x7FF] =	sst s3  }
0x8: {  	s5 =	sadd.s32 $0xA00, s0;
	s6 =	sadd.s32 $0x19200, s0;
	s9 =	sadd.s32 $0x31A00, s0  }
0x9: {  	p0 =	slt.u32 s8, $0xE;
	s4 =	sor.u32 s1, s4;
	s1 =	ssub.s32 $0x2, s1  }
0xa: {  	[dreg:$0x3] =	wrdreg s4;
	s4 =	sadd.s32 $0xFFFFFFE4, s4;
	s29 =	sshrl.u32 s1, $0x1  }
0xb: {  	_ =	strace $0x80000047;
	s7 =	smul.u32 $0x31000, s4;
	s0 =	ssub.s32 s1, s29  }
0xc: {  	s4 =	smul.u32 $0x4FA000, s4;
	[dreg:$0x4] =	wrdreg s9;
	s0 =	smax.u32 s0, $0x1  }
0xd: {  	s30 =	sshrl.u32 s7, $0x3;
	s13 =	sor.u32 $0xE00, s7;
	[dreg:$0xb] =	wrdreg s0  }
0xe: {  	s4 =	sshrl.u32 s4, $0x3;
	s28 =	sadd.s32 $0x1C00, s7;
	[dreg:$0x7] =	wrdreg s13  }
.Ltmp0:
0xf: {  	s10 =	sadd.s32 s5, s30;
	[dreg:$0x8] =	wrdreg s28;
	(pc) =	sbr.rel .LBB2_1-.Ltmp0, $4  }
0x10: {  	s1 =	sadd.s32 s6, s30;
	s31 =	sadd.s32 s9, s4;
	[dreg:$0x5] =	wrdreg s10  }
0x11: {  	s0 =	simm.s32 $0x1B900;
	[dreg:$0x6] =	wrdreg s1;
	s4 =	sadd.s32 $0x93000, s31  }
0x12: {  	s7 =	simm.s32 $0x0;
	s1 =	sadd.s32 $0x93010, s31;
	[dreg:$0x9] =	wrdreg s4  }
0x13: {  	v0 =	vimm.f32 $0.0e+00;
	s10 =	simm.s32 $0x1CC00;
	[dreg:$0xa] =	wrdreg s1;
	s1 =	simm.s32 $0x1AB00  }
.LBB2_21:
0x14: {  	s7 =	sadd.s32 $0x1, s7;
	s4 =	rddreg [dreg:$0xb]  }
0x15: {  	p1 =	sne.s32 s7, s4  }
.Ltmp1:
0x16: {  	_ = 	snop;
	(pc) =	sbr.rel @!p1 .LBB2_22-.Ltmp1, $1  }
0x17: {  	_ =	sdelay $0x3  }
.LBB2_1:
0x18: {  	[dreg:$0xc] =	wrdreg s7;
	s4 =	simm.s32 $0x0  }
.LBB2_2:
0x19: {  	s29 =	sshll.u32 s4, $0x5;
	s7 =	rddreg [dreg:$0x3]  }
0x1a: {  	[dreg:$0xd] =	wrdreg s4;
	s4 =	sor.u32 s7, s29  }
0x1b: {  	s7 =	smulhi.u32 $0x2AAAAAAB, s4;
	_ =	sdelay $0x1  }
0x1c: {  	s9 =	sshrl.u32 s7, $0x3  }
0x1d: {  	s31 =	smul.u32 $0x31000, s9  }
0x1e: {  	s7 =	smul.u32 $0x30, s9  }
0x1f: {  	s16 =	simm.s32 $0x0;
	s8 =	simm.s32 $0x18800;
	s15 =	sshrl.u32 s31, $0x3  }
0x20: {  	s12 =	simm.s32 $0x19600;
	s4 =	ssub.s32 s4, s7;
	s30 =	sadd.s32 s5, s15  }
0x21: {  	[tilespmem:s8], [sflag:$0x1] =	stream.linear.gather [hbm4b:s30+s16], $0xE00, $0x38;
	[tilespmem:$0x1CE00] =	vst v63  }
0x22: {  	[dreg:$0xe] =	wrdreg s9;
	s26 =	smul.u32 $0x498000, s9;
	s8 =	sshrl.u32 s4, $0x2  }
0x23: {  	s15 =	sadd.s32 s6, s15;
	s4 =	sshll.u32 s4, $0x8;
	s9 =	smul.u32 $0x62000, s8  }
0x24: {  	[tilespmem:s12], [sflag:$0x1] =	stream.linear.gather [hbm4b:s15+s16], $0xE00, $0x38;
	[tilespmem:$0x1CE00] =	vst v63  }
0x25: {  	s15 =	sadd.s32 s26, s9;
	s26 =	sand.u32 $0x300, s4  }
0x26: {  	s4 =	sor.u32 s26, s15  }
0x27: {  	s4 =	sshrl.u32 s4, $0x3  }
0x28: {  	s13 =	simm.s32 $0x1A400;
	s4 =	sadd.s32 s2, s4  }
0x29: {  	[tilespmem:s13], [sflag:$0x1] =	stream.linear.gather [hbm4b:s4+s16], $0x80, $0x38;
	[tilespmem:$0x1CE00] =	vst v63  }
0x2a: {  	s30 =	simm.s32 $0x1A500;
	s29 =	sadd.s32 $0x80, s4  }
0x2b: {  	[tilespmem:s30], [sflag:$0x1] =	stream.linear.gather [hbm4b:s29+s16], $0x80, $0x38;
	[tilespmem:$0x1CE00] =	vst v63  }
0x2c: {  	[dreg:$0xf] =	wrdreg s9;
	s9 =	simm.s32 $0x1A600;
	s8 =	sadd.s32 $0x100, s4  }
0x2d: {  	[tilespmem:s9], [sflag:$0x1] =	stream.linear.gather [hbm4b:s8+s16], $0x80, $0x38;
	[tilespmem:$0x1CE00] =	vst v63  }
0x2e: {  	s12 =	sadd.s32 $0x180, s4;
	s13 =	simm.s32 $0x1A700  }
0x2f: {  	[tilespmem:s13], [sflag:$0x1] =	stream.linear.gather [hbm4b:s12+s16], $0x80, $0x38;
	[tilespmem:$0x1CE00] =	vst v63  }
0x30: {  	s29 =	sadd.s32 $0x200, s4;
	s30 =	simm.s32 $0x1A800  }
0x31: {  	[tilespmem:s30], [sflag:$0x1] =	stream.linear.gather [hbm4b:s29+s16], $0x80, $0x38;
	[tilespmem:$0x1CE00] =	vst v63  }
0x32: {  	s7 =	sor.u32 $0x80, s26;
	s8 =	sadd.s32 $0x280, s4;
	s9 =	simm.s32 $0x1A900  }
0x33: {  	[tilespmem:s9], [sflag:$0x1] =	stream.linear.gather [hbm4b:s8+s16], $0x80, $0x38;
	[tilespmem:$0x1CE00] =	vst v63  }
0x34: {  	s4 =	sadd.s32 $0x300, s4;
	s12 =	simm.s32 $0x1AA00;
	s13 =	sor.u32 s7, s15  }
0x35: {  	[tilespmem:s12], [sflag:$0x1] =	stream.linear.gather [hbm4b:s4+s16], $0x80, $0x38;
	[tilespmem:$0x1CE00] =	vst v63  }
0x36: {  	s4 =	sshrl.u32 s13, $0x3  }
0x37: {  	s29 =	simm.s32 $0x1A480;
	s4 =	sadd.s32 s2, s4  }
0x38: {  	[tilespmem:s29], [sflag:$0x1] =	stream.linear.gather [hbm4b:s4+s16], $0x80, $0x38;
	[tilespmem:$0x1CE00] =	vst v63  }
0x39: {  	s30 =	simm.s32 $0x1A580;
	s28 =	sadd.s32 $0x80, s4  }
0x3a: {  	[tilespmem:s30], [sflag:$0x1] =	stream.linear.gather [hbm4b:s28+s16], $0x80, $0x38;
	[tilespmem:$0x1CE00] =	vst v63  }
0x3b: {  	s9 =	simm.s32 $0x1A680;
	s28 =	sadd.s32 $0x100, s4  }
0x3c: {  	[tilespmem:s9], [sflag:$0x1] =	stream.linear.gather [hbm4b:s28+s16], $0x80, $0x38;
	[tilespmem:$0x1CE00] =	vst v63  }
0x3d: {  	s12 =	simm.s32 $0x1A780;
	s28 =	sadd.s32 $0x180, s4  }
0x3e: {  	[tilespmem:s12], [sflag:$0x1] =	stream.linear.gather [hbm4b:s28+s16], $0x80, $0x38;
	[tilespmem:$0x1CE00] =	vst v63  }
0x3f: {  	s13 =	simm.s32 $0x1A880;
	s28 =	sadd.s32 $0x200, s4  }
0x40: {  	[tilespmem:s13], [sflag:$0x1] =	stream.linear.gather [hbm4b:s28+s16], $0x80, $0x38;
	[tilespmem:$0x1CE00] =	vst v63  }
0x41: {  	s29 =	simm.s32 $0x1A980;
	s28 =	sadd.s32 $0x280, s4  }
0x42: {  	[tilespmem:s29], [sflag:$0x1] =	stream.linear.gather [hbm4b:s28+s16], $0x80, $0x38;
	[tilespmem:$0x1CE00] =	vst v63  }
0x43: {  	s30 =	simm.s32 $0x1AA80;
	s4 =	sadd.s32 $0x300, s4  }
0x44: {  	[tilespmem:s30], [sflag:$0x1] =	stream.linear.gather [hbm4b:s4+s16], $0x80, $0x38;
	[tilespmem:$0x1CE00] =	vst v63  }
0x45: {  	s28 =	simm.s32 $0x0;
	s4 =	simm.s32 $0x800  }
.LBB2_3:
0x46: {  	p1 =	sne.s32 s4, $0x61800;
	[tilespmem:s28+$0x1F0] =	vst v0  }
0x47: {  	[tilespmem:s28+$0x0] =	vst v0  }
0x48: {  	[tilespmem:s28+$0x10] =	vst v0  }
0x49: {  	[tilespmem:s28+$0x20] =	vst v0  }
0x4a: {  	[tilespmem:s28+$0x30] =	vst v0  }
0x4b: {  	[tilespmem:s28+$0x40] =	vst v0  }
0x4c: {  	[tilespmem:s28+$0x50] =	vst v0  }
0x4d: {  	[tilespmem:s28+$0x60] =	vst v0  }
0x4e: {  	[tilespmem:s28+$0x70] =	vst v0  }
0x4f: {  	[tilespmem:s28+$0x80] =	vst v0  }
0x50: {  	[tilespmem:s28+$0x90] =	vst v0  }
0x51: {  	[tilespmem:s28+$0xA0] =	vst v0  }
0x52: {  	[tilespmem:s28+$0xB0] =	vst v0  }
0x53: {  	[tilespmem:s28+$0xC0] =	vst v0  }
0x54: {  	[tilespmem:s28+$0xD0] =	vst v0  }
0x55: {  	[tilespmem:s28+$0xE0] =	vst v0  }
0x56: {  	[tilespmem:s28+$0xF0] =	vst v0  }
0x57: {  	[tilespmem:s28+$0x100] =	vst v0  }
0x58: {  	[tilespmem:s28+$0x110] =	vst v0  }
0x59: {  	[tilespmem:s28+$0x120] =	vst v0  }
0x5a: {  	[tilespmem:s28+$0x130] =	vst v0  }
0x5b: {  	[tilespmem:s28+$0x140] =	vst v0  }
0x5c: {  	[tilespmem:s28+$0x150] =	vst v0  }
0x5d: {  	[tilespmem:s28+$0x160] =	vst v0  }
0x5e: {  	[tilespmem:s28+$0x170] =	vst v0  }
0x5f: {  	[tilespmem:s28+$0x180] =	vst v0  }
0x60: {  	[tilespmem:s28+$0x190] =	vst v0  }
.Ltmp2:
0x61: {  	[tilespmem:s28+$0x1A0] =	vst v0;
	(pc) =	sbr.rel @p1 .LBB2_3-.Ltmp2, $4  }
0x62: {  	[tilespmem:s28+$0x1B0] =	vst v0  }
0x63: {  	[tilespmem:s28+$0x1C0] =	vst v0  }
0x64: {  	[tilespmem:s28+$0x1D0] =	vst v0  }
0x65: {  	[tilespmem:s28+$0x1E0] =	vst v0;
	s28 =	sshra.s32 s4, $0x2;
	s4 =	sadd.s32 $0x800, s4  }
0x66: {  	[tilespmem:s28+$0x1F0] =	vst v0  }
0x67: {  	[tilespmem:s28+$0x0] =	vst v0  }
0x68: {  	[tilespmem:s28+$0x10] =	vst v0  }
0x69: {  	[tilespmem:s28+$0x20] =	vst v0  }
0x6a: {  	[tilespmem:s28+$0x30] =	vst v0  }
0x6b: {  	[tilespmem:s28+$0x40] =	vst v0  }
0x6c: {  	[tilespmem:s28+$0x50] =	vst v0  }
0x6d: {  	[tilespmem:s28+$0x60] =	vst v0  }
0x6e: {  	[tilespmem:s28+$0x70] =	vst v0  }
0x6f: {  	[tilespmem:s28+$0x80] =	vst v0  }
0x70: {  	[tilespmem:s28+$0x90] =	vst v0  }
0x71: {  	[tilespmem:s28+$0xA0] =	vst v0  }
0x72: {  	[tilespmem:s28+$0xB0] =	vst v0  }
0x73: {  	[tilespmem:s28+$0xC0] =	vst v0  }
0x74: {  	[tilespmem:s28+$0xD0] =	vst v0  }
0x75: {  	[tilespmem:s28+$0xE0] =	vst v0  }
0x76: {  	[tilespmem:s28+$0xF0] =	vst v0  }
0x77: {  	[tilespmem:s28+$0x100] =	vst v0  }
0x78: {  	[tilespmem:s28+$0x110] =	vst v0  }
0x79: {  	[tilespmem:s28+$0x120] =	vst v0  }
0x7a: {  	[tilespmem:s28+$0x130] =	vst v0  }
0x7b: {  	[tilespmem:s28+$0x140] =	vst v0  }
0x7c: {  	[tilespmem:s28+$0x150] =	vst v0  }
0x7d: {  	[tilespmem:s28+$0x160] =	vst v0  }
0x7e: {  	[tilespmem:s28+$0x170] =	vst v0  }
0x7f: {  	[tilespmem:s28+$0x180] =	vst v0  }
0x80: {  	[tilespmem:s28+$0x190] =	vst v0  }
0x81: {  	[tilespmem:s28+$0x1A0] =	vst v0  }
0x82: {  	[tilespmem:s28+$0x1B0] =	vst v0  }
0x83: {  	[tilespmem:s28+$0x1C0] =	vst v0  }
0x84: {  	[tilespmem:s28+$0x1D0] =	vst v0  }
0x85: {  	[tilespmem:s28+$0x1E0] =	vst v0  }
.LBB2_5:
0x86: {  	s4 =	sshllo.u32 s16, $0x1  }
0x87: {  	s28 =	smul.u32 $0xE00, s4  }
0x88: {  	s4 =	smul.u32 $0x1C00, s4  }
0x89: {  	s28 =	sadd.s32 s31, s28  }
0x8a: {  	s4 =	sadd.s32 s15, s4;
	s30 =	sshrl.u32 s28, $0x3  }
0x8b: {  	s28 =	simm.s32 $0x0;
	s12 =	sor.u32 s26, s4;
	s29 =	sadd.s32 s5, s30  }
0x8c: {  	[tilespmem:s1], [sflag:$0x2] =	stream.linear.gather [hbm4b:s29+s28], $0xE00, $0x38;
	[tilespmem:$0x1CE00] =	vst v63  }
0x8d: {  	s9 =	sadd.s32 s6, s30;
	s29 =	sshrl.u32 s12, $0x3  }
0x8e: {  	[tilespmem:s0], [sflag:$0x2] =	stream.linear.gather [hbm4b:s9+s28], $0xE00, $0x38;
	[tilespmem:$0x1CE00] =	vst v63  }
0x8f: {  	s8 =	simm.s32 $0x1C700;
	s29 =	sadd.s32 s2, s29  }
0x90: {  	[tilespmem:s8], [sflag:$0x2] =	stream.linear.gather [hbm4b:s29+s28], $0x80, $0x38;
	[tilespmem:$0x1CE00] =	vst v63  }
0x91: {  	s13 =	simm.s32 $0x1C800;
	s30 =	sadd.s32 $0x80, s29  }
0x92: {  	[tilespmem:s13], [sflag:$0x2] =	stream.linear.gather [hbm4b:s30+s28], $0x80, $0x38;
	[tilespmem:$0x1CE00] =	vst v63  }
0x93: {  	s9 =	simm.s32 $0x1C900;
	s30 =	sadd.s32 $0x100, s29  }
0x94: {  	[tilespmem:s9], [sflag:$0x2] =	stream.linear.gather [hbm4b:s30+s28], $0x80, $0x38;
	[tilespmem:$0x1CE00] =	vst v63  }
0x95: {  	s12 =	simm.s32 $0x1CA00;
	s30 =	sadd.s32 $0x180, s29  }
0x96: {  	[tilespmem:s12], [sflag:$0x2] =	stream.linear.gather [hbm4b:s30+s28], $0x80, $0x38;
	[tilespmem:$0x1CE00] =	vst v63  }
0x97: {  	s30 =	sadd.s32 $0x200, s29  }
0x98: {  	[tilespmem:s14], [sflag:$0x2] =	stream.linear.gather [hbm4b:s30+s28], $0x80, $0x38;
	[tilespmem:$0x1CE00] =	vst v63  }
0x99: {  	s4 =	sor.u32 s7, s4;
	s30 =	sadd.s32 $0x280, s29  }
0x9a: {  	[tilespmem:s10], [sflag:$0x2] =	stream.linear.gather [hbm4b:s30+s28], $0x80, $0x38;
	[tilespmem:$0x1CE00] =	vst v63  }
0x9b: {  	s4 =	sshrl.u32 s4, $0x3;
	s29 =	sadd.s32 $0x300, s29  }
0x9c: {  	[tilespmem:s11], [sflag:$0x2] =	stream.linear.gather [hbm4b:s29+s28], $0x80, $0x38;
	[tilespmem:$0x1CE00] =	vst v63  }
0x9d: {  	s4 =	sadd.s32 s2, s4  }
0x9e: {  	[tilespmem:s17], [sflag:$0x2] =	stream.linear.gather [hbm4b:s4+s28], $0x80, $0x38;
	[tilespmem:$0x1CE00] =	vst v63  }
0x9f: {  	s13 =	sadd.s32 $0x80, s4  }
0xa0: {  	[tilespmem:s18], [sflag:$0x2] =	stream.linear.gather [hbm4b:s13+s28], $0x80, $0x38;
	[tilespmem:$0x1CE00] =	vst v63  }
0xa1: {  	s8 =	sadd.s32 $0x100, s4  }
0xa2: {  	[tilespmem:s19], [sflag:$0x2] =	stream.linear.gather [hbm4b:s8+s28], $0x80, $0x38;
	[tilespmem:$0x1CE00] =	vst v63  }
0xa3: {  	s9 =	sadd.s32 $0x180, s4  }
0xa4: {  	[tilespmem:s20], [sflag:$0x2] =	stream.linear.gather [hbm4b:s9+s28], $0x80, $0x38;
	[tilespmem:$0x1CE00] =	vst v63  }
0xa5: {  	s12 =	sadd.s32 $0x200, s4  }
0xa6: {  	[tilespmem:s21], [sflag:$0x2] =	stream.linear.gather [hbm4b:s12+s28], $0x80, $0x38;
	[tilespmem:$0x1CE00] =	vst v63  }
0xa7: {  	s13 =	sadd.s32 $0x280, s4  }
0xa8: {  	[tilespmem:s22], [sflag:$0x2] =	stream.linear.gather [hbm4b:s13+s28], $0x80, $0x38;
	[tilespmem:$0x1CE00] =	vst v63  }
0xa9: {  	s4 =	sadd.s32 $0x300, s4  }
0xaa: {  	[tilespmem:s23], [sflag:$0x2] =	stream.linear.gather [hbm4b:s4+s28], $0x80, $0x38;
	[tilespmem:$0x1CE00] =	vst v63  }
0xab: {  	_ =	swait.ge [sflag:s24], $0xE00  }
0xac: {  	[sflag:s24] =	ssyncset.done $0x0  }
0xad: {  	[sflag:s24] =	ssyncadd.s32 $0xFFFFF200  }
0xae: {  	_ =	swait.ge [sflag:s24], $0xE00  }
0xaf: {  	[sflag:s24] =	ssyncset.done $0x0  }
0xb0: {  	[sflag:s24] =	ssyncadd.s32 $0xFFFFF200  }
0xb1: {  	_ =	swait.ge [sflag:s24], $0x380  }
0xb2: {  	[sflag:s24] =	ssyncset.done $0x0  }
0xb3: {  	[sflag:s24] =	ssyncadd.s32 $0xFFFFFC80  }
0xb4: {  	_ =	swait.ge [sflag:s24], $0x380  }
0xb5: {  	[sflag:s24] =	ssyncset.done $0x0  }
0xb6: {  	s30 =	simm.s32 $0x0;
	s4 =	sshll.u32 s16, $0x1;
	[sflag:s24] =	ssyncadd.s32 $0xFFFFFC80  }
.LBB2_6:
0xb7: {  	s8 =	sshll.u32 s30, $0x7  }
0xb8: {  	s29 =	sshll.u32 s30, $0x6;
	s9 =	sand.u32 $0x60, s28;
	s8 =	sand.u32 $0xFFFFFE00, s8  }
0xb9: {  	s29 =	sand.u32 $0x3FFFFF00, s29;
	s12 =	sor.u32 s9, s8  }
0xba: {  	s29 =	sadd.s32 $0x1A400, s29;
	v1 =	vld [tilespmem:s12+$0x18800]  }
0xbb: {  	s13 =	sor.u32 s9, s29;
	v3 =	vld [tilespmem:s12+$0x19600]  }
0xbc: {  	v2 =	vld [tilespmem:s13+$0x0]  }
0xbd: {  	v4 =	vld [tilespmem:s13+$0x80];
	_ =	sdelay $0x1  }
0xbe: {  	v5 =	vadd.s32 $0xC400, v1;
	_ =	sdelay $0x1  }
0xbf: {  	v6 =	vmul.f32 v3, v2  }
0xc0: {  	v3 =	vmul.f32 v3, v4  }
0xc1: {  	[tilespmem:v1+s3+$0x0] =	vst.idx.add.f32.msk $0xffff, v6  }
0xc2: {  	[tilespmem:v5+s3+$0x0] =	vst.idx.add.f32.msk $0xffff, v3  }
0xc3: {  	v1 =	vld [tilespmem:s12+$0x18880];
	_ =	sdelay $0x1  }
0xc4: {  	v3 =	vld [tilespmem:s12+$0x19680];
	_ =	sdelay $0x2  }
0xc5: {  	v51 =	vadd.s32 $0xC400, v1;
	_ =	sdelay $0x1  }
0xc6: {  	v52 =	vmul.f32 v3, v2  }
0xc7: {  	v3 =	vmul.f32 v3, v4  }
0xc8: {  	[tilespmem:v1+s3+$0x0] =	vst.idx.add.f32.msk $0xffff, v52  }
0xc9: {  	[tilespmem:v51+s3+$0x0] =	vst.idx.add.f32.msk $0xffff, v3  }
0xca: {  	v1 =	vld [tilespmem:s12+$0x18900];
	_ =	sdelay $0x1  }
0xcb: {  	v3 =	vld [tilespmem:s12+$0x19700];
	_ =	sdelay $0x2  }
0xcc: {  	v53 =	vadd.s32 $0xC400, v1;
	_ =	sdelay $0x1  }
0xcd: {  	v54 =	vmul.f32 v3, v2  }
0xce: {  	v3 =	vmul.f32 v3, v4  }
0xcf: {  	[tilespmem:v1+s3+$0x0] =	vst.idx.add.f32.msk $0xffff, v54  }
0xd0: {  	[tilespmem:v53+s3+$0x0] =	vst.idx.add.f32.msk $0xffff, v3  }
0xd1: {  	v1 =	vld [tilespmem:s12+$0x18980];
	_ =	sdelay $0x1  }
0xd2: {  	v3 =	vld [tilespmem:s12+$0x19780];
	_ =	sdelay $0x2  }
0xd3: {  	v55 =	vadd.s32 $0xC400, v1;
	_ =	sdelay $0x1  }
0xd4: {  	v2 =	vmul.f32 v3, v2  }
0xd5: {  	v3 =	vmul.f32 v3, v4  }
0xd6: {  	s9 =	sor.u32 $0x10, s9;
	[tilespmem:v1+s3+$0x0] =	vst.idx.add.f32.msk $0xffff, v2  }
0xd7: {  	s8 =	sor.u32 s8, s9;
	[tilespmem:v55+s3+$0x0] =	vst.idx.add.f32.msk $0xffff, v3  }
0xd8: {  	s9 =	sor.u32 s9, s29;
	v1 =	vld [tilespmem:s8+$0x18800]  }
0xd9: {  	v2 =	vld [tilespmem:s9+$0x0]  }
0xda: {  	v3 =	vld [tilespmem:s8+$0x19600]  }
0xdb: {  	v56 =	vld [tilespmem:s9+$0x80];
	_ =	sdelay $0x1  }
0xdc: {  	v57 =	vadd.s32 $0xC400, v1;
	_ =	sdelay $0x1  }
0xdd: {  	v58 =	vmul.f32 v3, v2  }
0xde: {  	v3 =	vmul.f32 v3, v56  }
0xdf: {  	[tilespmem:v1+s3+$0x0] =	vst.idx.add.f32.msk $0xffff, v58  }
0xe0: {  	[tilespmem:v57+s3+$0x0] =	vst.idx.add.f32.msk $0xffff, v3  }
0xe1: {  	v1 =	vld [tilespmem:s8+$0x18880];
	_ =	sdelay $0x1  }
0xe2: {  	v3 =	vld [tilespmem:s8+$0x19680];
	_ =	sdelay $0x2  }
0xe3: {  	v59 =	vadd.s32 $0xC400, v1;
	_ =	sdelay $0x1  }
0xe4: {  	v60 =	vmul.f32 v3, v2  }
0xe5: {  	v3 =	vmul.f32 v3, v56  }
0xe6: {  	[tilespmem:v1+s3+$0x0] =	vst.idx.add.f32.msk $0xffff, v60  }
0xe7: {  	[tilespmem:v59+s3+$0x0] =	vst.idx.add.f32.msk $0xffff, v3  }
0xe8: {  	v1 =	vld [tilespmem:s8+$0x18900];
	_ =	sdelay $0x1  }
0xe9: {  	v3 =	vld [tilespmem:s8+$0x19700];
	_ =	sdelay $0x2  }
0xea: {  	v61 =	vadd.s32 $0xC400, v1;
	_ =	sdelay $0x1  }
0xeb: {  	v62 =	vmul.f32 v3, v2  }
0xec: {  	v3 =	vmul.f32 v3, v56  }
0xed: {  	[tilespmem:v1+s3+$0x0] =	vst.idx.add.f32.msk $0xffff, v62  }
0xee: {  	[tilespmem:v61+s3+$0x0] =	vst.idx.add.f32.msk $0xffff, v3  }
0xef: {  	v1 =	vld [tilespmem:s8+$0x18980];
	_ =	sdelay $0x1  }
0xf0: {  	v3 =	vld [tilespmem:s8+$0x19780];
	_ =	sdelay $0x2  }
0xf1: {  	p1 =	sne.s32 s30, $0x1B;
	v63 =	vadd.s32 $0xC400, v1  }
.Ltmp3:
0xf2: {  	_ = 	snop;
	(pc) =	sbr.rel @p1 .LBB2_6-.Ltmp3, $4  }
0xf3: {  	v2 =	vmul.f32 v3, v2  }
0xf4: {  	v3 =	vmul.f32 v3, v56  }
0xf5: {  	[tilespmem:v1+s3+$0x0] =	vst.idx.add.f32.msk $0xffff, v2  }
0xf6: {  	s28 =	sadd.s32 $0x20, s28;
	s30 =	sadd.s32 $0x1, s30;
	[tilespmem:v63+s3+$0x0] =	vst.idx.add.f32.msk $0xffff, v3  }
0xf7: {  	p1 =	seq.s32 s16, $0x1B  }
0xf8: {  	s4 =	sadd.s32 @!p1 $0x2, s4  }
0xf9: {  	s8 =	smul.u32 @!p1 $0xE00, s4;
	_ =	sdelay $0x1  }
0xfa: {  	s8 =	sadd.s32 @!p1 s31, s8  }
0xfb: {  	s12 =	simm.s32 @!p1 $0x0;
	s8 =	sshrl.u32 @!p1 s8, $0x3  }
0xfc: {  	s13 =	simm.s32 @!p1 $0x18800;
	s4 =	smul.u32 @!p1 $0x1C00, s4;
	s9 =	sadd.s32 @!p1 s5, s8  }
0xfd: {  	[tilespmem:s13], [sflag:$0x1] =	stream.linear.gather @!p1 [hbm4b:s9+s12], $0xE00, $0x38;
	[tilespmem:$0x1CE00] =	vst v63  }
0xfe: {  	s4 =	sadd.s32 @!p1 s15, s4;
	s8 =	sadd.s32 @!p1 s6, s8;
	s9 =	simm.s32 @!p1 $0x19600  }
0xff: {  	[tilespmem:s9], [sflag:$0x1] =	stream.linear.gather @!p1 [hbm4b:s8+s12], $0xE00, $0x38;
	[tilespmem:$0x1CE00] =	vst v63  }
0x100: {  	s8 =	sor.u32 @!p1 s26, s4  }
0x101: {  	s8 =	sshrl.u32 @!p1 s8, $0x3  }
0x102: {  	s9 =	simm.s32 @!p1 $0x1A400;
	s8 =	sadd.s32 @!p1 s2, s8  }
0x103: {  	[tilespmem:s9], [sflag:$0x1] =	stream.linear.gather @!p1 [hbm4b:s8+s12], $0x80, $0x38;
	[tilespmem:$0x1CE00] =	vst v63  }
0x104: {  	s13 =	simm.s32 @!p1 $0x1A500;
	s9 =	sadd.s32 @!p1 $0x80, s8  }
0x105: {  	[tilespmem:s13], [sflag:$0x1] =	stream.linear.gather @!p1 [hbm4b:s9+s12], $0x80, $0x38;
	[tilespmem:$0x1CE00] =	vst v63  }
0x106: {  	s9 =	sadd.s32 @!p1 $0x100, s8;
	s13 =	simm.s32 @!p1 $0x1A600  }
0x107: {  	[tilespmem:s13], [sflag:$0x1] =	stream.linear.gather @!p1 [hbm4b:s9+s12], $0x80, $0x38;
	[tilespmem:$0x1CE00] =	vst v63  }
0x108: {  	s9 =	sadd.s32 @!p1 $0x180, s8;
	s13 =	simm.s32 @!p1 $0x1A700  }
0x109: {  	[tilespmem:s13], [sflag:$0x1] =	stream.linear.gather @!p1 [hbm4b:s9+s12], $0x80, $0x38;
	[tilespmem:$0x1CE00] =	vst v63  }
0x10a: {  	s9 =	sadd.s32 @!p1 $0x200, s8;
	s13 =	simm.s32 @!p1 $0x1A800  }
0x10b: {  	[tilespmem:s13], [sflag:$0x1] =	stream.linear.gather @!p1 [hbm4b:s9+s12], $0x80, $0x38;
	[tilespmem:$0x1CE00] =	vst v63  }
0x10c: {  	s4 =	sor.u32 @!p1 s7, s4;
	s9 =	sadd.s32 @!p1 $0x280, s8;
	s13 =	simm.s32 @!p1 $0x1A900  }
0x10d: {  	[tilespmem:s13], [sflag:$0x1] =	stream.linear.gather @!p1 [hbm4b:s9+s12], $0x80, $0x38;
	[tilespmem:$0x1CE00] =	vst v63  }
0x10e: {  	s4 =	sshrl.u32 @!p1 s4, $0x3;
	s8 =	sadd.s32 @!p1 $0x300, s8;
	s9 =	simm.s32 @!p1 $0x1AA00  }
0x10f: {  	[tilespmem:s9], [sflag:$0x1] =	stream.linear.gather @!p1 [hbm4b:s8+s12], $0x80, $0x38;
	[tilespmem:$0x1CE00] =	vst v63  }
0x110: {  	s4 =	sadd.s32 @!p1 s2, s4;
	s8 =	simm.s32 @!p1 $0x1A480  }
0x111: {  	[tilespmem:s8], [sflag:$0x1] =	stream.linear.gather @!p1 [hbm4b:s4+s12], $0x80, $0x38;
	[tilespmem:$0x1CE00] =	vst v63  }
0x112: {  	s9 =	simm.s32 @!p1 $0x1A580;
	s8 =	sadd.s32 @!p1 $0x80, s4  }
0x113: {  	[tilespmem:s9], [sflag:$0x1] =	stream.linear.gather @!p1 [hbm4b:s8+s12], $0x80, $0x38;
	[tilespmem:$0x1CE00] =	vst v63  }
0x114: {  	s8 =	sadd.s32 @!p1 $0x100, s4;
	s9 =	simm.s32 @!p1 $0x1A680  }
0x115: {  	[tilespmem:s9], [sflag:$0x1] =	stream.linear.gather @!p1 [hbm4b:s8+s12], $0x80, $0x38;
	[tilespmem:$0x1CE00] =	vst v63  }
0x116: {  	s8 =	sadd.s32 @!p1 $0x180, s4;
	s9 =	simm.s32 @!p1 $0x1A780  }
0x117: {  	[tilespmem:s9], [sflag:$0x1] =	stream.linear.gather @!p1 [hbm4b:s8+s12], $0x80, $0x38;
	[tilespmem:$0x1CE00] =	vst v63  }
0x118: {  	s8 =	sadd.s32 @!p1 $0x200, s4;
	s9 =	simm.s32 @!p1 $0x1A880  }
0x119: {  	[tilespmem:s9], [sflag:$0x1] =	stream.linear.gather @!p1 [hbm4b:s8+s12], $0x80, $0x38;
	[tilespmem:$0x1CE00] =	vst v63  }
0x11a: {  	s8 =	sadd.s32 @!p1 $0x280, s4;
	s9 =	simm.s32 @!p1 $0x1A980  }
0x11b: {  	[tilespmem:s9], [sflag:$0x1] =	stream.linear.gather @!p1 [hbm4b:s8+s12], $0x80, $0x38;
	[tilespmem:$0x1CE00] =	vst v63  }
0x11c: {  	s4 =	sadd.s32 @!p1 $0x300, s4;
	s8 =	simm.s32 @!p1 $0x1AA80  }
0x11d: {  	[tilespmem:s8], [sflag:$0x1] =	stream.linear.gather @!p1 [hbm4b:s4+s12], $0x80, $0x38;
	[tilespmem:$0x1CE00] =	vst v63  }
0x11e: {  	_ =	swait.ge [sflag:s25], $0xE00  }
0x11f: {  	[sflag:s25] =	ssyncset.done $0x0  }
0x120: {  	[sflag:s25] =	ssyncadd.s32 $0xFFFFF200  }
0x121: {  	_ =	swait.ge [sflag:s25], $0xE00  }
0x122: {  	[sflag:s25] =	ssyncset.done $0x0  }
0x123: {  	[sflag:s25] =	ssyncadd.s32 $0xFFFFF200  }
0x124: {  	_ =	swait.ge [sflag:s25], $0x380  }
0x125: {  	[sflag:s25] =	ssyncset.done $0x0  }
0x126: {  	[sflag:s25] =	ssyncadd.s32 $0xFFFFFC80  }
0x127: {  	_ =	swait.ge [sflag:s25], $0x380  }
0x128: {  	[sflag:s25] =	ssyncset.done $0x0  }
0x129: {  	s28 =	simm.s32 $0x0;
	s4 =	simm.s32 $0x0;
	[sflag:s25] =	ssyncadd.s32 $0xFFFFFC80  }
.LBB2_8:
0x12a: {  	s9 =	sshll.u32 s28, $0x7  }
0x12b: {  	s8 =	sshll.u32 s28, $0x6;
	s12 =	sand.u32 $0x60, s4;
	s9 =	sand.u32 $0xFFFFFE00, s9  }
0x12c: {  	s8 =	sand.u32 $0x3FFFFF00, s8;
	s13 =	sor.u32 s12, s9  }
0x12d: {  	s8 =	sadd.s32 $0x1C700, s8;
	v1 =	vld [tilespmem:s13+$0x1AB00]  }
0x12e: {  	s29 =	sor.u32 s12, s8;
	v3 =	vld [tilespmem:s13+$0x1B900]  }
0x12f: {  	v2 =	vld [tilespmem:s29+$0x0]  }
0x130: {  	v4 =	vld [tilespmem:s29+$0x80];
	_ =	sdelay $0x1  }
0x131: {  	v5 =	vadd.s32 $0xC400, v1;
	_ =	sdelay $0x1  }
0x132: {  	v6 =	vmul.f32 v3, v2  }
0x133: {  	v3 =	vmul.f32 v3, v4  }
0x134: {  	[tilespmem:v1+s3+$0x0] =	vst.idx.add.f32.msk $0xffff, v6  }
0x135: {  	[tilespmem:v5+s3+$0x0] =	vst.idx.add.f32.msk $0xffff, v3  }
0x136: {  	v1 =	vld [tilespmem:s13+$0x1AB80];
	_ =	sdelay $0x1  }
0x137: {  	v3 =	vld [tilespmem:s13+$0x1B980];
	_ =	sdelay $0x2  }
0x138: {  	v51 =	vadd.s32 $0xC400, v1;
	_ =	sdelay $0x1  }
0x139: {  	v52 =	vmul.f32 v3, v2  }
0x13a: {  	v3 =	vmul.f32 v3, v4  }
0x13b: {  	[tilespmem:v1+s3+$0x0] =	vst.idx.add.f32.msk $0xffff, v52  }
0x13c: {  	[tilespmem:v51+s3+$0x0] =	vst.idx.add.f32.msk $0xffff, v3  }
0x13d: {  	v1 =	vld [tilespmem:s13+$0x1AC00];
	_ =	sdelay $0x1  }
0x13e: {  	v3 =	vld [tilespmem:s13+$0x1BA00];
	_ =	sdelay $0x2  }
0x13f: {  	v53 =	vadd.s32 $0xC400, v1;
	_ =	sdelay $0x1  }
0x140: {  	v54 =	vmul.f32 v3, v2  }
0x141: {  	v3 =	vmul.f32 v3, v4  }
0x142: {  	[tilespmem:v1+s3+$0x0] =	vst.idx.add.f32.msk $0xffff, v54  }
0x143: {  	[tilespmem:v53+s3+$0x0] =	vst.idx.add.f32.msk $0xffff, v3  }
0x144: {  	v1 =	vld [tilespmem:s13+$0x1AC80];
	_ =	sdelay $0x1  }
0x145: {  	v3 =	vld [tilespmem:s13+$0x1BA80];
	_ =	sdelay $0x2  }
0x146: {  	v55 =	vadd.s32 $0xC400, v1;
	_ =	sdelay $0x1  }
0x147: {  	v2 =	vmul.f32 v3, v2  }
0x148: {  	v3 =	vmul.f32 v3, v4  }
0x149: {  	s12 =	sor.u32 $0x10, s12;
	[tilespmem:v1+s3+$0x0] =	vst.idx.add.f32.msk $0xffff, v2  }
0x14a: {  	s9 =	sor.u32 s9, s12;
	[tilespmem:v55+s3+$0x0] =	vst.idx.add.f32.msk $0xffff, v3  }
0x14b: {  	s8 =	sor.u32 s12, s8;
	v1 =	vld [tilespmem:s9+$0x1AB00]  }
0x14c: {  	v2 =	vld [tilespmem:s8+$0x0]  }
0x14d: {  	v3 =	vld [tilespmem:s9+$0x1B900]  }
0x14e: {  	v56 =	vld [tilespmem:s8+$0x80];
	_ =	sdelay $0x1  }
0x14f: {  	v57 =	vadd.s32 $0xC400, v1;
	_ =	sdelay $0x1  }
0x150: {  	v58 =	vmul.f32 v3, v2  }
0x151: {  	v3 =	vmul.f32 v3, v56  }
0x152: {  	[tilespmem:v1+s3+$0x0] =	vst.idx.add.f32.msk $0xffff, v58  }
0x153: {  	[tilespmem:v57+s3+$0x0] =	vst.idx.add.f32.msk $0xffff, v3  }
0x154: {  	v1 =	vld [tilespmem:s9+$0x1AB80];
	_ =	sdelay $0x1  }
0x155: {  	v3 =	vld [tilespmem:s9+$0x1B980];
	_ =	sdelay $0x2  }
0x156: {  	v59 =	vadd.s32 $0xC400, v1;
	_ =	sdelay $0x1  }
0x157: {  	v60 =	vmul.f32 v3, v2  }
0x158: {  	v3 =	vmul.f32 v3, v56  }
0x159: {  	[tilespmem:v1+s3+$0x0] =	vst.idx.add.f32.msk $0xffff, v60  }
0x15a: {  	[tilespmem:v59+s3+$0x0] =	vst.idx.add.f32.msk $0xffff, v3  }
0x15b: {  	v1 =	vld [tilespmem:s9+$0x1AC00];
	_ =	sdelay $0x1  }
0x15c: {  	v3 =	vld [tilespmem:s9+$0x1BA00];
	_ =	sdelay $0x2  }
0x15d: {  	v61 =	vadd.s32 $0xC400, v1;
	_ =	sdelay $0x1  }
0x15e: {  	v62 =	vmul.f32 v3, v2  }
0x15f: {  	v3 =	vmul.f32 v3, v56  }
0x160: {  	[tilespmem:v1+s3+$0x0] =	vst.idx.add.f32.msk $0xffff, v62  }
0x161: {  	[tilespmem:v61+s3+$0x0] =	vst.idx.add.f32.msk $0xffff, v3  }
0x162: {  	v1 =	vld [tilespmem:s9+$0x1AC80];
	_ =	sdelay $0x1  }
0x163: {  	v3 =	vld [tilespmem:s9+$0x1BA80];
	_ =	sdelay $0x2  }
0x164: {  	p1 =	sne.s32 s28, $0x1B;
	v63 =	vadd.s32 $0xC400, v1  }
.Ltmp4:
0x165: {  	_ = 	snop;
	(pc) =	sbr.rel @p1 .LBB2_8-.Ltmp4, $4  }
0x166: {  	v2 =	vmul.f32 v3, v2  }
0x167: {  	v3 =	vmul.f32 v3, v56  }
0x168: {  	[tilespmem:v1+s3+$0x0] =	vst.idx.add.f32.msk $0xffff, v2  }
0x169: {  	s4 =	sadd.s32 $0x20, s4;
	s28 =	sadd.s32 $0x1, s28;
	[tilespmem:v63+s3+$0x0] =	vst.idx.add.f32.msk $0xffff, v3  }
0x16a: {  	s16 =	sadd.s32 $0x1, s16  }
0x16b: {  	p1 =	sne.s32 s16, $0x1C  }
.Ltmp5:
0x16c: {  	_ = 	snop;
	(pc) =	sbr.rel @p1 .LBB2_5-.Ltmp5, $1  }
0x16d: {  	_ =	sdelay $0x3  }
0x16e: {  	s4 =	rddreg [dreg:$0xe]  }
0x16f: {  	s4 =	smul.u32 $0x4FA000, s4  }
0x170: {  	s8 =	rddreg [dreg:$0xf]  }
0x171: {  	s4 =	sadd.s32 s4, s8  }
0x172: {  	s8 =	sor.u32 s26, s4  }
0x173: {  	s9 =	rddreg [dreg:$0x4];
	s12 =	simm.s32 $0x80;
	s8 =	sshrl.u32 s8, $0x3  }
0x174: {  	s13 =	simm.s32 $0x400;
	s29 =	simm.s32 $0x3;
	s8 =	sadd.s32 s9, s8  }
0x175: {  	[hbm4b:s8+s12] =	stream.strided.scatter [tilespmem:s3], [sflag:$0x3], $0xC400, s13, s12, $0x38;
	[tilespmem:$0x1CE00] =	vst v63  }
0x176: {  	s4 =	sor.u32 s7, s4;
	_ =	swait.ge [sflag:s29], $0xC400  }
0x177: {  	s4 =	sshrl.u32 s4, $0x3;
	[sflag:s29] =	ssyncset.done $0x0  }
0x178: {  	s30 =	simm.s32 $0xC400;
	s4 =	sadd.s32 s9, s4;
	[sflag:s29] =	ssyncadd.s32 $0xFFFF3C00  }
0x179: {  	[hbm4b:s4+s12] =	stream.strided.scatter [tilespmem:s30], [sflag:$0x3], $0xC400, s13, s12, $0x38;
	[tilespmem:$0x1CE00] =	vst v63  }
0x17a: {  	_ =	swait.ge [sflag:s29], $0xC400  }
0x17b: {  	s31 =	rddreg [dreg:$0xd]  }
0x17c: {  	s4 =	sadd.s32 $0x1, s31  }
0x17d: {  	p1 =	sne.s32 s4, $0x6  }
.Ltmp6:
0x17e: {  	_ = 	snop;
	(pc) =	sbr.rel @p1 .LBB2_2-.Ltmp6, $3  }
0x17f: {  	_ =	sdelay $0x1  }
0x180: {  	[sflag:s29] =	ssyncset.done $0x0  }
0x181: {  	[sflag:s29] =	ssyncadd.s32 $0xFFFF3C00  }
.Ltmp7:
0x182: {  	(pc) =	sbr.rel @p0 .LBB2_21-.Ltmp7, $4  }
0x183: {  	_ = 	snop  }
0x184: {  	s13 =	rddreg [dreg:$0x7]  }
0x185: {  	s28 =	rddreg [dreg:$0x8]  }
0x186: {  	s7 =	rddreg [dreg:$0xc]  }
0x187: {  	s7 =	rddreg [dreg:$0x5]  }
0x188: {  	s4 =	simm.s32 $0x0;
	s8 =	simm.s32 $0x18800;
	s30 =	rddreg [dreg:$0x6]  }
0x189: {  	[tilespmem:s8], [sflag:$0x1] =	stream.linear.gather [hbm4b:s7+s4], $0xE00, $0x38;
	[tilespmem:$0x1CE00] =	vst v63  }
0x18a: {  	s31 =	simm.s32 $0x19600;
	s15 =	simm.s32 $0x800;
	s7 =	simm.s32 $0x0  }
0x18b: {  	[tilespmem:s31], [sflag:$0x1] =	stream.linear.gather [hbm4b:s30+s4], $0xE00, $0x38;
	[tilespmem:$0x1CE00] =	vst v63  }
.LBB2_13:
0x18c: {  	p1 =	sne.s32 s15, $0x61800;
	[tilespmem:s7+$0x1F0] =	vst v0  }
0x18d: {  	[tilespmem:s7+$0x0] =	vst v0  }
0x18e: {  	[tilespmem:s7+$0x10] =	vst v0  }
0x18f: {  	[tilespmem:s7+$0x20] =	vst v0  }
0x190: {  	[tilespmem:s7+$0x30] =	vst v0  }
0x191: {  	[tilespmem:s7+$0x40] =	vst v0  }
0x192: {  	[tilespmem:s7+$0x50] =	vst v0  }
0x193: {  	[tilespmem:s7+$0x60] =	vst v0  }
0x194: {  	[tilespmem:s7+$0x70] =	vst v0  }
0x195: {  	[tilespmem:s7+$0x80] =	vst v0  }
0x196: {  	[tilespmem:s7+$0x90] =	vst v0  }
0x197: {  	[tilespmem:s7+$0xA0] =	vst v0  }
0x198: {  	[tilespmem:s7+$0xB0] =	vst v0  }
0x199: {  	[tilespmem:s7+$0xC0] =	vst v0  }
0x19a: {  	[tilespmem:s7+$0xD0] =	vst v0  }
0x19b: {  	[tilespmem:s7+$0xE0] =	vst v0  }
0x19c: {  	[tilespmem:s7+$0xF0] =	vst v0  }
0x19d: {  	[tilespmem:s7+$0x100] =	vst v0  }
0x19e: {  	[tilespmem:s7+$0x110] =	vst v0  }
0x19f: {  	[tilespmem:s7+$0x120] =	vst v0  }
0x1a0: {  	[tilespmem:s7+$0x130] =	vst v0  }
0x1a1: {  	[tilespmem:s7+$0x140] =	vst v0  }
0x1a2: {  	[tilespmem:s7+$0x150] =	vst v0  }
0x1a3: {  	[tilespmem:s7+$0x160] =	vst v0  }
0x1a4: {  	[tilespmem:s7+$0x170] =	vst v0  }
0x1a5: {  	[tilespmem:s7+$0x180] =	vst v0  }
0x1a6: {  	[tilespmem:s7+$0x190] =	vst v0  }
.Ltmp8:
0x1a7: {  	[tilespmem:s7+$0x1A0] =	vst v0;
	(pc) =	sbr.rel @p1 .LBB2_13-.Ltmp8, $4  }
0x1a8: {  	[tilespmem:s7+$0x1B0] =	vst v0  }
0x1a9: {  	[tilespmem:s7+$0x1C0] =	vst v0  }
0x1aa: {  	[tilespmem:s7+$0x1D0] =	vst v0  }
0x1ab: {  	[tilespmem:s7+$0x1E0] =	vst v0;
	s7 =	sshra.s32 s15, $0x2;
	s15 =	sadd.s32 $0x800, s15  }
0x1ac: {  	[tilespmem:s7+$0x1F0] =	vst v0  }
0x1ad: {  	[tilespmem:s7+$0x0] =	vst v0  }
0x1ae: {  	[tilespmem:s7+$0x10] =	vst v0  }
0x1af: {  	[tilespmem:s7+$0x20] =	vst v0  }
0x1b0: {  	[tilespmem:s7+$0x30] =	vst v0  }
0x1b1: {  	[tilespmem:s7+$0x40] =	vst v0  }
0x1b2: {  	[tilespmem:s7+$0x50] =	vst v0  }
0x1b3: {  	[tilespmem:s7+$0x60] =	vst v0  }
0x1b4: {  	[tilespmem:s7+$0x70] =	vst v0  }
0x1b5: {  	[tilespmem:s7+$0x80] =	vst v0  }
0x1b6: {  	[tilespmem:s7+$0x90] =	vst v0  }
0x1b7: {  	[tilespmem:s7+$0xA0] =	vst v0  }
0x1b8: {  	[tilespmem:s7+$0xB0] =	vst v0  }
0x1b9: {  	[tilespmem:s7+$0xC0] =	vst v0  }
0x1ba: {  	[tilespmem:s7+$0xD0] =	vst v0  }
0x1bb: {  	[tilespmem:s7+$0xE0] =	vst v0  }
0x1bc: {  	[tilespmem:s7+$0xF0] =	vst v0  }
0x1bd: {  	[tilespmem:s7+$0x100] =	vst v0  }
0x1be: {  	[tilespmem:s7+$0x110] =	vst v0  }
0x1bf: {  	[tilespmem:s7+$0x120] =	vst v0  }
0x1c0: {  	[tilespmem:s7+$0x130] =	vst v0  }
0x1c1: {  	[tilespmem:s7+$0x140] =	vst v0  }
0x1c2: {  	[tilespmem:s7+$0x150] =	vst v0  }
0x1c3: {  	[tilespmem:s7+$0x160] =	vst v0  }
0x1c4: {  	[tilespmem:s7+$0x170] =	vst v0  }
0x1c5: {  	[tilespmem:s7+$0x180] =	vst v0  }
0x1c6: {  	[tilespmem:s7+$0x190] =	vst v0  }
0x1c7: {  	[tilespmem:s7+$0x1A0] =	vst v0  }
0x1c8: {  	[tilespmem:s7+$0x1B0] =	vst v0  }
0x1c9: {  	[tilespmem:s7+$0x1C0] =	vst v0  }
0x1ca: {  	[tilespmem:s7+$0x1D0] =	vst v0  }
0x1cb: {  	[tilespmem:s7+$0x1E0] =	vst v0  }
.LBB2_15:
0x1cc: {  	s7 =	smul.u32 $0x1C00, s4;
	_ =	sdelay $0x1  }
0x1cd: {  	s8 =	sadd.s32 s7, s13  }
0x1ce: {  	s8 =	sshrl.u32 s8, $0x3  }
0x1cf: {  	s15 =	simm.s32 $0x0;
	s9 =	sadd.s32 s5, s8  }
0x1d0: {  	[tilespmem:s1], [sflag:$0x2] =	stream.linear.gather [hbm4b:s9+s15], $0xE00, $0x38;
	[tilespmem:$0x1CE00] =	vst v63  }
0x1d1: {  	s8 =	sadd.s32 s6, s8  }
0x1d2: {  	[tilespmem:s0], [sflag:$0x2] =	stream.linear.gather [hbm4b:s8+s15], $0xE00, $0x38;
	[tilespmem:$0x1CE00] =	vst v63  }
0x1d3: {  	_ =	swait.ge [sflag:s24], $0xE00  }
0x1d4: {  	[sflag:s24] =	ssyncset.done $0x0  }
0x1d5: {  	[sflag:s24] =	ssyncadd.s32 $0xFFFFF200  }
0x1d6: {  	_ =	swait.ge [sflag:s24], $0xE00  }
0x1d7: {  	[sflag:s24] =	ssyncset.done $0x0  }
0x1d8: {  	s16 =	simm.s32 $0x0;
	s26 =	simm.s32 $0x0;
	[sflag:s24] =	ssyncadd.s32 $0xFFFFF200  }
.LBB2_16:
0x1d9: {  	s8 =	sand.u32 $0x60, s26;
	s9 =	sand.u32 $0xE00, s16  }
0x1da: {  	s8 =	sor.u32 s8, s9  }
0x1db: {  	v1 =	vld [tilespmem:s8+$0x18800];
	_ =	sdelay $0x2  }
0x1dc: {  	v2 =	vld [tilespmem:s8+$0x19600];
	_ =	sdelay $0x4  }
0x1dd: {  	[tilespmem:v1+s3+$0x0] =	vst.idx.add.f32.msk $0xffff, v2  }
0x1de: {  	v1 =	vld [tilespmem:s8+$0x18880];
	_ =	sdelay $0x2  }
0x1df: {  	v2 =	vld [tilespmem:s8+$0x19680];
	_ =	sdelay $0x4  }
0x1e0: {  	[tilespmem:v1+s3+$0x0] =	vst.idx.add.f32.msk $0xffff, v2  }
0x1e1: {  	v1 =	vld [tilespmem:s8+$0x18900];
	_ =	sdelay $0x2  }
0x1e2: {  	v2 =	vld [tilespmem:s8+$0x19700];
	_ =	sdelay $0x1  }
0x1e3: {  	s30 =	sand.u32 $0x3, s15  }
0x1e4: {  	s9 =	sshll.u32 s30, $0x5  }
0x1e5: {  	s9 =	sadd.s32 s9, s16  }
0x1e6: {  	s12 =	sor.u32 $0x180, s9;
	[tilespmem:v1+s3+$0x0] =	vst.idx.add.f32.msk $0xffff, v2  }
0x1e7: {  	v1 =	vld [tilespmem:s12+$0x18800];
	_ =	sdelay $0x2  }
0x1e8: {  	v2 =	vld [tilespmem:s12+$0x19600];
	_ =	sdelay $0x4  }
0x1e9: {  	[tilespmem:v1+s3+$0x0] =	vst.idx.add.f32.msk $0xffff, v2  }
0x1ea: {  	v1 =	vld [tilespmem:s8+$0x18810];
	_ =	sdelay $0x2  }
0x1eb: {  	v2 =	vld [tilespmem:s8+$0x19610];
	_ =	sdelay $0x4  }
0x1ec: {  	[tilespmem:v1+s3+$0x0] =	vst.idx.add.f32.msk $0xffff, v2  }
0x1ed: {  	v1 =	vld [tilespmem:s8+$0x18890];
	_ =	sdelay $0x2  }
0x1ee: {  	v2 =	vld [tilespmem:s8+$0x19690];
	_ =	sdelay $0x4  }
0x1ef: {  	[tilespmem:v1+s3+$0x0] =	vst.idx.add.f32.msk $0xffff, v2  }
0x1f0: {  	v1 =	vld [tilespmem:s8+$0x18910];
	_ =	sdelay $0x2  }
0x1f1: {  	v2 =	vld [tilespmem:s8+$0x19710];
	_ =	sdelay $0x3  }
0x1f2: {  	s31 =	sadd.s32 $0x10, s9  }
0x1f3: {  	s8 =	sor.u32 $0x180, s31;
	[tilespmem:v1+s3+$0x0] =	vst.idx.add.f32.msk $0xffff, v2  }
0x1f4: {  	v1 =	vld [tilespmem:s8+$0x18800];
	_ =	sdelay $0x2  }
0x1f5: {  	p1 =	sne.s32 s26, $0x360;
	v2 =	vld [tilespmem:s8+$0x19600]  }
.Ltmp9:
0x1f6: {  	_ = 	snop;
	(pc) =	sbr.rel @p1 .LBB2_16-.Ltmp9, $2  }
0x1f7: {  	_ =	sdelay $0x2  }
0x1f8: {  	s15 =	sadd.s32 $0x1, s15;
	s26 =	sadd.s32 $0x20, s26;
	s16 =	sadd.s32 $0x80, s16;
	[tilespmem:v1+s3+$0x0] =	vst.idx.add.f32.msk $0xffff, v2  }
0x1f9: {  	p1 =	seq.s32 s4, $0x1B  }
0x1fa: {  	s7 =	sadd.s32 @!p1 s7, s28  }
0x1fb: {  	s7 =	sshrl.u32 @!p1 s7, $0x3  }
0x1fc: {  	s9 =	simm.s32 @!p1 $0x0;
	s12 =	simm.s32 @!p1 $0x18800;
	s8 =	sadd.s32 @!p1 s5, s7  }
0x1fd: {  	[tilespmem:s12], [sflag:$0x1] =	stream.linear.gather @!p1 [hbm4b:s8+s9], $0xE00, $0x38;
	[tilespmem:$0x1CE00] =	vst v63  }
0x1fe: {  	s7 =	sadd.s32 @!p1 s6, s7;
	s8 =	simm.s32 @!p1 $0x19600  }
0x1ff: {  	[tilespmem:s8], [sflag:$0x1] =	stream.linear.gather @!p1 [hbm4b:s7+s9], $0xE00, $0x38;
	[tilespmem:$0x1CE00] =	vst v63  }
0x200: {  	_ =	swait.ge [sflag:s25], $0xE00  }
0x201: {  	[sflag:s25] =	ssyncset.done $0x0  }
0x202: {  	[sflag:s25] =	ssyncadd.s32 $0xFFFFF200  }
0x203: {  	_ =	swait.ge [sflag:s25], $0xE00  }
0x204: {  	s15 =	simm.s32 $0x0;
	[sflag:s25] =	ssyncset.done $0x0  }
0x205: {  	s16 =	simm.s32 $0x0;
	s7 =	simm.s32 $0x0;
	[sflag:s25] =	ssyncadd.s32 $0xFFFFF200  }
.LBB2_18:
0x206: {  	s8 =	sand.u32 $0x60, s16;
	s9 =	sand.u32 $0xE00, s15  }
0x207: {  	s8 =	sor.u32 s8, s9  }
0x208: {  	v1 =	vld [tilespmem:s8+$0x1AB00];
	_ =	sdelay $0x2  }
0x209: {  	v2 =	vld [tilespmem:s8+$0x1B900];
	_ =	sdelay $0x4  }
0x20a: {  	[tilespmem:v1+s3+$0x0] =	vst.idx.add.f32.msk $0xffff, v2  }
0x20b: {  	v1 =	vld [tilespmem:s8+$0x1AB80];
	_ =	sdelay $0x2  }
0x20c: {  	v2 =	vld [tilespmem:s8+$0x1B980];
	_ =	sdelay $0x4  }
0x20d: {  	[tilespmem:v1+s3+$0x0] =	vst.idx.add.f32.msk $0xffff, v2  }
0x20e: {  	v1 =	vld [tilespmem:s8+$0x1AC00];
	_ =	sdelay $0x2  }
0x20f: {  	v2 =	vld [tilespmem:s8+$0x1BA00];
	_ =	sdelay $0x1  }
0x210: {  	s30 =	sand.u32 $0x3, s7  }
0x211: {  	s9 =	sshll.u32 s30, $0x5  }
0x212: {  	s9 =	sadd.s32 s9, s15  }
0x213: {  	s12 =	sor.u32 $0x180, s9;
	[tilespmem:v1+s3+$0x0] =	vst.idx.add.f32.msk $0xffff, v2  }
0x214: {  	v1 =	vld [tilespmem:s12+$0x1AB00];
	_ =	sdelay $0x2  }
0x215: {  	v2 =	vld [tilespmem:s12+$0x1B900];
	_ =	sdelay $0x4  }
0x216: {  	[tilespmem:v1+s3+$0x0] =	vst.idx.add.f32.msk $0xffff, v2  }
0x217: {  	v1 =	vld [tilespmem:s8+$0x1AB10];
	_ =	sdelay $0x2  }
0x218: {  	v2 =	vld [tilespmem:s8+$0x1B910];
	_ =	sdelay $0x4  }
0x219: {  	[tilespmem:v1+s3+$0x0] =	vst.idx.add.f32.msk $0xffff, v2  }
0x21a: {  	v1 =	vld [tilespmem:s8+$0x1AB90];
	_ =	sdelay $0x2  }
0x21b: {  	v2 =	vld [tilespmem:s8+$0x1B990];
	_ =	sdelay $0x4  }
0x21c: {  	[tilespmem:v1+s3+$0x0] =	vst.idx.add.f32.msk $0xffff, v2  }
0x21d: {  	v1 =	vld [tilespmem:s8+$0x1AC10];
	_ =	sdelay $0x2  }
0x21e: {  	v2 =	vld [tilespmem:s8+$0x1BA10];
	_ =	sdelay $0x3  }
0x21f: {  	s31 =	sadd.s32 $0x10, s9  }
0x220: {  	s8 =	sor.u32 $0x180, s31;
	[tilespmem:v1+s3+$0x0] =	vst.idx.add.f32.msk $0xffff, v2  }
0x221: {  	v1 =	vld [tilespmem:s8+$0x1AB00];
	_ =	sdelay $0x2  }
0x222: {  	p1 =	sne.s32 s16, $0x360;
	v2 =	vld [tilespmem:s8+$0x1B900]  }
.Ltmp10:
0x223: {  	_ = 	snop;
	(pc) =	sbr.rel @p1 .LBB2_18-.Ltmp10, $2  }
0x224: {  	_ =	sdelay $0x2  }
0x225: {  	s7 =	sadd.s32 $0x1, s7;
	s16 =	sadd.s32 $0x20, s16;
	s15 =	sadd.s32 $0x80, s15;
	[tilespmem:v1+s3+$0x0] =	vst.idx.add.f32.msk $0xffff, v2  }
0x226: {  	s4 =	sadd.s32 $0x1, s4  }
0x227: {  	p1 =	sne.s32 s4, $0x1C  }
.Ltmp11:
0x228: {  	_ = 	snop;
	(pc) =	sbr.rel @p1 .LBB2_15-.Ltmp11, $1  }
0x229: {  	_ =	sdelay $0x3  }
0x22a: {  	s4 =	rddreg [dreg:$0x9]  }
0x22b: {  	s7 =	simm.s32 $0x80;
	s8 =	simm.s32 $0x400;
	s9 =	simm.s32 $0x3  }
0x22c: {  	[hbm4b:s4+s7] =	stream.strided.scatter [tilespmem:s3], [sflag:$0x3], $0xC400, s8, s7, $0x38;
	[tilespmem:$0x1CE00] =	vst v63  }
0x22d: {  	_ =	swait.ge [sflag:s9], $0xC400  }
0x22e: {  	s12 =	simm.s32 $0xC400;
	[sflag:s9] =	ssyncset.done $0x0  }
.Ltmp12:
0x22f: {  	s31 =	rddreg [dreg:$0xa];
	[sflag:s9] =	ssyncadd.s32 $0xFFFF3C00;
	(pc) =	sbr.rel .LBB2_21-.Ltmp12, $4  }
0x230: {  	[hbm4b:s31+s7] =	stream.strided.scatter [tilespmem:s12], [sflag:$0x3], $0xC400, s8, s7, $0x38;
	[tilespmem:$0x1CE00] =	vst v63  }
0x231: {  	_ =	swait.ge [sflag:s9], $0xC400  }
0x232: {  	[sflag:s9] =	ssyncset.done $0x0  }
0x233: {  	s7 =	rddreg [dreg:$0xc];
	[sflag:s9] =	ssyncadd.s32 $0xFFFF3C00  }
.LBB2_22:
0x234: {  	_ =	sfence.sel $0x180000  }
0x235: {  	[bflag:$0x0] =	sbarrier.arrive $0xFFFF  }
0x236: {  	_ =	strace $0x90000047  }
0x237: {  	s0 =	stileid.u32;
	[bflag:$0x2] =	sbarrier.arrive $0xFFFF  }
0x238: {  	p0 =	sne.s32 s0, $0x0;
	s0 =	rddreg [dreg:$0x2]  }
0x239: {  	s0 =	sadd.s32 @!p0 $0x100000, s0  }
0x23a: {  	[sflag:s0] =	ssyncadd.tile.s32 @!p0 $0x1;
	_ =	shalt  }
.Lfunc_end2:
_tile_overlayer_lowered:
.L_overlay_start_2:
0x23b: {  	(tag) =	ssettag $0x2  }
0x23c: {  	s0 =	rddreg [dreg:$0x0];
	s2 =	stileid.u32  }
0x23d: {  	s1 =	rddreg [dreg:$0x1];
	p0 =	sne.s32 s2, $0x0  }
0x23e: {  	s3 =	rddreg [dreg:$0x2];
	[bflag:$0x3] =	sbarrier.arrive $0xFFFF;
	s2 =	simm.s32 @!p0 $0x1C03  }
0x23f: {  	[timem:s3], [sflag:s2] =	dma.local @!p0 [hbm:s0], s1  }
0x240: {  	s0 =	simm.s32 @!p0 $0x3  }
0x241: {  	_ =	swait.ge @!p0 [sflag:s0], s1  }
0x242: {  	s1 =	ssub.s32 @!p0 $0x0, s1;
	[sflag:s0] =	ssyncset.done @!p0 $0x0  }
0x243: {  	[sflag:s0] =	ssyncadd.s32 @!p0 s1  }
0x244: {  	[bflag:$0x3] =	sbarrier.arrive $0xFFFF  }
0x245: {  	_ =	shalt  }

</sc_bundles>
